<compile_context>
chip_gen: v7x
topology: tpu7x:2x2x1
jax: 0.10.2.dev20260603
libtpu: 0.0.44.dev20260713+nightly
codegen_flags: <defaults>
</compile_context>

<pallas_src>
import functools

import jax
import jax.numpy as jnp
from jax import lax
from jax.experimental import pallas as pl
from jax.experimental.pallas import tpu as pltpu
from jax.experimental.pallas import tpu_sc as plsc

EMBED = 32
NC, NS = 2, 16
NW = NC * NS
BW = 128
BWP = BW + 1
K = 2
KG = 8
L = 16


def _format_sc(tableT, tail16):
    E, V = tableT.shape
    n_full = V // BW
    SW = 4
    n_sup = n_full // SW
    slots = 62
    mesh = plsc.VectorSubcoreMesh(core_axis_name="c", subcore_axis_name="s")

    @functools.partial(
        pl.kernel,
        out_type=jax.ShapeDtypeStruct((V * E // BW, BW), jnp.float32),
        mesh=mesh,
        compiler_params=pltpu.CompilerParams(
            use_tc_tiling_on_sc=True, needs_layout_passes=False),
        scratch_types=(
            [pltpu.VMEM((E, SW * BW), jnp.float32) for _ in range(K)]
            + [pltpu.VMEM((SW * BW * (E + 1),), jnp.float32) for _ in range(K)]
            + [pltpu.VMEM((SW * E, BW), jnp.float32) for _ in range(K)]
            + [pltpu.SemaphoreType.DMA for _ in range(2 * K)]
        ),
    )
    def k(tableT_hbm, tail_hbm, out_hbm, *scr):
        sbufs = scr[:K]
        dbvs = scr[K:2 * K]
        dbrs = scr[2 * K:3 * K]
        gsem = scr[3 * K:4 * K]
        wsem = scr[4 * K:]
        wid = lax.axis_index("s") * NC + lax.axis_index("c")
        lanes = lax.iota(jnp.int32, L)
        i33 = lanes * (E + 1)

        def s_of(j):
            return j * NW + wid

        def in_bounds(j):
            return s_of(j) < n_sup

        def fire_in(b, j):
            def _():
                pltpu.async_copy(
                    tableT_hbm.at[:, pl.ds(s_of(j) * SW * BW, SW * BW)],
                    sbufs[b], gsem[b])
            pl.when(in_bounds(j))(_)

        def wait_in(b, j):
            def _():
                pltpu.make_async_copy(
                    tableT_hbm.at[:, pl.ds(0, SW * BW)],
                    sbufs[b], gsem[b]).wait()
            pl.when(in_bounds(j))(_)

        def drain_out(b, j):
            def _():
                pltpu.make_async_copy(
                    dbrs[b], out_hbm.at[pl.ds(0, SW * E)], wsem[b]).wait()
            pl.when(in_bounds(j))(_)

        def transpose(b):
            @plsc.parallel_loop(0, E, unroll=8)
            def _(e):
                for kk in range(SW):
                    for v0 in range(0, BW, L):
                        vec = sbufs[b][e, pl.ds(kk * BW + v0, L)]
                        plsc.store_scatter(
                            dbvs[b],
                            [i33 + (kk * BW * (E + 1) + v0 * (E + 1) + e)],
                            vec)
            @plsc.parallel_loop(0, SW * E, unroll=8)
            def _(r):
                kk = r // E
                rr = r - kk * E
                base = kk * BW * (E + 1)
                for sv in range(4):
                    for h in range(2):
                        vec = plsc.load_gather(
                            dbvs[b],
                            [lanes + (base + (4 * rr + sv) * (E + 1) + h * L)])
                        dbrs[b][r, pl.ds(sv * E + h * L, L)] = vec

        @pl.when(wid == 0)
        def _():
            pltpu.sync_copy(tail_hbm, sbufs[0].at[pl.ds(0, 16), pl.ds(0, BW)])
            pltpu.sync_copy(
                sbufs[0].at[pl.ds(0, 16), pl.ds(0, BW)],
                out_hbm.at[pl.ds(n_full * BW * E // BW, 16)])

        for b in range(K):
            fire_in(b, b)

        def body(i, carry):
            for b in range(K):
                j = 2 * i + b
                wait_in(b, j)
                pl.when(jnp.logical_and(j >= 2, in_bounds(j - 2)))(
                    lambda b=b: pltpu.make_async_copy(
                        dbrs[b], out_hbm.at[pl.ds(0, SW * E)], wsem[b]).wait())

                def work(b=b, j=j):
                    transpose(b)
                    pltpu.async_copy(
                        dbrs[b],
                        out_hbm.at[pl.ds(s_of(j) * SW * E, SW * E)], wsem[b])
                pl.when(in_bounds(j))(work)
                fire_in(b, j + 2)
            return carry

        lax.fori_loop(0, slots // 2, body, 0)
        for b in range(K):
            drain_out(b, slots - 2 + b)

    return k(tableT, tail16)


@jax.jit
def _gather_sc(xT, table):
    length, batch = xT.shape
    assert batch == NW * BW
    n_iters = length // KG
    assert length % KG == 0
    mesh = plsc.VectorSubcoreMesh(core_axis_name="c", subcore_axis_name="s")

    @functools.partial(
        pl.kernel,
        out_type=jax.ShapeDtypeStruct(
            (length, EMBED // 8, NW, 8, BW), jnp.float32),
        mesh=mesh,
        compiler_params=pltpu.CompilerParams(
            use_tc_tiling_on_sc=False, needs_layout_passes=False),
        scratch_types=(
            [pltpu.VMEM((length, BW), jnp.int32)]
            + [pltpu.VMEM((BW, EMBED), jnp.float32) for _ in range(KG)]
            + [pltpu.VMEM((EMBED // 8, 8, BWP), jnp.float32) for _ in range(KG)]
            + [pltpu.SemaphoreType.DMA for _ in range(2 * KG)]
        ),
    )
    def k(xT_hbm, table_hbm, out_hbm, idx_v, *bufs_sems):
        bufs = bufs_sems[:KG]
        tbufs = bufs_sems[KG:2 * KG]
        gsem = bufs_sems[2 * KG:3 * KG]
        wsem = bufs_sems[3 * KG:]
        wid = lax.axis_index("s") * NC + lax.axis_index("c")
        b0 = wid * BW
        pltpu.sync_copy(xT_hbm.at[:, pl.ds(b0, BW)], idx_v)

        lanes = lax.iota(jnp.int32, L)
        ebs = [(lanes + e0) // 8 for e0 in (0, L)]
        ess = [(lanes + e0) % 8 for e0 in (0, L)]

        def tbuf_window(b):
            return tbufs[b].at[:, :, pl.ds(0, BW)]

        def fire_gather(b, t):
            return pltpu.async_copy(
                table_hbm.at[idx_v.at[t]], bufs[b], gsem[b])

        for b in range(KG):
            fire_gather(b, b)

        def body(i, carry):
            for b in range(KG):
                t = i * KG + b
                pltpu.make_async_copy(
                    table_hbm.at[idx_v.at[0]], bufs[b], gsem[b]).wait()

                def drain_tbuf(b=b):
                    pltpu.make_async_copy(
                        tbuf_window(b), out_hbm.at[0, :, wid], wsem[b]).wait()
                pl.when(i != 0)(drain_tbuf)
                @plsc.parallel_loop(0, BW, unroll=8)
                def _(v):
                    vcol = jnp.full((L,), v, jnp.int32)
                    for h in range(2):
                        vec = bufs[b][v, pl.ds(h * L, L)]
                        plsc.store_scatter(
                            tbufs[b], [ebs[h], ess[h], vcol], vec)
                pltpu.async_copy(
                    tbuf_window(b), out_hbm.at[t, :, wid], wsem[b])

                @pl.when(t + KG < length)
                def _():
                    fire_gather(b, t + KG)
            return carry

        lax.fori_loop(0, n_iters, body, 0)
        for b in range(KG):
            pltpu.make_async_copy(
                tbuf_window(b), out_hbm.at[0, :, wid], wsem[b]).wait()

    return k(xT, table)


@jax.jit
def _impl(x, idx2vec):
    batch, length = x.shape
    vocab = idx2vec.shape[0]
    tail16 = idx2vec[(vocab // BW) * BW:].reshape(-1, BW)
    scratch = _format_sc(idx2vec.T, tail16)
    out5 = _gather_sc(x.T, scratch.reshape(vocab, EMBED))
    return out5.transpose(2, 4, 0, 1, 3).reshape(batch, length, EMBED)


def kernel(x, idx2vec):
    return _impl(x, idx2vec)

# --- scband reference (transcript-rebuilt; emitter-appended) ---
"""Pipeline reference for scband-token-embedding-25194278158588 (READ-ONLY COPY).

The authoritative reference and input builder live on the scoring server;
editing this copy changes nothing except your own understanding.
"""

import jax, jax.numpy as jnp
import numpy as np

VOCAB_SIZE = 1000000
EMBED_DIM = 32
BATCH = 4096
SEQ_LEN = 200

def setup_inputs(seed: int = 0) -> dict:
    key = jax.random.key(seed)
    k1, k2 = jax.random.split(key)
    x = jax.random.randint(k1, (BATCH, SEQ_LEN), 0, VOCAB_SIZE, dtype=jnp.int32)
    idx2vec = jax.random.normal(k2, (VOCAB_SIZE, EMBED_DIM), dtype=jnp.float32)
    return {"x": x, "idx2vec": idx2vec}

def reference(x, idx2vec):
    # Faithful translation of tokenEmbedding.forward with ty='src_embedding':
    # the python loop fills x_embedding[i] = idx2vec[idxs[i]], then reshapes
    # to (batch_size, length, embedding_size). This is exactly a row gather.
    batch_size, length = x.shape
    idxs = x.reshape(-1)
    x_embedding = jnp.take(idx2vec, idxs, axis=0)
    x_embedding = x_embedding.reshape(batch_size, length, EMBED_DIM)
    return x_embedding

if __name__ == "__main__":
    import jax
    _d = setup_inputs()
    print(jax.jit(kernel)(*tuple(_d.values())))

</pallas_src>

<mosaic_0001>
#map = affine_map<(d0, d1) -> (0, 0)>
#map1 = affine_map<(d0, d1) -> (0, 0, 0, 0, 0)>
module attributes {stable_mosaic.version = 14 : i64} {
  func.func @k(%arg0: i32, %arg1: i32, %arg2: memref<200x4096xi32, #tpu.memory_space<hbm>>, %arg3: memref<1000000x32xf32, #tpu.memory_space<hbm>>, %arg4: memref<200x4x32x8x128xf32, #tpu.memory_space<hbm>>, %arg5: memref<200x128xi32, #tpu.memory_space<vmem>>, %arg6: memref<128x32xf32, #tpu.memory_space<vmem>>, %arg7: memref<128x32xf32, #tpu.memory_space<vmem>>, %arg8: memref<128x32xf32, #tpu.memory_space<vmem>>, %arg9: memref<128x32xf32, #tpu.memory_space<vmem>>, %arg10: memref<128x32xf32, #tpu.memory_space<vmem>>, %arg11: memref<128x32xf32, #tpu.memory_space<vmem>>, %arg12: memref<128x32xf32, #tpu.memory_space<vmem>>, %arg13: memref<128x32xf32, #tpu.memory_space<vmem>>, %arg14: memref<4x8x129xf32, #tpu.memory_space<vmem>>, %arg15: memref<4x8x129xf32, #tpu.memory_space<vmem>>, %arg16: memref<4x8x129xf32, #tpu.memory_space<vmem>>, %arg17: memref<4x8x129xf32, #tpu.memory_space<vmem>>, %arg18: memref<4x8x129xf32, #tpu.memory_space<vmem>>, %arg19: memref<4x8x129xf32, #tpu.memory_space<vmem>>, %arg20: memref<4x8x129xf32, #tpu.memory_space<vmem>>, %arg21: memref<4x8x129xf32, #tpu.memory_space<vmem>>, %arg22: memref<!tpu.dma_semaphore, #tpu.memory_space<semaphore_mem>>, %arg23: memref<!tpu.dma_semaphore, #tpu.memory_space<semaphore_mem>>, %arg24: memref<!tpu.dma_semaphore, #tpu.memory_space<semaphore_mem>>, %arg25: memref<!tpu.dma_semaphore, #tpu.memory_space<semaphore_mem>>, %arg26: memref<!tpu.dma_semaphore, #tpu.memory_space<semaphore_mem>>, %arg27: memref<!tpu.dma_semaphore, #tpu.memory_space<semaphore_mem>>, %arg28: memref<!tpu.dma_semaphore, #tpu.memory_space<semaphore_mem>>, %arg29: memref<!tpu.dma_semaphore, #tpu.memory_space<semaphore_mem>>, %arg30: memref<!tpu.dma_semaphore, #tpu.memory_space<semaphore_mem>>, %arg31: memref<!tpu.dma_semaphore, #tpu.memory_space<semaphore_mem>>, %arg32: memref<!tpu.dma_semaphore, #tpu.memory_space<semaphore_mem>>, %arg33: memref<!tpu.dma_semaphore, #tpu.memory_space<semaphore_mem>>, %arg34: memref<!tpu.dma_semaphore, #tpu.memory_space<semaphore_mem>>, %arg35: memref<!tpu.dma_semaphore, #tpu.memory_space<semaphore_mem>>, %arg36: memref<!tpu.dma_semaphore, #tpu.memory_space<semaphore_mem>>, %arg37: memref<!tpu.dma_semaphore, #tpu.memory_space<semaphore_mem>>) attributes {dimension_semantics = [#tpu.dimension_semantics<core_parallel>, #tpu.dimension_semantics<subcore_parallel>], iteration_bounds = array<i64: 2, 16>, scalar_prefetch = 0 : i64, scratch_operands = 33 : i64, tpu.core_type = #tpu.core_type<sc_vector_subcore>, window_params = [{transform_indices = #map}, {transform_indices = #map}, {transform_indices = #map1}]} {
    %mul3A = arith.constant 2 : i32
    %mul3A_0 = arith.muli %arg1, %mul3A : i32
    %add3A = arith.addi %mul3A_0, %arg0 : i32
    %mul3A_1 = arith.constant 128 : i32
    %mul3A_2 = arith.muli %add3A, %mul3A_1 : i32
    "tpu.region"() ({
      %run_scoped3A = tpu.sem_alloc : memref<!tpu.dma_semaphore, #tpu.memory_space<semaphore_mem>>
      %dma_start3A_322 = arith.constant 0 : i32
      %dma_start3A_323 = tpu.memref_slice %arg2[%dma_start3A_322, %mul3A_2] : memref<200x4096xi32, #tpu.memory_space<hbm>> -> memref<200x128xi32, #tpu.memory_space<hbm>>
      %dma_start3A_324 = arith.constant 0 : i32
      %dma_start3A_325 = tpu.memref_slice %arg2[%dma_start3A_324, %mul3A_2] : memref<200x4096xi32, #tpu.memory_space<hbm>> -> memref<200x128xi32, #tpu.memory_space<hbm>>
      tpu.enqueue_dma source(%dma_start3A_325 : memref<200x128xi32, #tpu.memory_space<hbm>>) target(%arg5 : memref<200x128xi32, #tpu.memory_space<vmem>>) target_semaphore(%run_scoped3A : memref<!tpu.dma_semaphore, #tpu.memory_space<semaphore_mem>>)
      %dma_wait3A_326 = arith.constant 0 : i32
      %dma_wait3A_327 = tpu.memref_slice %arg2[%dma_wait3A_326, %mul3A_2] : memref<200x4096xi32, #tpu.memory_space<hbm>> -> memref<200x128xi32, #tpu.memory_space<hbm>>
      %dma_wait3A_328 = arith.constant 0 : i32
      %dma_wait3A_329 = tpu.memref_slice %arg2[%dma_wait3A_328, %mul3A_2] : memref<200x4096xi32, #tpu.memory_space<hbm>> -> memref<200x128xi32, #tpu.memory_space<hbm>>
      tpu.wait_dma2 semaphore(%run_scoped3A : memref<!tpu.dma_semaphore, #tpu.memory_space<semaphore_mem>>) src(%dma_wait3A_329 : memref<200x128xi32, #tpu.memory_space<hbm>>) dst(%arg5 : memref<200x128xi32, #tpu.memory_space<vmem>>)
      tpu.yield
    }) : () -> ()
    %iota3A = tpu.iota {dimensions = array<i32: 0>} : vector<16xi32>
    %add3A_3 = arith.constant 0 : i32
    %add3A_4 = vector.broadcast %add3A_3 : i32 to vector<16xi32>
    %add3A_5 = arith.addi %iota3A, %add3A_4 : vector<16xi32>
    %jit3A = arith.constant 8 : i32
    %div3A = vector.broadcast %jit3A : i32 to vector<16xi32>
    %div3A_6 = arith.divsi %add3A_5, %div3A : vector<16xi32>
    %sign3A = arith.constant 0 : i32
    %sign3A_7 = vector.broadcast %sign3A : i32 to vector<16xi32>
    %sign3A_8 = arith.cmpi sgt, %add3A_5, %sign3A_7 : vector<16xi32>
    %sign3A_9 = arith.extui %sign3A_8 : vector<16xi1> to vector<16xi32>
    %sign3A_10 = arith.constant 0 : i32
    %sign3A_11 = vector.broadcast %sign3A_10 : i32 to vector<16xi32>
    %sign3A_12 = arith.cmpi slt, %add3A_5, %sign3A_11 : vector<16xi32>
    %sign3A_13 = arith.extui %sign3A_12 : vector<16xi1> to vector<16xi32>
    %sign3A_14 = arith.subi %sign3A_9, %sign3A_13 : vector<16xi32>
    %sign3A_15 = arith.constant 0 : i32
    %sign3A_16 = arith.cmpi sgt, %jit3A, %sign3A_15 : i32
    %sign3A_17 = arith.extui %sign3A_16 : i1 to i32
    %sign3A_18 = arith.constant 0 : i32
    %sign3A_19 = arith.cmpi slt, %jit3A, %sign3A_18 : i32
    %sign3A_20 = arith.extui %sign3A_19 : i1 to i32
    %sign3A_21 = arith.subi %sign3A_17, %sign3A_20 : i32
    %ne3A = vector.broadcast %sign3A_21 : i32 to vector<16xi32>
    %ne3A_22 = arith.cmpi ne, %sign3A_14, %ne3A : vector<16xi32>
    %rem3A = vector.broadcast %jit3A : i32 to vector<16xi32>
    %rem3A_23 = arith.remsi %add3A_5, %rem3A : vector<16xi32>
    %ne3A_24 = arith.constant 0 : i32
    %ne3A_25 = vector.broadcast %ne3A_24 : i32 to vector<16xi32>
    %ne3A_26 = arith.cmpi ne, %rem3A_23, %ne3A_25 : vector<16xi32>
    %and3A = arith.andi %ne3A_22, %ne3A_26 : vector<16xi1>
    %sub3A = arith.constant 1 : i32
    %sub3A_27 = vector.broadcast %sub3A : i32 to vector<16xi32>
    %sub3A_28 = arith.subi %div3A_6, %sub3A_27 : vector<16xi32>
    %select_n3A = arith.select %and3A, %sub3A_28, %div3A_6 : vector<16xi1>, vector<16xi32>
    %add3A_29 = arith.constant 16 : i32
    %add3A_30 = vector.broadcast %add3A_29 : i32 to vector<16xi32>
    %add3A_31 = arith.addi %iota3A, %add3A_30 : vector<16xi32>
    %jit3A_32 = arith.constant 8 : i32
    %div3A_33 = vector.broadcast %jit3A_32 : i32 to vector<16xi32>
    %div3A_34 = arith.divsi %add3A_31, %div3A_33 : vector<16xi32>
    %sign3A_35 = arith.constant 0 : i32
    %sign3A_36 = vector.broadcast %sign3A_35 : i32 to vector<16xi32>
    %sign3A_37 = arith.cmpi sgt, %add3A_31, %sign3A_36 : vector<16xi32>
    %sign3A_38 = arith.extui %sign3A_37 : vector<16xi1> to vector<16xi32>
    %sign3A_39 = arith.constant 0 : i32
    %sign3A_40 = vector.broadcast %sign3A_39 : i32 to vector<16xi32>
    %sign3A_41 = arith.cmpi slt, %add3A_31, %sign3A_40 : vector<16xi32>
    %sign3A_42 = arith.extui %sign3A_41 : vector<16xi1> to vector<16xi32>
    %sign3A_43 = arith.subi %sign3A_38, %sign3A_42 : vector<16xi32>
    %sign3A_44 = arith.constant 0 : i32
    %sign3A_45 = arith.cmpi sgt, %jit3A_32, %sign3A_44 : i32
    %sign3A_46 = arith.extui %sign3A_45 : i1 to i32
    %sign3A_47 = arith.constant 0 : i32
    %sign3A_48 = arith.cmpi slt, %jit3A_32, %sign3A_47 : i32
    %sign3A_49 = arith.extui %sign3A_48 : i1 to i32
    %sign3A_50 = arith.subi %sign3A_46, %sign3A_49 : i32
    %ne3A_51 = vector.broadcast %sign3A_50 : i32 to vector<16xi32>
    %ne3A_52 = arith.cmpi ne, %sign3A_43, %ne3A_51 : vector<16xi32>
    %rem3A_53 = vector.broadcast %jit3A_32 : i32 to vector<16xi32>
    %rem3A_54 = arith.remsi %add3A_31, %rem3A_53 : vector<16xi32>
    %ne3A_55 = arith.constant 0 : i32
    %ne3A_56 = vector.broadcast %ne3A_55 : i32 to vector<16xi32>
    %ne3A_57 = arith.cmpi ne, %rem3A_54, %ne3A_56 : vector<16xi32>
    %and3A_58 = arith.andi %ne3A_52, %ne3A_57 : vector<16xi1>
    %sub3A_59 = arith.constant 1 : i32
    %sub3A_60 = vector.broadcast %sub3A_59 : i32 to vector<16xi32>
    %sub3A_61 = arith.subi %div3A_34, %sub3A_60 : vector<16xi32>
    %select_n3A_62 = arith.select %and3A_58, %sub3A_61, %div3A_34 : vector<16xi1>, vector<16xi32>
    %add3A_63 = arith.constant 0 : i32
    %add3A_64 = vector.broadcast %add3A_63 : i32 to vector<16xi32>
    %add3A_65 = arith.addi %iota3A, %add3A_64 : vector<16xi32>
    %jit3A_66 = arith.constant 8 : i32
    %eq3A = arith.constant 0 : i32
    %eq3A_67 = arith.cmpi eq, %jit3A_66, %eq3A : i32
    %jit3A_68 = arith.constant 1 : i32
    %select_n3A_69 = arith.select %eq3A_67, %jit3A_68, %jit3A_66 : i32
    %rem3A_70 = vector.broadcast %select_n3A_69 : i32 to vector<16xi32>
    %rem3A_71 = arith.remsi %add3A_65, %rem3A_70 : vector<16xi32>
    %ne3A_72 = arith.constant 0 : i32
    %ne3A_73 = vector.broadcast %ne3A_72 : i32 to vector<16xi32>
    %ne3A_74 = arith.cmpi ne, %rem3A_71, %ne3A_73 : vector<16xi32>
    %lt3A = arith.constant 0 : i32
    %lt3A_75 = vector.broadcast %lt3A : i32 to vector<16xi32>
    %lt3A_76 = arith.cmpi slt, %rem3A_71, %lt3A_75 : vector<16xi32>
    %lt3A_77 = arith.constant 0 : i32
    %lt3A_78 = arith.cmpi slt, %select_n3A_69, %lt3A_77 : i32
    %ne3A_79 = vector.broadcast %lt3A_78 : i1 to vector<16xi1>
    %ne3A_80 = vector.broadcast %ne3A_79 : vector<16xi1> to vector<16xi1>
    %ne3A_81 = arith.xori %lt3A_76, %ne3A_80 : vector<16xi1>
    %and3A_82 = arith.andi %ne3A_81, %ne3A_74 : vector<16xi1>
    %add3A_83 = vector.broadcast %select_n3A_69 : i32 to vector<16xi32>
    %add3A_84 = arith.addi %rem3A_71, %add3A_83 : vector<16xi32>
    %select_n3A_85 = arith.select %and3A_82, %add3A_84, %rem3A_71 : vector<16xi1>, vector<16xi32>
    %add3A_86 = arith.constant 16 : i32
    %add3A_87 = vector.broadcast %add3A_86 : i32 to vector<16xi32>
    %add3A_88 = arith.addi %iota3A, %add3A_87 : vector<16xi32>
    %jit3A_89 = arith.constant 8 : i32
    %eq3A_90 = arith.constant 0 : i32
    %eq3A_91 = arith.cmpi eq, %jit3A_89, %eq3A_90 : i32
    %jit3A_92 = arith.constant 1 : i32
    %select_n3A_93 = arith.select %eq3A_91, %jit3A_92, %jit3A_89 : i32
    %rem3A_94 = vector.broadcast %select_n3A_93 : i32 to vector<16xi32>
    %rem3A_95 = arith.remsi %add3A_88, %rem3A_94 : vector<16xi32>
    %ne3A_96 = arith.constant 0 : i32
    %ne3A_97 = vector.broadcast %ne3A_96 : i32 to vector<16xi32>
    %ne3A_98 = arith.cmpi ne, %rem3A_95, %ne3A_97 : vector<16xi32>
    %lt3A_99 = arith.constant 0 : i32
    %lt3A_100 = vector.broadcast %lt3A_99 : i32 to vector<16xi32>
    %lt3A_101 = arith.cmpi slt, %rem3A_95, %lt3A_100 : vector<16xi32>
    %lt3A_102 = arith.constant 0 : i32
    %lt3A_103 = arith.cmpi slt, %select_n3A_93, %lt3A_102 : i32
    %ne3A_104 = vector.broadcast %lt3A_103 : i1 to vector<16xi1>
    %ne3A_105 = vector.broadcast %ne3A_104 : vector<16xi1> to vector<16xi1>
    %ne3A_106 = arith.xori %lt3A_101, %ne3A_105 : vector<16xi1>
    %and3A_107 = arith.andi %ne3A_106, %ne3A_98 : vector<16xi1>
    %add3A_108 = vector.broadcast %select_n3A_93 : i32 to vector<16xi32>
    %add3A_109 = arith.addi %rem3A_95, %add3A_108 : vector<16xi32>
    %select_n3A_110 = arith.select %and3A_107, %add3A_109, %rem3A_95 : vector<16xi1>, vector<16xi32>
    %dma_start3A = arith.constant 0 : i32
    %dma_start3A_111 = arith.constant 0 : i32
    %dma_start3A_112 = tpu.memref_slice %arg5[%dma_start3A, %dma_start3A_111] : memref<200x128xi32, #tpu.memory_space<vmem>> -> memref<1x128xi32, #tpu.memory_space<vmem>>
    %dma_start3A_113 = tpu.memref_squeeze %dma_start3A_112 : memref<1x128xi32, #tpu.memory_space<vmem>> -> memref<128xi32, #tpu.memory_space<vmem>>
    %dma_start3A_114 = arith.constant 0 : i32
    %dma_start3A_115 = arith.constant 0 : i32
    %dma_start3A_116 = tpu.memref_slice %arg3[%dma_start3A_114, %dma_start3A_115] : memref<1000000x32xf32, #tpu.memory_space<hbm>> -> memref<1000000x32xf32, #tpu.memory_space<hbm>>
    tpu.enqueue_indirect_dma source(%dma_start3A_116 : memref<1000000x32xf32, #tpu.memory_space<hbm>>) target(%arg6 : memref<128x32xf32, #tpu.memory_space<vmem>>) offsets(%dma_start3A_113 : memref<128xi32, #tpu.memory_space<vmem>>) semaphore(%arg22 : memref<!tpu.dma_semaphore, #tpu.memory_space<semaphore_mem>>)
    %dma_start3A_117 = arith.constant 1 : i32
    %dma_start3A_118 = arith.constant 0 : i32
    %dma_start3A_119 = tpu.memref_slice %arg5[%dma_start3A_117, %dma_start3A_118] : memref<200x128xi32, #tpu.memory_space<vmem>> -> memref<1x128xi32, #tpu.memory_space<vmem>>
    %dma_start3A_120 = tpu.memref_squeeze %dma_start3A_119 : memref<1x128xi32, #tpu.memory_space<vmem>> -> memref<128xi32, #tpu.memory_space<vmem>>
    %dma_start3A_121 = arith.constant 0 : i32
    %dma_start3A_122 = arith.constant 0 : i32
    %dma_start3A_123 = tpu.memref_slice %arg3[%dma_start3A_121, %dma_start3A_122] : memref<1000000x32xf32, #tpu.memory_space<hbm>> -> memref<1000000x32xf32, #tpu.memory_space<hbm>>
    tpu.enqueue_indirect_dma source(%dma_start3A_123 : memref<1000000x32xf32, #tpu.memory_space<hbm>>) target(%arg7 : memref<128x32xf32, #tpu.memory_space<vmem>>) offsets(%dma_start3A_120 : memref<128xi32, #tpu.memory_space<vmem>>) semaphore(%arg23 : memref<!tpu.dma_semaphore, #tpu.memory_space<semaphore_mem>>)
    %dma_start3A_124 = arith.constant 2 : i32
    %dma_start3A_125 = arith.constant 0 : i32
    %dma_start3A_126 = tpu.memref_slice %arg5[%dma_start3A_124, %dma_start3A_125] : memref<200x128xi32, #tpu.memory_space<vmem>> -> memref<1x128xi32, #tpu.memory_space<vmem>>
    %dma_start3A_127 = tpu.memref_squeeze %dma_start3A_126 : memref<1x128xi32, #tpu.memory_space<vmem>> -> memref<128xi32, #tpu.memory_space<vmem>>
    %dma_start3A_128 = arith.constant 0 : i32
    %dma_start3A_129 = arith.constant 0 : i32
    %dma_start3A_130 = tpu.memref_slice %arg3[%dma_start3A_128, %dma_start3A_129] : memref<1000000x32xf32, #tpu.memory_space<hbm>> -> memref<1000000x32xf32, #tpu.memory_space<hbm>>
    tpu.enqueue_indirect_dma source(%dma_start3A_130 : memref<1000000x32xf32, #tpu.memory_space<hbm>>) target(%arg8 : memref<128x32xf32, #tpu.memory_space<vmem>>) offsets(%dma_start3A_127 : memref<128xi32, #tpu.memory_space<vmem>>) semaphore(%arg24 : memref<!tpu.dma_semaphore, #tpu.memory_space<semaphore_mem>>)
    %dma_start3A_131 = arith.constant 3 : i32
    %dma_start3A_132 = arith.constant 0 : i32
    %dma_start3A_133 = tpu.memref_slice %arg5[%dma_start3A_131, %dma_start3A_132] : memref<200x128xi32, #tpu.memory_space<vmem>> -> memref<1x128xi32, #tpu.memory_space<vmem>>
    %dma_start3A_134 = tpu.memref_squeeze %dma_start3A_133 : memref<1x128xi32, #tpu.memory_space<vmem>> -> memref<128xi32, #tpu.memory_space<vmem>>
    %dma_start3A_135 = arith.constant 0 : i32
    %dma_start3A_136 = arith.constant 0 : i32
    %dma_start3A_137 = tpu.memref_slice %arg3[%dma_start3A_135, %dma_start3A_136] : memref<1000000x32xf32, #tpu.memory_space<hbm>> -> memref<1000000x32xf32, #tpu.memory_space<hbm>>
    tpu.enqueue_indirect_dma source(%dma_start3A_137 : memref<1000000x32xf32, #tpu.memory_space<hbm>>) target(%arg9 : memref<128x32xf32, #tpu.memory_space<vmem>>) offsets(%dma_start3A_134 : memref<128xi32, #tpu.memory_space<vmem>>) semaphore(%arg25 : memref<!tpu.dma_semaphore, #tpu.memory_space<semaphore_mem>>)
    %dma_start3A_138 = arith.constant 4 : i32
    %dma_start3A_139 = arith.constant 0 : i32
    %dma_start3A_140 = tpu.memref_slice %arg5[%dma_start3A_138, %dma_start3A_139] : memref<200x128xi32, #tpu.memory_space<vmem>> -> memref<1x128xi32, #tpu.memory_space<vmem>>
    %dma_start3A_141 = tpu.memref_squeeze %dma_start3A_140 : memref<1x128xi32, #tpu.memory_space<vmem>> -> memref<128xi32, #tpu.memory_space<vmem>>
    %dma_start3A_142 = arith.constant 0 : i32
    %dma_start3A_143 = arith.constant 0 : i32
    %dma_start3A_144 = tpu.memref_slice %arg3[%dma_start3A_142, %dma_start3A_143] : memref<1000000x32xf32, #tpu.memory_space<hbm>> -> memref<1000000x32xf32, #tpu.memory_space<hbm>>
    tpu.enqueue_indirect_dma source(%dma_start3A_144 : memref<1000000x32xf32, #tpu.memory_space<hbm>>) target(%arg10 : memref<128x32xf32, #tpu.memory_space<vmem>>) offsets(%dma_start3A_141 : memref<128xi32, #tpu.memory_space<vmem>>) semaphore(%arg26 : memref<!tpu.dma_semaphore, #tpu.memory_space<semaphore_mem>>)
    %dma_start3A_145 = arith.constant 5 : i32
    %dma_start3A_146 = arith.constant 0 : i32
    %dma_start3A_147 = tpu.memref_slice %arg5[%dma_start3A_145, %dma_start3A_146] : memref<200x128xi32, #tpu.memory_space<vmem>> -> memref<1x128xi32, #tpu.memory_space<vmem>>
    %dma_start3A_148 = tpu.memref_squeeze %dma_start3A_147 : memref<1x128xi32, #tpu.memory_space<vmem>> -> memref<128xi32, #tpu.memory_space<vmem>>
    %dma_start3A_149 = arith.constant 0 : i32
    %dma_start3A_150 = arith.constant 0 : i32
    %dma_start3A_151 = tpu.memref_slice %arg3[%dma_start3A_149, %dma_start3A_150] : memref<1000000x32xf32, #tpu.memory_space<hbm>> -> memref<1000000x32xf32, #tpu.memory_space<hbm>>
    tpu.enqueue_indirect_dma source(%dma_start3A_151 : memref<1000000x32xf32, #tpu.memory_space<hbm>>) target(%arg11 : memref<128x32xf32, #tpu.memory_space<vmem>>) offsets(%dma_start3A_148 : memref<128xi32, #tpu.memory_space<vmem>>) semaphore(%arg27 : memref<!tpu.dma_semaphore, #tpu.memory_space<semaphore_mem>>)
    %dma_start3A_152 = arith.constant 6 : i32
    %dma_start3A_153 = arith.constant 0 : i32
    %dma_start3A_154 = tpu.memref_slice %arg5[%dma_start3A_152, %dma_start3A_153] : memref<200x128xi32, #tpu.memory_space<vmem>> -> memref<1x128xi32, #tpu.memory_space<vmem>>
    %dma_start3A_155 = tpu.memref_squeeze %dma_start3A_154 : memref<1x128xi32, #tpu.memory_space<vmem>> -> memref<128xi32, #tpu.memory_space<vmem>>
    %dma_start3A_156 = arith.constant 0 : i32
    %dma_start3A_157 = arith.constant 0 : i32
    %dma_start3A_158 = tpu.memref_slice %arg3[%dma_start3A_156, %dma_start3A_157] : memref<1000000x32xf32, #tpu.memory_space<hbm>> -> memref<1000000x32xf32, #tpu.memory_space<hbm>>
    tpu.enqueue_indirect_dma source(%dma_start3A_158 : memref<1000000x32xf32, #tpu.memory_space<hbm>>) target(%arg12 : memref<128x32xf32, #tpu.memory_space<vmem>>) offsets(%dma_start3A_155 : memref<128xi32, #tpu.memory_space<vmem>>) semaphore(%arg28 : memref<!tpu.dma_semaphore, #tpu.memory_space<semaphore_mem>>)
    %dma_start3A_159 = arith.constant 7 : i32
    %dma_start3A_160 = arith.constant 0 : i32
    %dma_start3A_161 = tpu.memref_slice %arg5[%dma_start3A_159, %dma_start3A_160] : memref<200x128xi32, #tpu.memory_space<vmem>> -> memref<1x128xi32, #tpu.memory_space<vmem>>
    %dma_start3A_162 = tpu.memref_squeeze %dma_start3A_161 : memref<1x128xi32, #tpu.memory_space<vmem>> -> memref<128xi32, #tpu.memory_space<vmem>>
    %dma_start3A_163 = arith.constant 0 : i32
    %dma_start3A_164 = arith.constant 0 : i32
    %dma_start3A_165 = tpu.memref_slice %arg3[%dma_start3A_163, %dma_start3A_164] : memref<1000000x32xf32, #tpu.memory_space<hbm>> -> memref<1000000x32xf32, #tpu.memory_space<hbm>>
    tpu.enqueue_indirect_dma source(%dma_start3A_165 : memref<1000000x32xf32, #tpu.memory_space<hbm>>) target(%arg13 : memref<128x32xf32, #tpu.memory_space<vmem>>) offsets(%dma_start3A_162 : memref<128xi32, #tpu.memory_space<vmem>>) semaphore(%arg29 : memref<!tpu.dma_semaphore, #tpu.memory_space<semaphore_mem>>)
    %scan3A = arith.constant 0 : i32
    %scan3A_166 = arith.constant 0 : i32
    %scan3A_167 = arith.constant 25 : i32
    %scan3A_168 = arith.addi %scan3A_166, %scan3A_167 : i32
    %scan3A_169 = arith.constant 1 : i32
    scf.for %scan3A_322 = %scan3A_166 to %scan3A_168 step %scan3A_169  : i32 {
      %mul3A_323 = arith.constant 8 : i32
      %mul3A_324 = arith.muli %scan3A_322, %mul3A_323 : i32
      %add3A_325 = arith.constant 0 : i32
      %add3A_326 = arith.addi %mul3A_324, %add3A_325 : i32
      %dma_wait3A_327 = arith.constant 0 : i32
      %dma_wait3A_328 = arith.constant 0 : i32
      %dma_wait3A_329 = tpu.memref_slice %arg5[%dma_wait3A_327, %dma_wait3A_328] : memref<200x128xi32, #tpu.memory_space<vmem>> -> memref<1x128xi32, #tpu.memory_space<vmem>>
      %dma_wait3A_330 = tpu.memref_squeeze %dma_wait3A_329 : memref<1x128xi32, #tpu.memory_space<vmem>> -> memref<128xi32, #tpu.memory_space<vmem>>
      %dma_wait3A_331 = arith.constant 0 : i32
      %dma_wait3A_332 = arith.constant 0 : i32
      %dma_wait3A_333 = tpu.memref_slice %arg3[%dma_wait3A_331, %dma_wait3A_332] : memref<1000000x32xf32, #tpu.memory_space<hbm>> -> memref<1000000x32xf32, #tpu.memory_space<hbm>>
      tpu.wait_indirect_dma semaphore(%arg22 : memref<!tpu.dma_semaphore, #tpu.memory_space<semaphore_mem>>) src(%dma_wait3A_333 : memref<1000000x32xf32, #tpu.memory_space<hbm>>) dst(%arg6 : memref<128x32xf32, #tpu.memory_space<vmem>>)
      %ne3A_334 = arith.constant 0 : i32
      %ne3A_335 = arith.cmpi ne, %scan3A_322, %ne3A_334 : i32
      %convert_element_type3A = arith.extui %ne3A_335 : i1 to i32
      %cond3A = arith.constant 0 : i32
      %cond3A_336 = arith.cmpi ne, %convert_element_type3A, %cond3A : i32
      scf.if %cond3A_336 {
        %dma_wait3A_672 = arith.constant 0 : i32
        %dma_wait3A_673 = arith.constant 0 : i32
        %dma_wait3A_674 = arith.constant 0 : i32
        %dma_wait3A_675 = arith.constant 0 : i32
        %dma_wait3A_676 = tpu.memref_slice %arg14[%dma_wait3A_673, %dma_wait3A_674, %dma_wait3A_675] : memref<4x8x129xf32, #tpu.memory_space<vmem>> -> memref<4x8x128xf32, #tpu.memory_space<vmem>>
        %dma_wait3A_677 = arith.constant 0 : i32
        %dma_wait3A_678 = arith.constant 0 : i32
        %dma_wait3A_679 = arith.constant 0 : i32
        %dma_wait3A_680 = tpu.memref_slice %arg4[%dma_wait3A_672, %dma_wait3A_677, %add3A, %dma_wait3A_678, %dma_wait3A_679] : memref<200x4x32x8x128xf32, #tpu.memory_space<hbm>> -> memref<1x4x1x8x128xf32, #tpu.memory_space<hbm>>
        %dma_wait3A_681 = tpu.memref_squeeze %dma_wait3A_680 : memref<1x4x1x8x128xf32, #tpu.memory_space<hbm>> -> memref<4x8x128xf32, #tpu.memory_space<hbm>>
        %dma_wait3A_682 = arith.constant 0 : i32
        %dma_wait3A_683 = arith.constant 0 : i32
        %dma_wait3A_684 = arith.constant 0 : i32
        %dma_wait3A_685 = tpu.memref_slice %arg4[%dma_wait3A_672, %dma_wait3A_682, %add3A, %dma_wait3A_683, %dma_wait3A_684] : memref<200x4x32x8x128xf32, #tpu.memory_space<hbm>> -> memref<1x4x1x8x128xf32, #tpu.memory_space<hbm>>
        %dma_wait3A_686 = tpu.memref_squeeze %dma_wait3A_685 : memref<1x4x1x8x128xf32, #tpu.memory_space<hbm>> -> memref<4x8x128xf32, #tpu.memory_space<hbm>>
        %dma_wait3A_687 = arith.constant 0 : i32
        %dma_wait3A_688 = arith.constant 0 : i32
        %dma_wait3A_689 = arith.constant 0 : i32
        %dma_wait3A_690 = tpu.memref_slice %arg14[%dma_wait3A_687, %dma_wait3A_688, %dma_wait3A_689] : memref<4x8x129xf32, #tpu.memory_space<vmem>> -> memref<4x8x128xf32, #tpu.memory_space<vmem>>
        tpu.wait_dma2 semaphore(%arg30 : memref<!tpu.dma_semaphore, #tpu.memory_space<semaphore_mem>>) src(%dma_wait3A_690 : memref<4x8x128xf32, #tpu.memory_space<vmem>>) dst(%dma_wait3A_686 : memref<4x8x128xf32, #tpu.memory_space<hbm>>)
      } else {
      }
      %parallel_loop3A = arith.constant 0 : i32
      %parallel_loop3A_337 = arith.constant 128 : i32
      %parallel_loop3A_338 = arith.constant 1 : i32
      scf.for %parallel_loop3A_672 = %parallel_loop3A to %parallel_loop3A_337 step %parallel_loop3A_338  : i32 {
        %parallel_loop3A_673 = vector.broadcast %parallel_loop3A_672 : i32 to vector<16xi32>
        %parallel_loop3A_674 = arith.index_cast %parallel_loop3A_672 : i32 to index
        %parallel_loop3A_675 = arith.constant 0 : index
        %parallel_loop3A_676 = tpu.vector_load %arg6[%parallel_loop3A_674, %parallel_loop3A_675] {strides = array<i32>} : memref<128x32xf32, #tpu.memory_space<vmem>>, vector<16xf32>,
        tpu.vector_store_idx %arg14[%select_n3A, %select_n3A_85, %parallel_loop3A_673], %parallel_loop3A_676 : memref<4x8x129xf32, #tpu.memory_space<vmem>>[vector<16xi32>, vector<16xi32>, vector<16xi32>], vector<16xf32>,
        %parallel_loop3A_677 = arith.index_cast %parallel_loop3A_672 : i32 to index
        %parallel_loop3A_678 = arith.constant 16 : index
        %parallel_loop3A_679 = tpu.vector_load %arg6[%parallel_loop3A_677, %parallel_loop3A_678] {strides = array<i32>} : memref<128x32xf32, #tpu.memory_space<vmem>>, vector<16xf32>,
        tpu.vector_store_idx %arg14[%select_n3A_62, %select_n3A_110, %parallel_loop3A_673], %parallel_loop3A_679 : memref<4x8x129xf32, #tpu.memory_space<vmem>>[vector<16xi32>, vector<16xi32>, vector<16xi32>], vector<16xf32>,
      } {sc.loop_unroll_factor = 8 : i64, sc.parallel_access}
      %dma_start3A_339 = arith.constant 0 : i32
      %dma_start3A_340 = arith.constant 0 : i32
      %dma_start3A_341 = arith.constant 0 : i32
      %dma_start3A_342 = tpu.memref_slice %arg14[%dma_start3A_339, %dma_start3A_340, %dma_start3A_341] : memref<4x8x129xf32, #tpu.memory_space<vmem>> -> memref<4x8x128xf32, #tpu.memory_space<vmem>>
      %dma_start3A_343 = arith.constant 0 : i32
      %dma_start3A_344 = arith.constant 0 : i32
      %dma_start3A_345 = arith.constant 0 : i32
      %dma_start3A_346 = tpu.memref_slice %arg4[%add3A_326, %dma_start3A_343, %add3A, %dma_start3A_344, %dma_start3A_345] : memref<200x4x32x8x128xf32, #tpu.memory_space<hbm>> -> memref<1x4x1x8x128xf32, #tpu.memory_space<hbm>>
      %dma_start3A_347 = tpu.memref_squeeze %dma_start3A_346 : memref<1x4x1x8x128xf32, #tpu.memory_space<hbm>> -> memref<4x8x128xf32, #tpu.memory_space<hbm>>
      %dma_start3A_348 = arith.constant 0 : i32
      %dma_start3A_349 = arith.constant 0 : i32
      %dma_start3A_350 = arith.constant 0 : i32
      %dma_start3A_351 = tpu.memref_slice %arg4[%add3A_326, %dma_start3A_348, %add3A, %dma_start3A_349, %dma_start3A_350] : memref<200x4x32x8x128xf32, #tpu.memory_space<hbm>> -> memref<1x4x1x8x128xf32, #tpu.memory_space<hbm>>
      %dma_start3A_352 = tpu.memref_squeeze %dma_start3A_351 : memref<1x4x1x8x128xf32, #tpu.memory_space<hbm>> -> memref<4x8x128xf32, #tpu.memory_space<hbm>>
      %dma_start3A_353 = arith.constant 0 : i32
      %dma_start3A_354 = arith.constant 0 : i32
      %dma_start3A_355 = arith.constant 0 : i32
      %dma_start3A_356 = tpu.memref_slice %arg14[%dma_start3A_353, %dma_start3A_354, %dma_start3A_355] : memref<4x8x129xf32, #tpu.memory_space<vmem>> -> memref<4x8x128xf32, #tpu.memory_space<vmem>>
      tpu.enqueue_dma source(%dma_start3A_356 : memref<4x8x128xf32, #tpu.memory_space<vmem>>) target(%dma_start3A_352 : memref<4x8x128xf32, #tpu.memory_space<hbm>>) target_semaphore(%arg30 : memref<!tpu.dma_semaphore, #tpu.memory_space<semaphore_mem>>)
      %add3A_357 = arith.constant 8 : i32
      %add3A_358 = arith.addi %add3A_326, %add3A_357 : i32
      %lt3A_359 = arith.constant 200 : i32
      %lt3A_360 = arith.cmpi slt, %add3A_358, %lt3A_359 : i32
      %convert_element_type3A_361 = arith.extui %lt3A_360 : i1 to i32
      %cond3A_362 = arith.constant 0 : i32
      %cond3A_363 = arith.cmpi ne, %convert_element_type3A_361, %cond3A_362 : i32
      scf.if %cond3A_363 {
        %add3A_672 = arith.constant 8 : i32
        %add3A_673 = arith.addi %add3A_326, %add3A_672 : i32
        %dma_start3A_674 = arith.constant 0 : i32
        %dma_start3A_675 = tpu.memref_slice %arg5[%add3A_673, %dma_start3A_674] : memref<200x128xi32, #tpu.memory_space<vmem>> -> memref<1x128xi32, #tpu.memory_space<vmem>>
        %dma_start3A_676 = tpu.memref_squeeze %dma_start3A_675 : memref<1x128xi32, #tpu.memory_space<vmem>> -> memref<128xi32, #tpu.memory_space<vmem>>
        %dma_start3A_677 = arith.constant 0 : i32
        %dma_start3A_678 = arith.constant 0 : i32
        %dma_start3A_679 = tpu.memref_slice %arg3[%dma_start3A_677, %dma_start3A_678] : memref<1000000x32xf32, #tpu.memory_space<hbm>> -> memref<1000000x32xf32, #tpu.memory_space<hbm>>
        tpu.enqueue_indirect_dma source(%dma_start3A_679 : memref<1000000x32xf32, #tpu.memory_space<hbm>>) target(%arg6 : memref<128x32xf32, #tpu.memory_space<vmem>>) offsets(%dma_start3A_676 : memref<128xi32, #tpu.memory_space<vmem>>) semaphore(%arg22 : memref<!tpu.dma_semaphore, #tpu.memory_space<semaphore_mem>>)
      } else {
      }
      %mul3A_364 = arith.constant 8 : i32
      %mul3A_365 = arith.muli %scan3A_322, %mul3A_364 : i32
      %add3A_366 = arith.constant 1 : i32
      %add3A_367 = arith.addi %mul3A_365, %add3A_366 : i32
      %dma_wait3A_368 = arith.constant 0 : i32
      %dma_wait3A_369 = arith.constant 0 : i32
      %dma_wait3A_370 = tpu.memref_slice %arg5[%dma_wait3A_368, %dma_wait3A_369] : memref<200x128xi32, #tpu.memory_space<vmem>> -> memref<1x128xi32, #tpu.memory_space<vmem>>
      %dma_wait3A_371 = tpu.memref_squeeze %dma_wait3A_370 : memref<1x128xi32, #tpu.memory_space<vmem>> -> memref<128xi32, #tpu.memory_space<vmem>>
      %dma_wait3A_372 = arith.constant 0 : i32
      %dma_wait3A_373 = arith.constant 0 : i32
      %dma_wait3A_374 = tpu.memref_slice %arg3[%dma_wait3A_372, %dma_wait3A_373] : memref<1000000x32xf32, #tpu.memory_space<hbm>> -> memref<1000000x32xf32, #tpu.memory_space<hbm>>
      tpu.wait_indirect_dma semaphore(%arg23 : memref<!tpu.dma_semaphore, #tpu.memory_space<semaphore_mem>>) src(%dma_wait3A_374 : memref<1000000x32xf32, #tpu.memory_space<hbm>>) dst(%arg7 : memref<128x32xf32, #tpu.memory_space<vmem>>)
      %ne3A_375 = arith.constant 0 : i32
      %ne3A_376 = arith.cmpi ne, %scan3A_322, %ne3A_375 : i32
      %convert_element_type3A_377 = arith.extui %ne3A_376 : i1 to i32
      %cond3A_378 = arith.constant 0 : i32
      %cond3A_379 = arith.cmpi ne, %convert_element_type3A_377, %cond3A_378 : i32
      scf.if %cond3A_379 {
        %dma_wait3A_672 = arith.constant 0 : i32
        %dma_wait3A_673 = arith.constant 0 : i32
        %dma_wait3A_674 = arith.constant 0 : i32
        %dma_wait3A_675 = arith.constant 0 : i32
        %dma_wait3A_676 = tpu.memref_slice %arg15[%dma_wait3A_673, %dma_wait3A_674, %dma_wait3A_675] : memref<4x8x129xf32, #tpu.memory_space<vmem>> -> memref<4x8x128xf32, #tpu.memory_space<vmem>>
        %dma_wait3A_677 = arith.constant 0 : i32
        %dma_wait3A_678 = arith.constant 0 : i32
        %dma_wait3A_679 = arith.constant 0 : i32
        %dma_wait3A_680 = tpu.memref_slice %arg4[%dma_wait3A_672, %dma_wait3A_677, %add3A, %dma_wait3A_678, %dma_wait3A_679] : memref<200x4x32x8x128xf32, #tpu.memory_space<hbm>> -> memref<1x4x1x8x128xf32, #tpu.memory_space<hbm>>
        %dma_wait3A_681 = tpu.memref_squeeze %dma_wait3A_680 : memref<1x4x1x8x128xf32, #tpu.memory_space<hbm>> -> memref<4x8x128xf32, #tpu.memory_space<hbm>>
        %dma_wait3A_682 = arith.constant 0 : i32
        %dma_wait3A_683 = arith.constant 0 : i32
        %dma_wait3A_684 = arith.constant 0 : i32
        %dma_wait3A_685 = tpu.memref_slice %arg4[%dma_wait3A_672, %dma_wait3A_682, %add3A, %dma_wait3A_683, %dma_wait3A_684] : memref<200x4x32x8x128xf32, #tpu.memory_space<hbm>> -> memref<1x4x1x8x128xf32, #tpu.memory_space<hbm>>
        %dma_wait3A_686 = tpu.memref_squeeze %dma_wait3A_685 : memref<1x4x1x8x128xf32, #tpu.memory_space<hbm>> -> memref<4x8x128xf32, #tpu.memory_space<hbm>>
        %dma_wait3A_687 = arith.constant 0 : i32
        %dma_wait3A_688 = arith.constant 0 : i32
        %dma_wait3A_689 = arith.constant 0 : i32
        %dma_wait3A_690 = tpu.memref_slice %arg15[%dma_wait3A_687, %dma_wait3A_688, %dma_wait3A_689] : memref<4x8x129xf32, #tpu.memory_space<vmem>> -> memref<4x8x128xf32, #tpu.memory_space<vmem>>
        tpu.wait_dma2 semaphore(%arg31 : memref<!tpu.dma_semaphore, #tpu.memory_space<semaphore_mem>>) src(%dma_wait3A_690 : memref<4x8x128xf32, #tpu.memory_space<vmem>>) dst(%dma_wait3A_686 : memref<4x8x128xf32, #tpu.memory_space<hbm>>)
      } else {
      }
      %parallel_loop3A_380 = arith.constant 0 : i32
      %parallel_loop3A_381 = arith.constant 128 : i32
      %parallel_loop3A_382 = arith.constant 1 : i32
      scf.for %parallel_loop3A_672 = %parallel_loop3A_380 to %parallel_loop3A_381 step %parallel_loop3A_382  : i32 {
        %parallel_loop3A_673 = vector.broadcast %parallel_loop3A_672 : i32 to vector<16xi32>
        %parallel_loop3A_674 = arith.index_cast %parallel_loop3A_672 : i32 to index
        %parallel_loop3A_675 = arith.constant 0 : index
        %parallel_loop3A_676 = tpu.vector_load %arg7[%parallel_loop3A_674, %parallel_loop3A_675] {strides = array<i32>} : memref<128x32xf32, #tpu.memory_space<vmem>>, vector<16xf32>,
        tpu.vector_store_idx %arg15[%select_n3A, %select_n3A_85, %parallel_loop3A_673], %parallel_loop3A_676 : memref<4x8x129xf32, #tpu.memory_space<vmem>>[vector<16xi32>, vector<16xi32>, vector<16xi32>], vector<16xf32>,
        %parallel_loop3A_677 = arith.index_cast %parallel_loop3A_672 : i32 to index
        %parallel_loop3A_678 = arith.constant 16 : index
        %parallel_loop3A_679 = tpu.vector_load %arg7[%parallel_loop3A_677, %parallel_loop3A_678] {strides = array<i32>} : memref<128x32xf32, #tpu.memory_space<vmem>>, vector<16xf32>,
        tpu.vector_store_idx %arg15[%select_n3A_62, %select_n3A_110, %parallel_loop3A_673], %parallel_loop3A_679 : memref<4x8x129xf32, #tpu.memory_space<vmem>>[vector<16xi32>, vector<16xi32>, vector<16xi32>], vector<16xf32>,
      } {sc.loop_unroll_factor = 8 : i64, sc.parallel_access}
      %dma_start3A_383 = arith.constant 0 : i32
      %dma_start3A_384 = arith.constant 0 : i32
      %dma_start3A_385 = arith.constant 0 : i32
      %dma_start3A_386 = tpu.memref_slice %arg15[%dma_start3A_383, %dma_start3A_384, %dma_start3A_385] : memref<4x8x129xf32, #tpu.memory_space<vmem>> -> memref<4x8x128xf32, #tpu.memory_space<vmem>>
      %dma_start3A_387 = arith.constant 0 : i32
      %dma_start3A_388 = arith.constant 0 : i32
      %dma_start3A_389 = arith.constant 0 : i32
      %dma_start3A_390 = tpu.memref_slice %arg4[%add3A_367, %dma_start3A_387, %add3A, %dma_start3A_388, %dma_start3A_389] : memref<200x4x32x8x128xf32, #tpu.memory_space<hbm>> -> memref<1x4x1x8x128xf32, #tpu.memory_space<hbm>>
      %dma_start3A_391 = tpu.memref_squeeze %dma_start3A_390 : memref<1x4x1x8x128xf32, #tpu.memory_space<hbm>> -> memref<4x8x128xf32, #tpu.memory_space<hbm>>
      %dma_start3A_392 = arith.constant 0 : i32
      %dma_start3A_393 = arith.constant 0 : i32
      %dma_start3A_394 = arith.constant 0 : i32
      %dma_start3A_395 = tpu.memref_slice %arg4[%add3A_367, %dma_start3A_392, %add3A, %dma_start3A_393, %dma_start3A_394] : memref<200x4x32x8x128xf32, #tpu.memory_space<hbm>> -> memref<1x4x1x8x128xf32, #tpu.memory_space<hbm>>
      %dma_start3A_396 = tpu.memref_squeeze %dma_start3A_395 : memref<1x4x1x8x128xf32, #tpu.memory_space<hbm>> -> memref<4x8x128xf32, #tpu.memory_space<hbm>>
      %dma_start3A_397 = arith.constant 0 : i32
      %dma_start3A_398 = arith.constant 0 : i32
      %dma_start3A_399 = arith.constant 0 : i32
      %dma_start3A_400 = tpu.memref_slice %arg15[%dma_start3A_397, %dma_start3A_398, %dma_start3A_399] : memref<4x8x129xf32, #tpu.memory_space<vmem>> -> memref<4x8x128xf32, #tpu.memory_space<vmem>>
      tpu.enqueue_dma source(%dma_start3A_400 : memref<4x8x128xf32, #tpu.memory_space<vmem>>) target(%dma_start3A_396 : memref<4x8x128xf32, #tpu.memory_space<hbm>>) target_semaphore(%arg31 : memref<!tpu.dma_semaphore, #tpu.memory_space<semaphore_mem>>)
      %add3A_401 = arith.constant 8 : i32
      %add3A_402 = arith.addi %add3A_367, %add3A_401 : i32
      %lt3A_403 = arith.constant 200 : i32
      %lt3A_404 = arith.cmpi slt, %add3A_402, %lt3A_403 : i32
      %convert_element_type3A_405 = arith.extui %lt3A_404 : i1 to i32
      %cond3A_406 = arith.constant 0 : i32
      %cond3A_407 = arith.cmpi ne, %convert_element_type3A_405, %cond3A_406 : i32
      scf.if %cond3A_407 {
        %add3A_672 = arith.constant 8 : i32
        %add3A_673 = arith.addi %add3A_367, %add3A_672 : i32
        %dma_start3A_674 = arith.constant 0 : i32
        %dma_start3A_675 = tpu.memref_slice %arg5[%add3A_673, %dma_start3A_674] : memref<200x128xi32, #tpu.memory_space<vmem>> -> memref<1x128xi32, #tpu.memory_space<vmem>>
        %dma_start3A_676 = tpu.memref_squeeze %dma_start3A_675 : memref<1x128xi32, #tpu.memory_space<vmem>> -> memref<128xi32, #tpu.memory_space<vmem>>
        %dma_start3A_677 = arith.constant 0 : i32
        %dma_start3A_678 = arith.constant 0 : i32
        %dma_start3A_679 = tpu.memref_slice %arg3[%dma_start3A_677, %dma_start3A_678] : memref<1000000x32xf32, #tpu.memory_space<hbm>> -> memref<1000000x32xf32, #tpu.memory_space<hbm>>
        tpu.enqueue_indirect_dma source(%dma_start3A_679 : memref<1000000x32xf32, #tpu.memory_space<hbm>>) target(%arg7 : memref<128x32xf32, #tpu.memory_space<vmem>>) offsets(%dma_start3A_676 : memref<128xi32, #tpu.memory_space<vmem>>) semaphore(%arg23 : memref<!tpu.dma_semaphore, #tpu.memory_space<semaphore_mem>>)
      } else {
      }
      %mul3A_408 = arith.constant 8 : i32
      %mul3A_409 = arith.muli %scan3A_322, %mul3A_408 : i32
      %add3A_410 = arith.constant 2 : i32
      %add3A_411 = arith.addi %mul3A_409, %add3A_410 : i32
      %dma_wait3A_412 = arith.constant 0 : i32
      %dma_wait3A_413 = arith.constant 0 : i32
      %dma_wait3A_414 = tpu.memref_slice %arg5[%dma_wait3A_412, %dma_wait3A_413] : memref<200x128xi32, #tpu.memory_space<vmem>> -> memref<1x128xi32, #tpu.memory_space<vmem>>
      %dma_wait3A_415 = tpu.memref_squeeze %dma_wait3A_414 : memref<1x128xi32, #tpu.memory_space<vmem>> -> memref<128xi32, #tpu.memory_space<vmem>>
      %dma_wait3A_416 = arith.constant 0 : i32
      %dma_wait3A_417 = arith.constant 0 : i32
      %dma_wait3A_418 = tpu.memref_slice %arg3[%dma_wait3A_416, %dma_wait3A_417] : memref<1000000x32xf32, #tpu.memory_space<hbm>> -> memref<1000000x32xf32, #tpu.memory_space<hbm>>
      tpu.wait_indirect_dma semaphore(%arg24 : memref<!tpu.dma_semaphore, #tpu.memory_space<semaphore_mem>>) src(%dma_wait3A_418 : memref<1000000x32xf32, #tpu.memory_space<hbm>>) dst(%arg8 : memref<128x32xf32, #tpu.memory_space<vmem>>)
      %ne3A_419 = arith.constant 0 : i32
      %ne3A_420 = arith.cmpi ne, %scan3A_322, %ne3A_419 : i32
      %convert_element_type3A_421 = arith.extui %ne3A_420 : i1 to i32
      %cond3A_422 = arith.constant 0 : i32
      %cond3A_423 = arith.cmpi ne, %convert_element_type3A_421, %cond3A_422 : i32
      scf.if %cond3A_423 {
        %dma_wait3A_672 = arith.constant 0 : i32
        %dma_wait3A_673 = arith.constant 0 : i32
        %dma_wait3A_674 = arith.constant 0 : i32
        %dma_wait3A_675 = arith.constant 0 : i32
        %dma_wait3A_676 = tpu.memref_slice %arg16[%dma_wait3A_673, %dma_wait3A_674, %dma_wait3A_675] : memref<4x8x129xf32, #tpu.memory_space<vmem>> -> memref<4x8x128xf32, #tpu.memory_space<vmem>>
        %dma_wait3A_677 = arith.constant 0 : i32
        %dma_wait3A_678 = arith.constant 0 : i32
        %dma_wait3A_679 = arith.constant 0 : i32
        %dma_wait3A_680 = tpu.memref_slice %arg4[%dma_wait3A_672, %dma_wait3A_677, %add3A, %dma_wait3A_678, %dma_wait3A_679] : memref<200x4x32x8x128xf32, #tpu.memory_space<hbm>> -> memref<1x4x1x8x128xf32, #tpu.memory_space<hbm>>
        %dma_wait3A_681 = tpu.memref_squeeze %dma_wait3A_680 : memref<1x4x1x8x128xf32, #tpu.memory_space<hbm>> -> memref<4x8x128xf32, #tpu.memory_space<hbm>>
        %dma_wait3A_682 = arith.constant 0 : i32
        %dma_wait3A_683 = arith.constant 0 : i32
        %dma_wait3A_684 = arith.constant 0 : i32
        %dma_wait3A_685 = tpu.memref_slice %arg4[%dma_wait3A_672, %dma_wait3A_682, %add3A, %dma_wait3A_683, %dma_wait3A_684] : memref<200x4x32x8x128xf32, #tpu.memory_space<hbm>> -> memref<1x4x1x8x128xf32, #tpu.memory_space<hbm>>
        %dma_wait3A_686 = tpu.memref_squeeze %dma_wait3A_685 : memref<1x4x1x8x128xf32, #tpu.memory_space<hbm>> -> memref<4x8x128xf32, #tpu.memory_space<hbm>>
        %dma_wait3A_687 = arith.constant 0 : i32
        %dma_wait3A_688 = arith.constant 0 : i32
        %dma_wait3A_689 = arith.constant 0 : i32
        %dma_wait3A_690 = tpu.memref_slice %arg16[%dma_wait3A_687, %dma_wait3A_688, %dma_wait3A_689] : memref<4x8x129xf32, #tpu.memory_space<vmem>> -> memref<4x8x128xf32, #tpu.memory_space<vmem>>
        tpu.wait_dma2 semaphore(%arg32 : memref<!tpu.dma_semaphore, #tpu.memory_space<semaphore_mem>>) src(%dma_wait3A_690 : memref<4x8x128xf32, #tpu.memory_space<vmem>>) dst(%dma_wait3A_686 : memref<4x8x128xf32, #tpu.memory_space<hbm>>)
      } else {
      }
      %parallel_loop3A_424 = arith.constant 0 : i32
      %parallel_loop3A_425 = arith.constant 128 : i32
      %parallel_loop3A_426 = arith.constant 1 : i32
      scf.for %parallel_loop3A_672 = %parallel_loop3A_424 to %parallel_loop3A_425 step %parallel_loop3A_426  : i32 {
        %parallel_loop3A_673 = vector.broadcast %parallel_loop3A_672 : i32 to vector<16xi32>
        %parallel_loop3A_674 = arith.index_cast %parallel_loop3A_672 : i32 to index
        %parallel_loop3A_675 = arith.constant 0 : index
        %parallel_loop3A_676 = tpu.vector_load %arg8[%parallel_loop3A_674, %parallel_loop3A_675] {strides = array<i32>} : memref<128x32xf32, #tpu.memory_space<vmem>>, vector<16xf32>,
        tpu.vector_store_idx %arg16[%select_n3A, %select_n3A_85, %parallel_loop3A_673], %parallel_loop3A_676 : memref<4x8x129xf32, #tpu.memory_space<vmem>>[vector<16xi32>, vector<16xi32>, vector<16xi32>], vector<16xf32>,
        %parallel_loop3A_677 = arith.index_cast %parallel_loop3A_672 : i32 to index
        %parallel_loop3A_678 = arith.constant 16 : index
        %parallel_loop3A_679 = tpu.vector_load %arg8[%parallel_loop3A_677, %parallel_loop3A_678] {strides = array<i32>} : memref<128x32xf32, #tpu.memory_space<vmem>>, vector<16xf32>,
        tpu.vector_store_idx %arg16[%select_n3A_62, %select_n3A_110, %parallel_loop3A_673], %parallel_loop3A_679 : memref<4x8x129xf32, #tpu.memory_space<vmem>>[vector<16xi32>, vector<16xi32>, vector<16xi32>], vector<16xf32>,
      } {sc.loop_unroll_factor = 8 : i64, sc.parallel_access}
      %dma_start3A_427 = arith.constant 0 : i32
      %dma_start3A_428 = arith.constant 0 : i32
      %dma_start3A_429 = arith.constant 0 : i32
      %dma_start3A_430 = tpu.memref_slice %arg16[%dma_start3A_427, %dma_start3A_428, %dma_start3A_429] : memref<4x8x129xf32, #tpu.memory_space<vmem>> -> memref<4x8x128xf32, #tpu.memory_space<vmem>>
      %dma_start3A_431 = arith.constant 0 : i32
      %dma_start3A_432 = arith.constant 0 : i32
      %dma_start3A_433 = arith.constant 0 : i32
      %dma_start3A_434 = tpu.memref_slice %arg4[%add3A_411, %dma_start3A_431, %add3A, %dma_start3A_432, %dma_start3A_433] : memref<200x4x32x8x128xf32, #tpu.memory_space<hbm>> -> memref<1x4x1x8x128xf32, #tpu.memory_space<hbm>>
      %dma_start3A_435 = tpu.memref_squeeze %dma_start3A_434 : memref<1x4x1x8x128xf32, #tpu.memory_space<hbm>> -> memref<4x8x128xf32, #tpu.memory_space<hbm>>
      %dma_start3A_436 = arith.constant 0 : i32
      %dma_start3A_437 = arith.constant 0 : i32
      %dma_start3A_438 = arith.constant 0 : i32
      %dma_start3A_439 = tpu.memref_slice %arg4[%add3A_411, %dma_start3A_436, %add3A, %dma_start3A_437, %dma_start3A_438] : memref<200x4x32x8x128xf32, #tpu.memory_space<hbm>> -> memref<1x4x1x8x128xf32, #tpu.memory_space<hbm>>
      %dma_start3A_440 = tpu.memref_squeeze %dma_start3A_439 : memref<1x4x1x8x128xf32, #tpu.memory_space<hbm>> -> memref<4x8x128xf32, #tpu.memory_space<hbm>>
      %dma_start3A_441 = arith.constant 0 : i32
      %dma_start3A_442 = arith.constant 0 : i32
      %dma_start3A_443 = arith.constant 0 : i32
      %dma_start3A_444 = tpu.memref_slice %arg16[%dma_start3A_441, %dma_start3A_442, %dma_start3A_443] : memref<4x8x129xf32, #tpu.memory_space<vmem>> -> memref<4x8x128xf32, #tpu.memory_space<vmem>>
      tpu.enqueue_dma source(%dma_start3A_444 : memref<4x8x128xf32, #tpu.memory_space<vmem>>) target(%dma_start3A_440 : memref<4x8x128xf32, #tpu.memory_space<hbm>>) target_semaphore(%arg32 : memref<!tpu.dma_semaphore, #tpu.memory_space<semaphore_mem>>)
      %add3A_445 = arith.constant 8 : i32
      %add3A_446 = arith.addi %add3A_411, %add3A_445 : i32
      %lt3A_447 = arith.constant 200 : i32
      %lt3A_448 = arith.cmpi slt, %add3A_446, %lt3A_447 : i32
      %convert_element_type3A_449 = arith.extui %lt3A_448 : i1 to i32
      %cond3A_450 = arith.constant 0 : i32
      %cond3A_451 = arith.cmpi ne, %convert_element_type3A_449, %cond3A_450 : i32
      scf.if %cond3A_451 {
        %add3A_672 = arith.constant 8 : i32
        %add3A_673 = arith.addi %add3A_411, %add3A_672 : i32
        %dma_start3A_674 = arith.constant 0 : i32
        %dma_start3A_675 = tpu.memref_slice %arg5[%add3A_673, %dma_start3A_674] : memref<200x128xi32, #tpu.memory_space<vmem>> -> memref<1x128xi32, #tpu.memory_space<vmem>>
        %dma_start3A_676 = tpu.memref_squeeze %dma_start3A_675 : memref<1x128xi32, #tpu.memory_space<vmem>> -> memref<128xi32, #tpu.memory_space<vmem>>
        %dma_start3A_677 = arith.constant 0 : i32
        %dma_start3A_678 = arith.constant 0 : i32
        %dma_start3A_679 = tpu.memref_slice %arg3[%dma_start3A_677, %dma_start3A_678] : memref<1000000x32xf32, #tpu.memory_space<hbm>> -> memref<1000000x32xf32, #tpu.memory_space<hbm>>
        tpu.enqueue_indirect_dma source(%dma_start3A_679 : memref<1000000x32xf32, #tpu.memory_space<hbm>>) target(%arg8 : memref<128x32xf32, #tpu.memory_space<vmem>>) offsets(%dma_start3A_676 : memref<128xi32, #tpu.memory_space<vmem>>) semaphore(%arg24 : memref<!tpu.dma_semaphore, #tpu.memory_space<semaphore_mem>>)
      } else {
      }
      %mul3A_452 = arith.constant 8 : i32
      %mul3A_453 = arith.muli %scan3A_322, %mul3A_452 : i32
      %add3A_454 = arith.constant 3 : i32
      %add3A_455 = arith.addi %mul3A_453, %add3A_454 : i32
      %dma_wait3A_456 = arith.constant 0 : i32
      %dma_wait3A_457 = arith.constant 0 : i32
      %dma_wait3A_458 = tpu.memref_slice %arg5[%dma_wait3A_456, %dma_wait3A_457] : memref<200x128xi32, #tpu.memory_space<vmem>> -> memref<1x128xi32, #tpu.memory_space<vmem>>
      %dma_wait3A_459 = tpu.memref_squeeze %dma_wait3A_458 : memref<1x128xi32, #tpu.memory_space<vmem>> -> memref<128xi32, #tpu.memory_space<vmem>>
      %dma_wait3A_460 = arith.constant 0 : i32
      %dma_wait3A_461 = arith.constant 0 : i32
      %dma_wait3A_462 = tpu.memref_slice %arg3[%dma_wait3A_460, %dma_wait3A_461] : memref<1000000x32xf32, #tpu.memory_space<hbm>> -> memref<1000000x32xf32, #tpu.memory_space<hbm>>
      tpu.wait_indirect_dma semaphore(%arg25 : memref<!tpu.dma_semaphore, #tpu.memory_space<semaphore_mem>>) src(%dma_wait3A_462 : memref<1000000x32xf32, #tpu.memory_space<hbm>>) dst(%arg9 : memref<128x32xf32, #tpu.memory_space<vmem>>)
      %ne3A_463 = arith.constant 0 : i32
      %ne3A_464 = arith.cmpi ne, %scan3A_322, %ne3A_463 : i32
      %convert_element_type3A_465 = arith.extui %ne3A_464 : i1 to i32
      %cond3A_466 = arith.constant 0 : i32
      %cond3A_467 = arith.cmpi ne, %convert_element_type3A_465, %cond3A_466 : i32
      scf.if %cond3A_467 {
        %dma_wait3A_672 = arith.constant 0 : i32
        %dma_wait3A_673 = arith.constant 0 : i32
        %dma_wait3A_674 = arith.constant 0 : i32
        %dma_wait3A_675 = arith.constant 0 : i32
        %dma_wait3A_676 = tpu.memref_slice %arg17[%dma_wait3A_673, %dma_wait3A_674, %dma_wait3A_675] : memref<4x8x129xf32, #tpu.memory_space<vmem>> -> memref<4x8x128xf32, #tpu.memory_space<vmem>>
        %dma_wait3A_677 = arith.constant 0 : i32
        %dma_wait3A_678 = arith.constant 0 : i32
        %dma_wait3A_679 = arith.constant 0 : i32
        %dma_wait3A_680 = tpu.memref_slice %arg4[%dma_wait3A_672, %dma_wait3A_677, %add3A, %dma_wait3A_678, %dma_wait3A_679] : memref<200x4x32x8x128xf32, #tpu.memory_space<hbm>> -> memref<1x4x1x8x128xf32, #tpu.memory_space<hbm>>
        %dma_wait3A_681 = tpu.memref_squeeze %dma_wait3A_680 : memref<1x4x1x8x128xf32, #tpu.memory_space<hbm>> -> memref<4x8x128xf32, #tpu.memory_space<hbm>>
        %dma_wait3A_682 = arith.constant 0 : i32
        %dma_wait3A_683 = arith.constant 0 : i32
        %dma_wait3A_684 = arith.constant 0 : i32
        %dma_wait3A_685 = tpu.memref_slice %arg4[%dma_wait3A_672, %dma_wait3A_682, %add3A, %dma_wait3A_683, %dma_wait3A_684] : memref<200x4x32x8x128xf32, #tpu.memory_space<hbm>> -> memref<1x4x1x8x128xf32, #tpu.memory_space<hbm>>
        %dma_wait3A_686 = tpu.memref_squeeze %dma_wait3A_685 : memref<1x4x1x8x128xf32, #tpu.memory_space<hbm>> -> memref<4x8x128xf32, #tpu.memory_space<hbm>>
        %dma_wait3A_687 = arith.constant 0 : i32
        %dma_wait3A_688 = arith.constant 0 : i32
        %dma_wait3A_689 = arith.constant 0 : i32
        %dma_wait3A_690 = tpu.memref_slice %arg17[%dma_wait3A_687, %dma_wait3A_688, %dma_wait3A_689] : memref<4x8x129xf32, #tpu.memory_space<vmem>> -> memref<4x8x128xf32, #tpu.memory_space<vmem>>
        tpu.wait_dma2 semaphore(%arg33 : memref<!tpu.dma_semaphore, #tpu.memory_space<semaphore_mem>>) src(%dma_wait3A_690 : memref<4x8x128xf32, #tpu.memory_space<vmem>>) dst(%dma_wait3A_686 : memref<4x8x128xf32, #tpu.memory_space<hbm>>)
      } else {
      }
      %parallel_loop3A_468 = arith.constant 0 : i32
      %parallel_loop3A_469 = arith.constant 128 : i32
      %parallel_loop3A_470 = arith.constant 1 : i32
      scf.for %parallel_loop3A_672 = %parallel_loop3A_468 to %parallel_loop3A_469 step %parallel_loop3A_470  : i32 {
        %parallel_loop3A_673 = vector.broadcast %parallel_loop3A_672 : i32 to vector<16xi32>
        %parallel_loop3A_674 = arith.index_cast %parallel_loop3A_672 : i32 to index
        %parallel_loop3A_675 = arith.constant 0 : index
        %parallel_loop3A_676 = tpu.vector_load %arg9[%parallel_loop3A_674, %parallel_loop3A_675] {strides = array<i32>} : memref<128x32xf32, #tpu.memory_space<vmem>>, vector<16xf32>,
        tpu.vector_store_idx %arg17[%select_n3A, %select_n3A_85, %parallel_loop3A_673], %parallel_loop3A_676 : memref<4x8x129xf32, #tpu.memory_space<vmem>>[vector<16xi32>, vector<16xi32>, vector<16xi32>], vector<16xf32>,
        %parallel_loop3A_677 = arith.index_cast %parallel_loop3A_672 : i32 to index
        %parallel_loop3A_678 = arith.constant 16 : index
        %parallel_loop3A_679 = tpu.vector_load %arg9[%parallel_loop3A_677, %parallel_loop3A_678] {strides = array<i32>} : memref<128x32xf32, #tpu.memory_space<vmem>>, vector<16xf32>,
        tpu.vector_store_idx %arg17[%select_n3A_62, %select_n3A_110, %parallel_loop3A_673], %parallel_loop3A_679 : memref<4x8x129xf32, #tpu.memory_space<vmem>>[vector<16xi32>, vector<16xi32>, vector<16xi32>], vector<16xf32>,
      } {sc.loop_unroll_factor = 8 : i64, sc.parallel_access}
      %dma_start3A_471 = arith.constant 0 : i32
      %dma_start3A_472 = arith.constant 0 : i32
      %dma_start3A_473 = arith.constant 0 : i32
      %dma_start3A_474 = tpu.memref_slice %arg17[%dma_start3A_471, %dma_start3A_472, %dma_start3A_473] : memref<4x8x129xf32, #tpu.memory_space<vmem>> -> memref<4x8x128xf32, #tpu.memory_space<vmem>>
      %dma_start3A_475 = arith.constant 0 : i32
      %dma_start3A_476 = arith.constant 0 : i32
      %dma_start3A_477 = arith.constant 0 : i32
      %dma_start3A_478 = tpu.memref_slice %arg4[%add3A_455, %dma_start3A_475, %add3A, %dma_start3A_476, %dma_start3A_477] : memref<200x4x32x8x128xf32, #tpu.memory_space<hbm>> -> memref<1x4x1x8x128xf32, #tpu.memory_space<hbm>>
      %dma_start3A_479 = tpu.memref_squeeze %dma_start3A_478 : memref<1x4x1x8x128xf32, #tpu.memory_space<hbm>> -> memref<4x8x128xf32, #tpu.memory_space<hbm>>
      %dma_start3A_480 = arith.constant 0 : i32
      %dma_start3A_481 = arith.constant 0 : i32
      %dma_start3A_482 = arith.constant 0 : i32
      %dma_start3A_483 = tpu.memref_slice %arg4[%add3A_455, %dma_start3A_480, %add3A, %dma_start3A_481, %dma_start3A_482] : memref<200x4x32x8x128xf32, #tpu.memory_space<hbm>> -> memref<1x4x1x8x128xf32, #tpu.memory_space<hbm>>
      %dma_start3A_484 = tpu.memref_squeeze %dma_start3A_483 : memref<1x4x1x8x128xf32, #tpu.memory_space<hbm>> -> memref<4x8x128xf32, #tpu.memory_space<hbm>>
      %dma_start3A_485 = arith.constant 0 : i32
      %dma_start3A_486 = arith.constant 0 : i32
      %dma_start3A_487 = arith.constant 0 : i32
      %dma_start3A_488 = tpu.memref_slice %arg17[%dma_start3A_485, %dma_start3A_486, %dma_start3A_487] : memref<4x8x129xf32, #tpu.memory_space<vmem>> -> memref<4x8x128xf32, #tpu.memory_space<vmem>>
      tpu.enqueue_dma source(%dma_start3A_488 : memref<4x8x128xf32, #tpu.memory_space<vmem>>) target(%dma_start3A_484 : memref<4x8x128xf32, #tpu.memory_space<hbm>>) target_semaphore(%arg33 : memref<!tpu.dma_semaphore, #tpu.memory_space<semaphore_mem>>)
      %add3A_489 = arith.constant 8 : i32
      %add3A_490 = arith.addi %add3A_455, %add3A_489 : i32
      %lt3A_491 = arith.constant 200 : i32
      %lt3A_492 = arith.cmpi slt, %add3A_490, %lt3A_491 : i32
      %convert_element_type3A_493 = arith.extui %lt3A_492 : i1 to i32
      %cond3A_494 = arith.constant 0 : i32
      %cond3A_495 = arith.cmpi ne, %convert_element_type3A_493, %cond3A_494 : i32
      scf.if %cond3A_495 {
        %add3A_672 = arith.constant 8 : i32
        %add3A_673 = arith.addi %add3A_455, %add3A_672 : i32
        %dma_start3A_674 = arith.constant 0 : i32
        %dma_start3A_675 = tpu.memref_slice %arg5[%add3A_673, %dma_start3A_674] : memref<200x128xi32, #tpu.memory_space<vmem>> -> memref<1x128xi32, #tpu.memory_space<vmem>>
        %dma_start3A_676 = tpu.memref_squeeze %dma_start3A_675 : memref<1x128xi32, #tpu.memory_space<vmem>> -> memref<128xi32, #tpu.memory_space<vmem>>
        %dma_start3A_677 = arith.constant 0 : i32
        %dma_start3A_678 = arith.constant 0 : i32
        %dma_start3A_679 = tpu.memref_slice %arg3[%dma_start3A_677, %dma_start3A_678] : memref<1000000x32xf32, #tpu.memory_space<hbm>> -> memref<1000000x32xf32, #tpu.memory_space<hbm>>
        tpu.enqueue_indirect_dma source(%dma_start3A_679 : memref<1000000x32xf32, #tpu.memory_space<hbm>>) target(%arg9 : memref<128x32xf32, #tpu.memory_space<vmem>>) offsets(%dma_start3A_676 : memref<128xi32, #tpu.memory_space<vmem>>) semaphore(%arg25 : memref<!tpu.dma_semaphore, #tpu.memory_space<semaphore_mem>>)
      } else {
      }
      %mul3A_496 = arith.constant 8 : i32
      %mul3A_497 = arith.muli %scan3A_322, %mul3A_496 : i32
      %add3A_498 = arith.constant 4 : i32
      %add3A_499 = arith.addi %mul3A_497, %add3A_498 : i32
      %dma_wait3A_500 = arith.constant 0 : i32
      %dma_wait3A_501 = arith.constant 0 : i32
      %dma_wait3A_502 = tpu.memref_slice %arg5[%dma_wait3A_500, %dma_wait3A_501] : memref<200x128xi32, #tpu.memory_space<vmem>> -> memref<1x128xi32, #tpu.memory_space<vmem>>
      %dma_wait3A_503 = tpu.memref_squeeze %dma_wait3A_502 : memref<1x128xi32, #tpu.memory_space<vmem>> -> memref<128xi32, #tpu.memory_space<vmem>>
      %dma_wait3A_504 = arith.constant 0 : i32
      %dma_wait3A_505 = arith.constant 0 : i32
      %dma_wait3A_506 = tpu.memref_slice %arg3[%dma_wait3A_504, %dma_wait3A_505] : memref<1000000x32xf32, #tpu.memory_space<hbm>> -> memref<1000000x32xf32, #tpu.memory_space<hbm>>
      tpu.wait_indirect_dma semaphore(%arg26 : memref<!tpu.dma_semaphore, #tpu.memory_space<semaphore_mem>>) src(%dma_wait3A_506 : memref<1000000x32xf32, #tpu.memory_space<hbm>>) dst(%arg10 : memref<128x32xf32, #tpu.memory_space<vmem>>)
      %ne3A_507 = arith.constant 0 : i32
      %ne3A_508 = arith.cmpi ne, %scan3A_322, %ne3A_507 : i32
      %convert_element_type3A_509 = arith.extui %ne3A_508 : i1 to i32
      %cond3A_510 = arith.constant 0 : i32
      %cond3A_511 = arith.cmpi ne, %convert_element_type3A_509, %cond3A_510 : i32
      scf.if %cond3A_511 {
        %dma_wait3A_672 = arith.constant 0 : i32
        %dma_wait3A_673 = arith.constant 0 : i32
        %dma_wait3A_674 = arith.constant 0 : i32
        %dma_wait3A_675 = arith.constant 0 : i32
        %dma_wait3A_676 = tpu.memref_slice %arg18[%dma_wait3A_673, %dma_wait3A_674, %dma_wait3A_675] : memref<4x8x129xf32, #tpu.memory_space<vmem>> -> memref<4x8x128xf32, #tpu.memory_space<vmem>>
        %dma_wait3A_677 = arith.constant 0 : i32
        %dma_wait3A_678 = arith.constant 0 : i32
        %dma_wait3A_679 = arith.constant 0 : i32
        %dma_wait3A_680 = tpu.memref_slice %arg4[%dma_wait3A_672, %dma_wait3A_677, %add3A, %dma_wait3A_678, %dma_wait3A_679] : memref<200x4x32x8x128xf32, #tpu.memory_space<hbm>> -> memref<1x4x1x8x128xf32, #tpu.memory_space<hbm>>
        %dma_wait3A_681 = tpu.memref_squeeze %dma_wait3A_680 : memref<1x4x1x8x128xf32, #tpu.memory_space<hbm>> -> memref<4x8x128xf32, #tpu.memory_space<hbm>>
        %dma_wait3A_682 = arith.constant 0 : i32
        %dma_wait3A_683 = arith.constant 0 : i32
        %dma_wait3A_684 = arith.constant 0 : i32
        %dma_wait3A_685 = tpu.memref_slice %arg4[%dma_wait3A_672, %dma_wait3A_682, %add3A, %dma_wait3A_683, %dma_wait3A_684] : memref<200x4x32x8x128xf32, #tpu.memory_space<hbm>> -> memref<1x4x1x8x128xf32, #tpu.memory_space<hbm>>
        %dma_wait3A_686 = tpu.memref_squeeze %dma_wait3A_685 : memref<1x4x1x8x128xf32, #tpu.memory_space<hbm>> -> memref<4x8x128xf32, #tpu.memory_space<hbm>>
        %dma_wait3A_687 = arith.constant 0 : i32
        %dma_wait3A_688 = arith.constant 0 : i32
        %dma_wait3A_689 = arith.constant 0 : i32
        %dma_wait3A_690 = tpu.memref_slice %arg18[%dma_wait3A_687, %dma_wait3A_688, %dma_wait3A_689] : memref<4x8x129xf32, #tpu.memory_space<vmem>> -> memref<4x8x128xf32, #tpu.memory_space<vmem>>
        tpu.wait_dma2 semaphore(%arg34 : memref<!tpu.dma_semaphore, #tpu.memory_space<semaphore_mem>>) src(%dma_wait3A_690 : memref<4x8x128xf32, #tpu.memory_space<vmem>>) dst(%dma_wait3A_686 : memref<4x8x128xf32, #tpu.memory_space<hbm>>)
      } else {
      }
      %parallel_loop3A_512 = arith.constant 0 : i32
      %parallel_loop3A_513 = arith.constant 128 : i32
      %parallel_loop3A_514 = arith.constant 1 : i32
      scf.for %parallel_loop3A_672 = %parallel_loop3A_512 to %parallel_loop3A_513 step %parallel_loop3A_514  : i32 {
        %parallel_loop3A_673 = vector.broadcast %parallel_loop3A_672 : i32 to vector<16xi32>
        %parallel_loop3A_674 = arith.index_cast %parallel_loop3A_672 : i32 to index
        %parallel_loop3A_675 = arith.constant 0 : index
        %parallel_loop3A_676 = tpu.vector_load %arg10[%parallel_loop3A_674, %parallel_loop3A_675] {strides = array<i32>} : memref<128x32xf32, #tpu.memory_space<vmem>>, vector<16xf32>,
        tpu.vector_store_idx %arg18[%select_n3A, %select_n3A_85, %parallel_loop3A_673], %parallel_loop3A_676 : memref<4x8x129xf32, #tpu.memory_space<vmem>>[vector<16xi32>, vector<16xi32>, vector<16xi32>], vector<16xf32>,
        %parallel_loop3A_677 = arith.index_cast %parallel_loop3A_672 : i32 to index
        %parallel_loop3A_678 = arith.constant 16 : index
        %parallel_loop3A_679 = tpu.vector_load %arg10[%parallel_loop3A_677, %parallel_loop3A_678] {strides = array<i32>} : memref<128x32xf32, #tpu.memory_space<vmem>>, vector<16xf32>,
        tpu.vector_store_idx %arg18[%select_n3A_62, %select_n3A_110, %parallel_loop3A_673], %parallel_loop3A_679 : memref<4x8x129xf32, #tpu.memory_space<vmem>>[vector<16xi32>, vector<16xi32>, vector<16xi32>], vector<16xf32>,
      } {sc.loop_unroll_factor = 8 : i64, sc.parallel_access}
      %dma_start3A_515 = arith.constant 0 : i32
      %dma_start3A_516 = arith.constant 0 : i32
      %dma_start3A_517 = arith.constant 0 : i32
      %dma_start3A_518 = tpu.memref_slice %arg18[%dma_start3A_515, %dma_start3A_516, %dma_start3A_517] : memref<4x8x129xf32, #tpu.memory_space<vmem>> -> memref<4x8x128xf32, #tpu.memory_space<vmem>>
      %dma_start3A_519 = arith.constant 0 : i32
      %dma_start3A_520 = arith.constant 0 : i32
      %dma_start3A_521 = arith.constant 0 : i32
      %dma_start3A_522 = tpu.memref_slice %arg4[%add3A_499, %dma_start3A_519, %add3A, %dma_start3A_520, %dma_start3A_521] : memref<200x4x32x8x128xf32, #tpu.memory_space<hbm>> -> memref<1x4x1x8x128xf32, #tpu.memory_space<hbm>>
      %dma_start3A_523 = tpu.memref_squeeze %dma_start3A_522 : memref<1x4x1x8x128xf32, #tpu.memory_space<hbm>> -> memref<4x8x128xf32, #tpu.memory_space<hbm>>
      %dma_start3A_524 = arith.constant 0 : i32
      %dma_start3A_525 = arith.constant 0 : i32
      %dma_start3A_526 = arith.constant 0 : i32
      %dma_start3A_527 = tpu.memref_slice %arg4[%add3A_499, %dma_start3A_524, %add3A, %dma_start3A_525, %dma_start3A_526] : memref<200x4x32x8x128xf32, #tpu.memory_space<hbm>> -> memref<1x4x1x8x128xf32, #tpu.memory_space<hbm>>
      %dma_start3A_528 = tpu.memref_squeeze %dma_start3A_527 : memref<1x4x1x8x128xf32, #tpu.memory_space<hbm>> -> memref<4x8x128xf32, #tpu.memory_space<hbm>>
      %dma_start3A_529 = arith.constant 0 : i32
      %dma_start3A_530 = arith.constant 0 : i32
      %dma_start3A_531 = arith.constant 0 : i32
      %dma_start3A_532 = tpu.memref_slice %arg18[%dma_start3A_529, %dma_start3A_530, %dma_start3A_531] : memref<4x8x129xf32, #tpu.memory_space<vmem>> -> memref<4x8x128xf32, #tpu.memory_space<vmem>>
      tpu.enqueue_dma source(%dma_start3A_532 : memref<4x8x128xf32, #tpu.memory_space<vmem>>) target(%dma_start3A_528 : memref<4x8x128xf32, #tpu.memory_space<hbm>>) target_semaphore(%arg34 : memref<!tpu.dma_semaphore, #tpu.memory_space<semaphore_mem>>)
      %add3A_533 = arith.constant 8 : i32
      %add3A_534 = arith.addi %add3A_499, %add3A_533 : i32
      %lt3A_535 = arith.constant 200 : i32
      %lt3A_536 = arith.cmpi slt, %add3A_534, %lt3A_535 : i32
      %convert_element_type3A_537 = arith.extui %lt3A_536 : i1 to i32
      %cond3A_538 = arith.constant 0 : i32
      %cond3A_539 = arith.cmpi ne, %convert_element_type3A_537, %cond3A_538 : i32
      scf.if %cond3A_539 {
        %add3A_672 = arith.constant 8 : i32
        %add3A_673 = arith.addi %add3A_499, %add3A_672 : i32
        %dma_start3A_674 = arith.constant 0 : i32
        %dma_start3A_675 = tpu.memref_slice %arg5[%add3A_673, %dma_start3A_674] : memref<200x128xi32, #tpu.memory_space<vmem>> -> memref<1x128xi32, #tpu.memory_space<vmem>>
        %dma_start3A_676 = tpu.memref_squeeze %dma_start3A_675 : memref<1x128xi32, #tpu.memory_space<vmem>> -> memref<128xi32, #tpu.memory_space<vmem>>
        %dma_start3A_677 = arith.constant 0 : i32
        %dma_start3A_678 = arith.constant 0 : i32
        %dma_start3A_679 = tpu.memref_slice %arg3[%dma_start3A_677, %dma_start3A_678] : memref<1000000x32xf32, #tpu.memory_space<hbm>> -> memref<1000000x32xf32, #tpu.memory_space<hbm>>
        tpu.enqueue_indirect_dma source(%dma_start3A_679 : memref<1000000x32xf32, #tpu.memory_space<hbm>>) target(%arg10 : memref<128x32xf32, #tpu.memory_space<vmem>>) offsets(%dma_start3A_676 : memref<128xi32, #tpu.memory_space<vmem>>) semaphore(%arg26 : memref<!tpu.dma_semaphore, #tpu.memory_space<semaphore_mem>>)
      } else {
      }
      %mul3A_540 = arith.constant 8 : i32
      %mul3A_541 = arith.muli %scan3A_322, %mul3A_540 : i32
      %add3A_542 = arith.constant 5 : i32
      %add3A_543 = arith.addi %mul3A_541, %add3A_542 : i32
      %dma_wait3A_544 = arith.constant 0 : i32
      %dma_wait3A_545 = arith.constant 0 : i32
      %dma_wait3A_546 = tpu.memref_slice %arg5[%dma_wait3A_544, %dma_wait3A_545] : memref<200x128xi32, #tpu.memory_space<vmem>> -> memref<1x128xi32, #tpu.memory_space<vmem>>
      %dma_wait3A_547 = tpu.memref_squeeze %dma_wait3A_546 : memref<1x128xi32, #tpu.memory_space<vmem>> -> memref<128xi32, #tpu.memory_space<vmem>>
      %dma_wait3A_548 = arith.constant 0 : i32
      %dma_wait3A_549 = arith.constant 0 : i32
      %dma_wait3A_550 = tpu.memref_slice %arg3[%dma_wait3A_548, %dma_wait3A_549] : memref<1000000x32xf32, #tpu.memory_space<hbm>> -> memref<1000000x32xf32, #tpu.memory_space<hbm>>
      tpu.wait_indirect_dma semaphore(%arg27 : memref<!tpu.dma_semaphore, #tpu.memory_space<semaphore_mem>>) src(%dma_wait3A_550 : memref<1000000x32xf32, #tpu.memory_space<hbm>>) dst(%arg11 : memref<128x32xf32, #tpu.memory_space<vmem>>)
      %ne3A_551 = arith.constant 0 : i32
      %ne3A_552 = arith.cmpi ne, %scan3A_322, %ne3A_551 : i32
      %convert_element_type3A_553 = arith.extui %ne3A_552 : i1 to i32
      %cond3A_554 = arith.constant 0 : i32
      %cond3A_555 = arith.cmpi ne, %convert_element_type3A_553, %cond3A_554 : i32
      scf.if %cond3A_555 {
        %dma_wait3A_672 = arith.constant 0 : i32
        %dma_wait3A_673 = arith.constant 0 : i32
        %dma_wait3A_674 = arith.constant 0 : i32
        %dma_wait3A_675 = arith.constant 0 : i32
        %dma_wait3A_676 = tpu.memref_slice %arg19[%dma_wait3A_673, %dma_wait3A_674, %dma_wait3A_675] : memref<4x8x129xf32, #tpu.memory_space<vmem>> -> memref<4x8x128xf32, #tpu.memory_space<vmem>>
        %dma_wait3A_677 = arith.constant 0 : i32
        %dma_wait3A_678 = arith.constant 0 : i32
        %dma_wait3A_679 = arith.constant 0 : i32
        %dma_wait3A_680 = tpu.memref_slice %arg4[%dma_wait3A_672, %dma_wait3A_677, %add3A, %dma_wait3A_678, %dma_wait3A_679] : memref<200x4x32x8x128xf32, #tpu.memory_space<hbm>> -> memref<1x4x1x8x128xf32, #tpu.memory_space<hbm>>
        %dma_wait3A_681 = tpu.memref_squeeze %dma_wait3A_680 : memref<1x4x1x8x128xf32, #tpu.memory_space<hbm>> -> memref<4x8x128xf32, #tpu.memory_space<hbm>>
        %dma_wait3A_682 = arith.constant 0 : i32
        %dma_wait3A_683 = arith.constant 0 : i32
        %dma_wait3A_684 = arith.constant 0 : i32
        %dma_wait3A_685 = tpu.memref_slice %arg4[%dma_wait3A_672, %dma_wait3A_682, %add3A, %dma_wait3A_683, %dma_wait3A_684] : memref<200x4x32x8x128xf32, #tpu.memory_space<hbm>> -> memref<1x4x1x8x128xf32, #tpu.memory_space<hbm>>
        %dma_wait3A_686 = tpu.memref_squeeze %dma_wait3A_685 : memref<1x4x1x8x128xf32, #tpu.memory_space<hbm>> -> memref<4x8x128xf32, #tpu.memory_space<hbm>>
        %dma_wait3A_687 = arith.constant 0 : i32
        %dma_wait3A_688 = arith.constant 0 : i32
        %dma_wait3A_689 = arith.constant 0 : i32
        %dma_wait3A_690 = tpu.memref_slice %arg19[%dma_wait3A_687, %dma_wait3A_688, %dma_wait3A_689] : memref<4x8x129xf32, #tpu.memory_space<vmem>> -> memref<4x8x128xf32, #tpu.memory_space<vmem>>
        tpu.wait_dma2 semaphore(%arg35 : memref<!tpu.dma_semaphore, #tpu.memory_space<semaphore_mem>>) src(%dma_wait3A_690 : memref<4x8x128xf32, #tpu.memory_space<vmem>>) dst(%dma_wait3A_686 : memref<4x8x128xf32, #tpu.memory_space<hbm>>)
      } else {
      }
      %parallel_loop3A_556 = arith.constant 0 : i32
      %parallel_loop3A_557 = arith.constant 128 : i32
      %parallel_loop3A_558 = arith.constant 1 : i32
      scf.for %parallel_loop3A_672 = %parallel_loop3A_556 to %parallel_loop3A_557 step %parallel_loop3A_558  : i32 {
        %parallel_loop3A_673 = vector.broadcast %parallel_loop3A_672 : i32 to vector<16xi32>
        %parallel_loop3A_674 = arith.index_cast %parallel_loop3A_672 : i32 to index
        %parallel_loop3A_675 = arith.constant 0 : index
        %parallel_loop3A_676 = tpu.vector_load %arg11[%parallel_loop3A_674, %parallel_loop3A_675] {strides = array<i32>} : memref<128x32xf32, #tpu.memory_space<vmem>>, vector<16xf32>,
        tpu.vector_store_idx %arg19[%select_n3A, %select_n3A_85, %parallel_loop3A_673], %parallel_loop3A_676 : memref<4x8x129xf32, #tpu.memory_space<vmem>>[vector<16xi32>, vector<16xi32>, vector<16xi32>], vector<16xf32>,
        %parallel_loop3A_677 = arith.index_cast %parallel_loop3A_672 : i32 to index
        %parallel_loop3A_678 = arith.constant 16 : index
        %parallel_loop3A_679 = tpu.vector_load %arg11[%parallel_loop3A_677, %parallel_loop3A_678] {strides = array<i32>} : memref<128x32xf32, #tpu.memory_space<vmem>>, vector<16xf32>,
        tpu.vector_store_idx %arg19[%select_n3A_62, %select_n3A_110, %parallel_loop3A_673], %parallel_loop3A_679 : memref<4x8x129xf32, #tpu.memory_space<vmem>>[vector<16xi32>, vector<16xi32>, vector<16xi32>], vector<16xf32>,
      } {sc.loop_unroll_factor = 8 : i64, sc.parallel_access}
      %dma_start3A_559 = arith.constant 0 : i32
      %dma_start3A_560 = arith.constant 0 : i32
      %dma_start3A_561 = arith.constant 0 : i32
      %dma_start3A_562 = tpu.memref_slice %arg19[%dma_start3A_559, %dma_start3A_560, %dma_start3A_561] : memref<4x8x129xf32, #tpu.memory_space<vmem>> -> memref<4x8x128xf32, #tpu.memory_space<vmem>>
      %dma_start3A_563 = arith.constant 0 : i32
      %dma_start3A_564 = arith.constant 0 : i32
      %dma_start3A_565 = arith.constant 0 : i32
      %dma_start3A_566 = tpu.memref_slice %arg4[%add3A_543, %dma_start3A_563, %add3A, %dma_start3A_564, %dma_start3A_565] : memref<200x4x32x8x128xf32, #tpu.memory_space<hbm>> -> memref<1x4x1x8x128xf32, #tpu.memory_space<hbm>>
      %dma_start3A_567 = tpu.memref_squeeze %dma_start3A_566 : memref<1x4x1x8x128xf32, #tpu.memory_space<hbm>> -> memref<4x8x128xf32, #tpu.memory_space<hbm>>
      %dma_start3A_568 = arith.constant 0 : i32
      %dma_start3A_569 = arith.constant 0 : i32
      %dma_start3A_570 = arith.constant 0 : i32
      %dma_start3A_571 = tpu.memref_slice %arg4[%add3A_543, %dma_start3A_568, %add3A, %dma_start3A_569, %dma_start3A_570] : memref<200x4x32x8x128xf32, #tpu.memory_space<hbm>> -> memref<1x4x1x8x128xf32, #tpu.memory_space<hbm>>
      %dma_start3A_572 = tpu.memref_squeeze %dma_start3A_571 : memref<1x4x1x8x128xf32, #tpu.memory_space<hbm>> -> memref<4x8x128xf32, #tpu.memory_space<hbm>>
      %dma_start3A_573 = arith.constant 0 : i32
      %dma_start3A_574 = arith.constant 0 : i32
      %dma_start3A_575 = arith.constant 0 : i32
      %dma_start3A_576 = tpu.memref_slice %arg19[%dma_start3A_573, %dma_start3A_574, %dma_start3A_575] : memref<4x8x129xf32, #tpu.memory_space<vmem>> -> memref<4x8x128xf32, #tpu.memory_space<vmem>>
      tpu.enqueue_dma source(%dma_start3A_576 : memref<4x8x128xf32, #tpu.memory_space<vmem>>) target(%dma_start3A_572 : memref<4x8x128xf32, #tpu.memory_space<hbm>>) target_semaphore(%arg35 : memref<!tpu.dma_semaphore, #tpu.memory_space<semaphore_mem>>)
      %add3A_577 = arith.constant 8 : i32
      %add3A_578 = arith.addi %add3A_543, %add3A_577 : i32
      %lt3A_579 = arith.constant 200 : i32
      %lt3A_580 = arith.cmpi slt, %add3A_578, %lt3A_579 : i32
      %convert_element_type3A_581 = arith.extui %lt3A_580 : i1 to i32
      %cond3A_582 = arith.constant 0 : i32
      %cond3A_583 = arith.cmpi ne, %convert_element_type3A_581, %cond3A_582 : i32
      scf.if %cond3A_583 {
        %add3A_672 = arith.constant 8 : i32
        %add3A_673 = arith.addi %add3A_543, %add3A_672 : i32
        %dma_start3A_674 = arith.constant 0 : i32
        %dma_start3A_675 = tpu.memref_slice %arg5[%add3A_673, %dma_start3A_674] : memref<200x128xi32, #tpu.memory_space<vmem>> -> memref<1x128xi32, #tpu.memory_space<vmem>>
        %dma_start3A_676 = tpu.memref_squeeze %dma_start3A_675 : memref<1x128xi32, #tpu.memory_space<vmem>> -> memref<128xi32, #tpu.memory_space<vmem>>
        %dma_start3A_677 = arith.constant 0 : i32
        %dma_start3A_678 = arith.constant 0 : i32
        %dma_start3A_679 = tpu.memref_slice %arg3[%dma_start3A_677, %dma_start3A_678] : memref<1000000x32xf32, #tpu.memory_space<hbm>> -> memref<1000000x32xf32, #tpu.memory_space<hbm>>
        tpu.enqueue_indirect_dma source(%dma_start3A_679 : memref<1000000x32xf32, #tpu.memory_space<hbm>>) target(%arg11 : memref<128x32xf32, #tpu.memory_space<vmem>>) offsets(%dma_start3A_676 : memref<128xi32, #tpu.memory_space<vmem>>) semaphore(%arg27 : memref<!tpu.dma_semaphore, #tpu.memory_space<semaphore_mem>>)
      } else {
      }
      %mul3A_584 = arith.constant 8 : i32
      %mul3A_585 = arith.muli %scan3A_322, %mul3A_584 : i32
      %add3A_586 = arith.constant 6 : i32
      %add3A_587 = arith.addi %mul3A_585, %add3A_586 : i32
      %dma_wait3A_588 = arith.constant 0 : i32
      %dma_wait3A_589 = arith.constant 0 : i32
      %dma_wait3A_590 = tpu.memref_slice %arg5[%dma_wait3A_588, %dma_wait3A_589] : memref<200x128xi32, #tpu.memory_space<vmem>> -> memref<1x128xi32, #tpu.memory_space<vmem>>
      %dma_wait3A_591 = tpu.memref_squeeze %dma_wait3A_590 : memref<1x128xi32, #tpu.memory_space<vmem>> -> memref<128xi32, #tpu.memory_space<vmem>>
      %dma_wait3A_592 = arith.constant 0 : i32
      %dma_wait3A_593 = arith.constant 0 : i32
      %dma_wait3A_594 = tpu.memref_slice %arg3[%dma_wait3A_592, %dma_wait3A_593] : memref<1000000x32xf32, #tpu.memory_space<hbm>> -> memref<1000000x32xf32, #tpu.memory_space<hbm>>
      tpu.wait_indirect_dma semaphore(%arg28 : memref<!tpu.dma_semaphore, #tpu.memory_space<semaphore_mem>>) src(%dma_wait3A_594 : memref<1000000x32xf32, #tpu.memory_space<hbm>>) dst(%arg12 : memref<128x32xf32, #tpu.memory_space<vmem>>)
      %ne3A_595 = arith.constant 0 : i32
      %ne3A_596 = arith.cmpi ne, %scan3A_322, %ne3A_595 : i32
      %convert_element_type3A_597 = arith.extui %ne3A_596 : i1 to i32
      %cond3A_598 = arith.constant 0 : i32
      %cond3A_599 = arith.cmpi ne, %convert_element_type3A_597, %cond3A_598 : i32
      scf.if %cond3A_599 {
        %dma_wait3A_672 = arith.constant 0 : i32
        %dma_wait3A_673 = arith.constant 0 : i32
        %dma_wait3A_674 = arith.constant 0 : i32
        %dma_wait3A_675 = arith.constant 0 : i32
        %dma_wait3A_676 = tpu.memref_slice %arg20[%dma_wait3A_673, %dma_wait3A_674, %dma_wait3A_675] : memref<4x8x129xf32, #tpu.memory_space<vmem>> -> memref<4x8x128xf32, #tpu.memory_space<vmem>>
        %dma_wait3A_677 = arith.constant 0 : i32
        %dma_wait3A_678 = arith.constant 0 : i32
        %dma_wait3A_679 = arith.constant 0 : i32
        %dma_wait3A_680 = tpu.memref_slice %arg4[%dma_wait3A_672, %dma_wait3A_677, %add3A, %dma_wait3A_678, %dma_wait3A_679] : memref<200x4x32x8x128xf32, #tpu.memory_space<hbm>> -> memref<1x4x1x8x128xf32, #tpu.memory_space<hbm>>
        %dma_wait3A_681 = tpu.memref_squeeze %dma_wait3A_680 : memref<1x4x1x8x128xf32, #tpu.memory_space<hbm>> -> memref<4x8x128xf32, #tpu.memory_space<hbm>>
        %dma_wait3A_682 = arith.constant 0 : i32
        %dma_wait3A_683 = arith.constant 0 : i32
        %dma_wait3A_684 = arith.constant 0 : i32
        %dma_wait3A_685 = tpu.memref_slice %arg4[%dma_wait3A_672, %dma_wait3A_682, %add3A, %dma_wait3A_683, %dma_wait3A_684] : memref<200x4x32x8x128xf32, #tpu.memory_space<hbm>> -> memref<1x4x1x8x128xf32, #tpu.memory_space<hbm>>
        %dma_wait3A_686 = tpu.memref_squeeze %dma_wait3A_685 : memref<1x4x1x8x128xf32, #tpu.memory_space<hbm>> -> memref<4x8x128xf32, #tpu.memory_space<hbm>>
        %dma_wait3A_687 = arith.constant 0 : i32
        %dma_wait3A_688 = arith.constant 0 : i32
        %dma_wait3A_689 = arith.constant 0 : i32
        %dma_wait3A_690 = tpu.memref_slice %arg20[%dma_wait3A_687, %dma_wait3A_688, %dma_wait3A_689] : memref<4x8x129xf32, #tpu.memory_space<vmem>> -> memref<4x8x128xf32, #tpu.memory_space<vmem>>
        tpu.wait_dma2 semaphore(%arg36 : memref<!tpu.dma_semaphore, #tpu.memory_space<semaphore_mem>>) src(%dma_wait3A_690 : memref<4x8x128xf32, #tpu.memory_space<vmem>>) dst(%dma_wait3A_686 : memref<4x8x128xf32, #tpu.memory_space<hbm>>)
      } else {
      }
      %parallel_loop3A_600 = arith.constant 0 : i32
      %parallel_loop3A_601 = arith.constant 128 : i32
      %parallel_loop3A_602 = arith.constant 1 : i32
      scf.for %parallel_loop3A_672 = %parallel_loop3A_600 to %parallel_loop3A_601 step %parallel_loop3A_602  : i32 {
        %parallel_loop3A_673 = vector.broadcast %parallel_loop3A_672 : i32 to vector<16xi32>
        %parallel_loop3A_674 = arith.index_cast %parallel_loop3A_672 : i32 to index
        %parallel_loop3A_675 = arith.constant 0 : index
        %parallel_loop3A_676 = tpu.vector_load %arg12[%parallel_loop3A_674, %parallel_loop3A_675] {strides = array<i32>} : memref<128x32xf32, #tpu.memory_space<vmem>>, vector<16xf32>,
        tpu.vector_store_idx %arg20[%select_n3A, %select_n3A_85, %parallel_loop3A_673], %parallel_loop3A_676 : memref<4x8x129xf32, #tpu.memory_space<vmem>>[vector<16xi32>, vector<16xi32>, vector<16xi32>], vector<16xf32>,
        %parallel_loop3A_677 = arith.index_cast %parallel_loop3A_672 : i32 to index
        %parallel_loop3A_678 = arith.constant 16 : index
        %parallel_loop3A_679 = tpu.vector_load %arg12[%parallel_loop3A_677, %parallel_loop3A_678] {strides = array<i32>} : memref<128x32xf32, #tpu.memory_space<vmem>>, vector<16xf32>,
        tpu.vector_store_idx %arg20[%select_n3A_62, %select_n3A_110, %parallel_loop3A_673], %parallel_loop3A_679 : memref<4x8x129xf32, #tpu.memory_space<vmem>>[vector<16xi32>, vector<16xi32>, vector<16xi32>], vector<16xf32>,
      } {sc.loop_unroll_factor = 8 : i64, sc.parallel_access}
      %dma_start3A_603 = arith.constant 0 : i32
      %dma_start3A_604 = arith.constant 0 : i32
      %dma_start3A_605 = arith.constant 0 : i32
      %dma_start3A_606 = tpu.memref_slice %arg20[%dma_start3A_603, %dma_start3A_604, %dma_start3A_605] : memref<4x8x129xf32, #tpu.memory_space<vmem>> -> memref<4x8x128xf32, #tpu.memory_space<vmem>>
      %dma_start3A_607 = arith.constant 0 : i32
      %dma_start3A_608 = arith.constant 0 : i32
      %dma_start3A_609 = arith.constant 0 : i32
      %dma_start3A_610 = tpu.memref_slice %arg4[%add3A_587, %dma_start3A_607, %add3A, %dma_start3A_608, %dma_start3A_609] : memref<200x4x32x8x128xf32, #tpu.memory_space<hbm>> -> memref<1x4x1x8x128xf32, #tpu.memory_space<hbm>>
      %dma_start3A_611 = tpu.memref_squeeze %dma_start3A_610 : memref<1x4x1x8x128xf32, #tpu.memory_space<hbm>> -> memref<4x8x128xf32, #tpu.memory_space<hbm>>
      %dma_start3A_612 = arith.constant 0 : i32
      %dma_start3A_613 = arith.constant 0 : i32
      %dma_start3A_614 = arith.constant 0 : i32
      %dma_start3A_615 = tpu.memref_slice %arg4[%add3A_587, %dma_start3A_612, %add3A, %dma_start3A_613, %dma_start3A_614] : memref<200x4x32x8x128xf32, #tpu.memory_space<hbm>> -> memref<1x4x1x8x128xf32, #tpu.memory_space<hbm>>
      %dma_start3A_616 = tpu.memref_squeeze %dma_start3A_615 : memref<1x4x1x8x128xf32, #tpu.memory_space<hbm>> -> memref<4x8x128xf32, #tpu.memory_space<hbm>>
      %dma_start3A_617 = arith.constant 0 : i32
      %dma_start3A_618 = arith.constant 0 : i32
      %dma_start3A_619 = arith.constant 0 : i32
      %dma_start3A_620 = tpu.memref_slice %arg20[%dma_start3A_617, %dma_start3A_618, %dma_start3A_619] : memref<4x8x129xf32, #tpu.memory_space<vmem>> -> memref<4x8x128xf32, #tpu.memory_space<vmem>>
      tpu.enqueue_dma source(%dma_start3A_620 : memref<4x8x128xf32, #tpu.memory_space<vmem>>) target(%dma_start3A_616 : memref<4x8x128xf32, #tpu.memory_space<hbm>>) target_semaphore(%arg36 : memref<!tpu.dma_semaphore, #tpu.memory_space<semaphore_mem>>)
      %add3A_621 = arith.constant 8 : i32
      %add3A_622 = arith.addi %add3A_587, %add3A_621 : i32
      %lt3A_623 = arith.constant 200 : i32
      %lt3A_624 = arith.cmpi slt, %add3A_622, %lt3A_623 : i32
      %convert_element_type3A_625 = arith.extui %lt3A_624 : i1 to i32
      %cond3A_626 = arith.constant 0 : i32
      %cond3A_627 = arith.cmpi ne, %convert_element_type3A_625, %cond3A_626 : i32
      scf.if %cond3A_627 {
        %add3A_672 = arith.constant 8 : i32
        %add3A_673 = arith.addi %add3A_587, %add3A_672 : i32
        %dma_start3A_674 = arith.constant 0 : i32
        %dma_start3A_675 = tpu.memref_slice %arg5[%add3A_673, %dma_start3A_674] : memref<200x128xi32, #tpu.memory_space<vmem>> -> memref<1x128xi32, #tpu.memory_space<vmem>>
        %dma_start3A_676 = tpu.memref_squeeze %dma_start3A_675 : memref<1x128xi32, #tpu.memory_space<vmem>> -> memref<128xi32, #tpu.memory_space<vmem>>
        %dma_start3A_677 = arith.constant 0 : i32
        %dma_start3A_678 = arith.constant 0 : i32
        %dma_start3A_679 = tpu.memref_slice %arg3[%dma_start3A_677, %dma_start3A_678] : memref<1000000x32xf32, #tpu.memory_space<hbm>> -> memref<1000000x32xf32, #tpu.memory_space<hbm>>
        tpu.enqueue_indirect_dma source(%dma_start3A_679 : memref<1000000x32xf32, #tpu.memory_space<hbm>>) target(%arg12 : memref<128x32xf32, #tpu.memory_space<vmem>>) offsets(%dma_start3A_676 : memref<128xi32, #tpu.memory_space<vmem>>) semaphore(%arg28 : memref<!tpu.dma_semaphore, #tpu.memory_space<semaphore_mem>>)
      } else {
      }
      %mul3A_628 = arith.constant 8 : i32
      %mul3A_629 = arith.muli %scan3A_322, %mul3A_628 : i32
      %add3A_630 = arith.constant 7 : i32
      %add3A_631 = arith.addi %mul3A_629, %add3A_630 : i32
      %dma_wait3A_632 = arith.constant 0 : i32
      %dma_wait3A_633 = arith.constant 0 : i32
      %dma_wait3A_634 = tpu.memref_slice %arg5[%dma_wait3A_632, %dma_wait3A_633] : memref<200x128xi32, #tpu.memory_space<vmem>> -> memref<1x128xi32, #tpu.memory_space<vmem>>
      %dma_wait3A_635 = tpu.memref_squeeze %dma_wait3A_634 : memref<1x128xi32, #tpu.memory_space<vmem>> -> memref<128xi32, #tpu.memory_space<vmem>>
      %dma_wait3A_636 = arith.constant 0 : i32
      %dma_wait3A_637 = arith.constant 0 : i32
      %dma_wait3A_638 = tpu.memref_slice %arg3[%dma_wait3A_636, %dma_wait3A_637] : memref<1000000x32xf32, #tpu.memory_space<hbm>> -> memref<1000000x32xf32, #tpu.memory_space<hbm>>
      tpu.wait_indirect_dma semaphore(%arg29 : memref<!tpu.dma_semaphore, #tpu.memory_space<semaphore_mem>>) src(%dma_wait3A_638 : memref<1000000x32xf32, #tpu.memory_space<hbm>>) dst(%arg13 : memref<128x32xf32, #tpu.memory_space<vmem>>)
      %ne3A_639 = arith.constant 0 : i32
      %ne3A_640 = arith.cmpi ne, %scan3A_322, %ne3A_639 : i32
      %convert_element_type3A_641 = arith.extui %ne3A_640 : i1 to i32
      %cond3A_642 = arith.constant 0 : i32
      %cond3A_643 = arith.cmpi ne, %convert_element_type3A_641, %cond3A_642 : i32
      scf.if %cond3A_643 {
        %dma_wait3A_672 = arith.constant 0 : i32
        %dma_wait3A_673 = arith.constant 0 : i32
        %dma_wait3A_674 = arith.constant 0 : i32
        %dma_wait3A_675 = arith.constant 0 : i32
        %dma_wait3A_676 = tpu.memref_slice %arg21[%dma_wait3A_673, %dma_wait3A_674, %dma_wait3A_675] : memref<4x8x129xf32, #tpu.memory_space<vmem>> -> memref<4x8x128xf32, #tpu.memory_space<vmem>>
        %dma_wait3A_677 = arith.constant 0 : i32
        %dma_wait3A_678 = arith.constant 0 : i32
        %dma_wait3A_679 = arith.constant 0 : i32
        %dma_wait3A_680 = tpu.memref_slice %arg4[%dma_wait3A_672, %dma_wait3A_677, %add3A, %dma_wait3A_678, %dma_wait3A_679] : memref<200x4x32x8x128xf32, #tpu.memory_space<hbm>> -> memref<1x4x1x8x128xf32, #tpu.memory_space<hbm>>
        %dma_wait3A_681 = tpu.memref_squeeze %dma_wait3A_680 : memref<1x4x1x8x128xf32, #tpu.memory_space<hbm>> -> memref<4x8x128xf32, #tpu.memory_space<hbm>>
        %dma_wait3A_682 = arith.constant 0 : i32
        %dma_wait3A_683 = arith.constant 0 : i32
        %dma_wait3A_684 = arith.constant 0 : i32
        %dma_wait3A_685 = tpu.memref_slice %arg4[%dma_wait3A_672, %dma_wait3A_682, %add3A, %dma_wait3A_683, %dma_wait3A_684] : memref<200x4x32x8x128xf32, #tpu.memory_space<hbm>> -> memref<1x4x1x8x128xf32, #tpu.memory_space<hbm>>
        %dma_wait3A_686 = tpu.memref_squeeze %dma_wait3A_685 : memref<1x4x1x8x128xf32, #tpu.memory_space<hbm>> -> memref<4x8x128xf32, #tpu.memory_space<hbm>>
        %dma_wait3A_687 = arith.constant 0 : i32
        %dma_wait3A_688 = arith.constant 0 : i32
        %dma_wait3A_689 = arith.constant 0 : i32
        %dma_wait3A_690 = tpu.memref_slice %arg21[%dma_wait3A_687, %dma_wait3A_688, %dma_wait3A_689] : memref<4x8x129xf32, #tpu.memory_space<vmem>> -> memref<4x8x128xf32, #tpu.memory_space<vmem>>
        tpu.wait_dma2 semaphore(%arg37 : memref<!tpu.dma_semaphore, #tpu.memory_space<semaphore_mem>>) src(%dma_wait3A_690 : memref<4x8x128xf32, #tpu.memory_space<vmem>>) dst(%dma_wait3A_686 : memref<4x8x128xf32, #tpu.memory_space<hbm>>)
      } else {
      }
      %parallel_loop3A_644 = arith.constant 0 : i32
      %parallel_loop3A_645 = arith.constant 128 : i32
      %parallel_loop3A_646 = arith.constant 1 : i32
      scf.for %parallel_loop3A_672 = %parallel_loop3A_644 to %parallel_loop3A_645 step %parallel_loop3A_646  : i32 {
        %parallel_loop3A_673 = vector.broadcast %parallel_loop3A_672 : i32 to vector<16xi32>
        %parallel_loop3A_674 = arith.index_cast %parallel_loop3A_672 : i32 to index
        %parallel_loop3A_675 = arith.constant 0 : index
        %parallel_loop3A_676 = tpu.vector_load %arg13[%parallel_loop3A_674, %parallel_loop3A_675] {strides = array<i32>} : memref<128x32xf32, #tpu.memory_space<vmem>>, vector<16xf32>,
        tpu.vector_store_idx %arg21[%select_n3A, %select_n3A_85, %parallel_loop3A_673], %parallel_loop3A_676 : memref<4x8x129xf32, #tpu.memory_space<vmem>>[vector<16xi32>, vector<16xi32>, vector<16xi32>], vector<16xf32>,
        %parallel_loop3A_677 = arith.index_cast %parallel_loop3A_672 : i32 to index
        %parallel_loop3A_678 = arith.constant 16 : index
        %parallel_loop3A_679 = tpu.vector_load %arg13[%parallel_loop3A_677, %parallel_loop3A_678] {strides = array<i32>} : memref<128x32xf32, #tpu.memory_space<vmem>>, vector<16xf32>,
        tpu.vector_store_idx %arg21[%select_n3A_62, %select_n3A_110, %parallel_loop3A_673], %parallel_loop3A_679 : memref<4x8x129xf32, #tpu.memory_space<vmem>>[vector<16xi32>, vector<16xi32>, vector<16xi32>], vector<16xf32>,
      } {sc.loop_unroll_factor = 8 : i64, sc.parallel_access}
      %dma_start3A_647 = arith.constant 0 : i32
      %dma_start3A_648 = arith.constant 0 : i32
      %dma_start3A_649 = arith.constant 0 : i32
      %dma_start3A_650 = tpu.memref_slice %arg21[%dma_start3A_647, %dma_start3A_648, %dma_start3A_649] : memref<4x8x129xf32, #tpu.memory_space<vmem>> -> memref<4x8x128xf32, #tpu.memory_space<vmem>>
      %dma_start3A_651 = arith.constant 0 : i32
      %dma_start3A_652 = arith.constant 0 : i32
      %dma_start3A_653 = arith.constant 0 : i32
      %dma_start3A_654 = tpu.memref_slice %arg4[%add3A_631, %dma_start3A_651, %add3A, %dma_start3A_652, %dma_start3A_653] : memref<200x4x32x8x128xf32, #tpu.memory_space<hbm>> -> memref<1x4x1x8x128xf32, #tpu.memory_space<hbm>>
      %dma_start3A_655 = tpu.memref_squeeze %dma_start3A_654 : memref<1x4x1x8x128xf32, #tpu.memory_space<hbm>> -> memref<4x8x128xf32, #tpu.memory_space<hbm>>
      %dma_start3A_656 = arith.constant 0 : i32
      %dma_start3A_657 = arith.constant 0 : i32
      %dma_start3A_658 = arith.constant 0 : i32
      %dma_start3A_659 = tpu.memref_slice %arg4[%add3A_631, %dma_start3A_656, %add3A, %dma_start3A_657, %dma_start3A_658] : memref<200x4x32x8x128xf32, #tpu.memory_space<hbm>> -> memref<1x4x1x8x128xf32, #tpu.memory_space<hbm>>
      %dma_start3A_660 = tpu.memref_squeeze %dma_start3A_659 : memref<1x4x1x8x128xf32, #tpu.memory_space<hbm>> -> memref<4x8x128xf32, #tpu.memory_space<hbm>>
      %dma_start3A_661 = arith.constant 0 : i32
      %dma_start3A_662 = arith.constant 0 : i32
      %dma_start3A_663 = arith.constant 0 : i32
      %dma_start3A_664 = tpu.memref_slice %arg21[%dma_start3A_661, %dma_start3A_662, %dma_start3A_663] : memref<4x8x129xf32, #tpu.memory_space<vmem>> -> memref<4x8x128xf32, #tpu.memory_space<vmem>>
      tpu.enqueue_dma source(%dma_start3A_664 : memref<4x8x128xf32, #tpu.memory_space<vmem>>) target(%dma_start3A_660 : memref<4x8x128xf32, #tpu.memory_space<hbm>>) target_semaphore(%arg37 : memref<!tpu.dma_semaphore, #tpu.memory_space<semaphore_mem>>)
      %add3A_665 = arith.constant 8 : i32
      %add3A_666 = arith.addi %add3A_631, %add3A_665 : i32
      %lt3A_667 = arith.constant 200 : i32
      %lt3A_668 = arith.cmpi slt, %add3A_666, %lt3A_667 : i32
      %convert_element_type3A_669 = arith.extui %lt3A_668 : i1 to i32
      %cond3A_670 = arith.constant 0 : i32
      %cond3A_671 = arith.cmpi ne, %convert_element_type3A_669, %cond3A_670 : i32
      scf.if %cond3A_671 {
        %add3A_672 = arith.constant 8 : i32
        %add3A_673 = arith.addi %add3A_631, %add3A_672 : i32
        %dma_start3A_674 = arith.constant 0 : i32
        %dma_start3A_675 = tpu.memref_slice %arg5[%add3A_673, %dma_start3A_674] : memref<200x128xi32, #tpu.memory_space<vmem>> -> memref<1x128xi32, #tpu.memory_space<vmem>>
        %dma_start3A_676 = tpu.memref_squeeze %dma_start3A_675 : memref<1x128xi32, #tpu.memory_space<vmem>> -> memref<128xi32, #tpu.memory_space<vmem>>
        %dma_start3A_677 = arith.constant 0 : i32
        %dma_start3A_678 = arith.constant 0 : i32
        %dma_start3A_679 = tpu.memref_slice %arg3[%dma_start3A_677, %dma_start3A_678] : memref<1000000x32xf32, #tpu.memory_space<hbm>> -> memref<1000000x32xf32, #tpu.memory_space<hbm>>
        tpu.enqueue_indirect_dma source(%dma_start3A_679 : memref<1000000x32xf32, #tpu.memory_space<hbm>>) target(%arg13 : memref<128x32xf32, #tpu.memory_space<vmem>>) offsets(%dma_start3A_676 : memref<128xi32, #tpu.memory_space<vmem>>) semaphore(%arg29 : memref<!tpu.dma_semaphore, #tpu.memory_space<semaphore_mem>>)
      } else {
      }
    }
    %scan3A_170 = arith.constant 25 : i32
    %dma_wait3A = arith.constant 0 : i32
    %dma_wait3A_171 = arith.constant 0 : i32
    %dma_wait3A_172 = arith.constant 0 : i32
    %dma_wait3A_173 = arith.constant 0 : i32
    %dma_wait3A_174 = tpu.memref_slice %arg14[%dma_wait3A_171, %dma_wait3A_172, %dma_wait3A_173] : memref<4x8x129xf32, #tpu.memory_space<vmem>> -> memref<4x8x128xf32, #tpu.memory_space<vmem>>
    %dma_wait3A_175 = arith.constant 0 : i32
    %dma_wait3A_176 = arith.constant 0 : i32
    %dma_wait3A_177 = arith.constant 0 : i32
    %dma_wait3A_178 = tpu.memref_slice %arg4[%dma_wait3A, %dma_wait3A_175, %add3A, %dma_wait3A_176, %dma_wait3A_177] : memref<200x4x32x8x128xf32, #tpu.memory_space<hbm>> -> memref<1x4x1x8x128xf32, #tpu.memory_space<hbm>>
    %dma_wait3A_179 = tpu.memref_squeeze %dma_wait3A_178 : memref<1x4x1x8x128xf32, #tpu.memory_space<hbm>> -> memref<4x8x128xf32, #tpu.memory_space<hbm>>
    %dma_wait3A_180 = arith.constant 0 : i32
    %dma_wait3A_181 = arith.constant 0 : i32
    %dma_wait3A_182 = arith.constant 0 : i32
    %dma_wait3A_183 = tpu.memref_slice %arg4[%dma_wait3A, %dma_wait3A_180, %add3A, %dma_wait3A_181, %dma_wait3A_182] : memref<200x4x32x8x128xf32, #tpu.memory_space<hbm>> -> memref<1x4x1x8x128xf32, #tpu.memory_space<hbm>>
    %dma_wait3A_184 = tpu.memref_squeeze %dma_wait3A_183 : memref<1x4x1x8x128xf32, #tpu.memory_space<hbm>> -> memref<4x8x128xf32, #tpu.memory_space<hbm>>
    %dma_wait3A_185 = arith.constant 0 : i32
    %dma_wait3A_186 = arith.constant 0 : i32
    %dma_wait3A_187 = arith.constant 0 : i32
    %dma_wait3A_188 = tpu.memref_slice %arg14[%dma_wait3A_185, %dma_wait3A_186, %dma_wait3A_187] : memref<4x8x129xf32, #tpu.memory_space<vmem>> -> memref<4x8x128xf32, #tpu.memory_space<vmem>>
    tpu.wait_dma2 semaphore(%arg30 : memref<!tpu.dma_semaphore, #tpu.memory_space<semaphore_mem>>) src(%dma_wait3A_188 : memref<4x8x128xf32, #tpu.memory_space<vmem>>) dst(%dma_wait3A_184 : memref<4x8x128xf32, #tpu.memory_space<hbm>>)
    %dma_wait3A_189 = arith.constant 0 : i32
    %dma_wait3A_190 = arith.constant 0 : i32
    %dma_wait3A_191 = arith.constant 0 : i32
    %dma_wait3A_192 = arith.constant 0 : i32
    %dma_wait3A_193 = tpu.memref_slice %arg15[%dma_wait3A_190, %dma_wait3A_191, %dma_wait3A_192] : memref<4x8x129xf32, #tpu.memory_space<vmem>> -> memref<4x8x128xf32, #tpu.memory_space<vmem>>
    %dma_wait3A_194 = arith.constant 0 : i32
    %dma_wait3A_195 = arith.constant 0 : i32
    %dma_wait3A_196 = arith.constant 0 : i32
    %dma_wait3A_197 = tpu.memref_slice %arg4[%dma_wait3A_189, %dma_wait3A_194, %add3A, %dma_wait3A_195, %dma_wait3A_196] : memref<200x4x32x8x128xf32, #tpu.memory_space<hbm>> -> memref<1x4x1x8x128xf32, #tpu.memory_space<hbm>>
    %dma_wait3A_198 = tpu.memref_squeeze %dma_wait3A_197 : memref<1x4x1x8x128xf32, #tpu.memory_space<hbm>> -> memref<4x8x128xf32, #tpu.memory_space<hbm>>
    %dma_wait3A_199 = arith.constant 0 : i32
    %dma_wait3A_200 = arith.constant 0 : i32
    %dma_wait3A_201 = arith.constant 0 : i32
    %dma_wait3A_202 = tpu.memref_slice %arg4[%dma_wait3A_189, %dma_wait3A_199, %add3A, %dma_wait3A_200, %dma_wait3A_201] : memref<200x4x32x8x128xf32, #tpu.memory_space<hbm>> -> memref<1x4x1x8x128xf32, #tpu.memory_space<hbm>>
    %dma_wait3A_203 = tpu.memref_squeeze %dma_wait3A_202 : memref<1x4x1x8x128xf32, #tpu.memory_space<hbm>> -> memref<4x8x128xf32, #tpu.memory_space<hbm>>
    %dma_wait3A_204 = arith.constant 0 : i32
    %dma_wait3A_205 = arith.constant 0 : i32
    %dma_wait3A_206 = arith.constant 0 : i32
    %dma_wait3A_207 = tpu.memref_slice %arg15[%dma_wait3A_204, %dma_wait3A_205, %dma_wait3A_206] : memref<4x8x129xf32, #tpu.memory_space<vmem>> -> memref<4x8x128xf32, #tpu.memory_space<vmem>>
    tpu.wait_dma2 semaphore(%arg31 : memref<!tpu.dma_semaphore, #tpu.memory_space<semaphore_mem>>) src(%dma_wait3A_207 : memref<4x8x128xf32, #tpu.memory_space<vmem>>) dst(%dma_wait3A_203 : memref<4x8x128xf32, #tpu.memory_space<hbm>>)
    %dma_wait3A_208 = arith.constant 0 : i32
    %dma_wait3A_209 = arith.constant 0 : i32
    %dma_wait3A_210 = arith.constant 0 : i32
    %dma_wait3A_211 = arith.constant 0 : i32
    %dma_wait3A_212 = tpu.memref_slice %arg16[%dma_wait3A_209, %dma_wait3A_210, %dma_wait3A_211] : memref<4x8x129xf32, #tpu.memory_space<vmem>> -> memref<4x8x128xf32, #tpu.memory_space<vmem>>
    %dma_wait3A_213 = arith.constant 0 : i32
    %dma_wait3A_214 = arith.constant 0 : i32
    %dma_wait3A_215 = arith.constant 0 : i32
    %dma_wait3A_216 = tpu.memref_slice %arg4[%dma_wait3A_208, %dma_wait3A_213, %add3A, %dma_wait3A_214, %dma_wait3A_215] : memref<200x4x32x8x128xf32, #tpu.memory_space<hbm>> -> memref<1x4x1x8x128xf32, #tpu.memory_space<hbm>>
    %dma_wait3A_217 = tpu.memref_squeeze %dma_wait3A_216 : memref<1x4x1x8x128xf32, #tpu.memory_space<hbm>> -> memref<4x8x128xf32, #tpu.memory_space<hbm>>
    %dma_wait3A_218 = arith.constant 0 : i32
    %dma_wait3A_219 = arith.constant 0 : i32
    %dma_wait3A_220 = arith.constant 0 : i32
    %dma_wait3A_221 = tpu.memref_slice %arg4[%dma_wait3A_208, %dma_wait3A_218, %add3A, %dma_wait3A_219, %dma_wait3A_220] : memref<200x4x32x8x128xf32, #tpu.memory_space<hbm>> -> memref<1x4x1x8x128xf32, #tpu.memory_space<hbm>>
    %dma_wait3A_222 = tpu.memref_squeeze %dma_wait3A_221 : memref<1x4x1x8x128xf32, #tpu.memory_space<hbm>> -> memref<4x8x128xf32, #tpu.memory_space<hbm>>
    %dma_wait3A_223 = arith.constant 0 : i32
    %dma_wait3A_224 = arith.constant 0 : i32
    %dma_wait3A_225 = arith.constant 0 : i32
    %dma_wait3A_226 = tpu.memref_slice %arg16[%dma_wait3A_223, %dma_wait3A_224, %dma_wait3A_225] : memref<4x8x129xf32, #tpu.memory_space<vmem>> -> memref<4x8x128xf32, #tpu.memory_space<vmem>>
    tpu.wait_dma2 semaphore(%arg32 : memref<!tpu.dma_semaphore, #tpu.memory_space<semaphore_mem>>) src(%dma_wait3A_226 : memref<4x8x128xf32, #tpu.memory_space<vmem>>) dst(%dma_wait3A_222 : memref<4x8x128xf32, #tpu.memory_space<hbm>>)
    %dma_wait3A_227 = arith.constant 0 : i32
    %dma_wait3A_228 = arith.constant 0 : i32
    %dma_wait3A_229 = arith.constant 0 : i32
    %dma_wait3A_230 = arith.constant 0 : i32
    %dma_wait3A_231 = tpu.memref_slice %arg17[%dma_wait3A_228, %dma_wait3A_229, %dma_wait3A_230] : memref<4x8x129xf32, #tpu.memory_space<vmem>> -> memref<4x8x128xf32, #tpu.memory_space<vmem>>
    %dma_wait3A_232 = arith.constant 0 : i32
    %dma_wait3A_233 = arith.constant 0 : i32
    %dma_wait3A_234 = arith.constant 0 : i32
    %dma_wait3A_235 = tpu.memref_slice %arg4[%dma_wait3A_227, %dma_wait3A_232, %add3A, %dma_wait3A_233, %dma_wait3A_234] : memref<200x4x32x8x128xf32, #tpu.memory_space<hbm>> -> memref<1x4x1x8x128xf32, #tpu.memory_space<hbm>>
    %dma_wait3A_236 = tpu.memref_squeeze %dma_wait3A_235 : memref<1x4x1x8x128xf32, #tpu.memory_space<hbm>> -> memref<4x8x128xf32, #tpu.memory_space<hbm>>
    %dma_wait3A_237 = arith.constant 0 : i32
    %dma_wait3A_238 = arith.constant 0 : i32
    %dma_wait3A_239 = arith.constant 0 : i32
    %dma_wait3A_240 = tpu.memref_slice %arg4[%dma_wait3A_227, %dma_wait3A_237, %add3A, %dma_wait3A_238, %dma_wait3A_239] : memref<200x4x32x8x128xf32, #tpu.memory_space<hbm>> -> memref<1x4x1x8x128xf32, #tpu.memory_space<hbm>>
    %dma_wait3A_241 = tpu.memref_squeeze %dma_wait3A_240 : memref<1x4x1x8x128xf32, #tpu.memory_space<hbm>> -> memref<4x8x128xf32, #tpu.memory_space<hbm>>
    %dma_wait3A_242 = arith.constant 0 : i32
    %dma_wait3A_243 = arith.constant 0 : i32
    %dma_wait3A_244 = arith.constant 0 : i32
    %dma_wait3A_245 = tpu.memref_slice %arg17[%dma_wait3A_242, %dma_wait3A_243, %dma_wait3A_244] : memref<4x8x129xf32, #tpu.memory_space<vmem>> -> memref<4x8x128xf32, #tpu.memory_space<vmem>>
    tpu.wait_dma2 semaphore(%arg33 : memref<!tpu.dma_semaphore, #tpu.memory_space<semaphore_mem>>) src(%dma_wait3A_245 : memref<4x8x128xf32, #tpu.memory_space<vmem>>) dst(%dma_wait3A_241 : memref<4x8x128xf32, #tpu.memory_space<hbm>>)
    %dma_wait3A_246 = arith.constant 0 : i32
    %dma_wait3A_247 = arith.constant 0 : i32
    %dma_wait3A_248 = arith.constant 0 : i32
    %dma_wait3A_249 = arith.constant 0 : i32
    %dma_wait3A_250 = tpu.memref_slice %arg18[%dma_wait3A_247, %dma_wait3A_248, %dma_wait3A_249] : memref<4x8x129xf32, #tpu.memory_space<vmem>> -> memref<4x8x128xf32, #tpu.memory_space<vmem>>
    %dma_wait3A_251 = arith.constant 0 : i32
    %dma_wait3A_252 = arith.constant 0 : i32
    %dma_wait3A_253 = arith.constant 0 : i32
    %dma_wait3A_254 = tpu.memref_slice %arg4[%dma_wait3A_246, %dma_wait3A_251, %add3A, %dma_wait3A_252, %dma_wait3A_253] : memref<200x4x32x8x128xf32, #tpu.memory_space<hbm>> -> memref<1x4x1x8x128xf32, #tpu.memory_space<hbm>>
    %dma_wait3A_255 = tpu.memref_squeeze %dma_wait3A_254 : memref<1x4x1x8x128xf32, #tpu.memory_space<hbm>> -> memref<4x8x128xf32, #tpu.memory_space<hbm>>
    %dma_wait3A_256 = arith.constant 0 : i32
    %dma_wait3A_257 = arith.constant 0 : i32
    %dma_wait3A_258 = arith.constant 0 : i32
    %dma_wait3A_259 = tpu.memref_slice %arg4[%dma_wait3A_246, %dma_wait3A_256, %add3A, %dma_wait3A_257, %dma_wait3A_258] : memref<200x4x32x8x128xf32, #tpu.memory_space<hbm>> -> memref<1x4x1x8x128xf32, #tpu.memory_space<hbm>>
    %dma_wait3A_260 = tpu.memref_squeeze %dma_wait3A_259 : memref<1x4x1x8x128xf32, #tpu.memory_space<hbm>> -> memref<4x8x128xf32, #tpu.memory_space<hbm>>
    %dma_wait3A_261 = arith.constant 0 : i32
    %dma_wait3A_262 = arith.constant 0 : i32
    %dma_wait3A_263 = arith.constant 0 : i32
    %dma_wait3A_264 = tpu.memref_slice %arg18[%dma_wait3A_261, %dma_wait3A_262, %dma_wait3A_263] : memref<4x8x129xf32, #tpu.memory_space<vmem>> -> memref<4x8x128xf32, #tpu.memory_space<vmem>>
    tpu.wait_dma2 semaphore(%arg34 : memref<!tpu.dma_semaphore, #tpu.memory_space<semaphore_mem>>) src(%dma_wait3A_264 : memref<4x8x128xf32, #tpu.memory_space<vmem>>) dst(%dma_wait3A_260 : memref<4x8x128xf32, #tpu.memory_space<hbm>>)
    %dma_wait3A_265 = arith.constant 0 : i32
    %dma_wait3A_266 = arith.constant 0 : i32
    %dma_wait3A_267 = arith.constant 0 : i32
    %dma_wait3A_268 = arith.constant 0 : i32
    %dma_wait3A_269 = tpu.memref_slice %arg19[%dma_wait3A_266, %dma_wait3A_267, %dma_wait3A_268] : memref<4x8x129xf32, #tpu.memory_space<vmem>> -> memref<4x8x128xf32, #tpu.memory_space<vmem>>
    %dma_wait3A_270 = arith.constant 0 : i32
    %dma_wait3A_271 = arith.constant 0 : i32
    %dma_wait3A_272 = arith.constant 0 : i32
    %dma_wait3A_273 = tpu.memref_slice %arg4[%dma_wait3A_265, %dma_wait3A_270, %add3A, %dma_wait3A_271, %dma_wait3A_272] : memref<200x4x32x8x128xf32, #tpu.memory_space<hbm>> -> memref<1x4x1x8x128xf32, #tpu.memory_space<hbm>>
    %dma_wait3A_274 = tpu.memref_squeeze %dma_wait3A_273 : memref<1x4x1x8x128xf32, #tpu.memory_space<hbm>> -> memref<4x8x128xf32, #tpu.memory_space<hbm>>
    %dma_wait3A_275 = arith.constant 0 : i32
    %dma_wait3A_276 = arith.constant 0 : i32
    %dma_wait3A_277 = arith.constant 0 : i32
    %dma_wait3A_278 = tpu.memref_slice %arg4[%dma_wait3A_265, %dma_wait3A_275, %add3A, %dma_wait3A_276, %dma_wait3A_277] : memref<200x4x32x8x128xf32, #tpu.memory_space<hbm>> -> memref<1x4x1x8x128xf32, #tpu.memory_space<hbm>>
    %dma_wait3A_279 = tpu.memref_squeeze %dma_wait3A_278 : memref<1x4x1x8x128xf32, #tpu.memory_space<hbm>> -> memref<4x8x128xf32, #tpu.memory_space<hbm>>
    %dma_wait3A_280 = arith.constant 0 : i32
    %dma_wait3A_281 = arith.constant 0 : i32
    %dma_wait3A_282 = arith.constant 0 : i32
    %dma_wait3A_283 = tpu.memref_slice %arg19[%dma_wait3A_280, %dma_wait3A_281, %dma_wait3A_282] : memref<4x8x129xf32, #tpu.memory_space<vmem>> -> memref<4x8x128xf32, #tpu.memory_space<vmem>>
    tpu.wait_dma2 semaphore(%arg35 : memref<!tpu.dma_semaphore, #tpu.memory_space<semaphore_mem>>) src(%dma_wait3A_283 : memref<4x8x128xf32, #tpu.memory_space<vmem>>) dst(%dma_wait3A_279 : memref<4x8x128xf32, #tpu.memory_space<hbm>>)
    %dma_wait3A_284 = arith.constant 0 : i32
    %dma_wait3A_285 = arith.constant 0 : i32
    %dma_wait3A_286 = arith.constant 0 : i32
    %dma_wait3A_287 = arith.constant 0 : i32
    %dma_wait3A_288 = tpu.memref_slice %arg20[%dma_wait3A_285, %dma_wait3A_286, %dma_wait3A_287] : memref<4x8x129xf32, #tpu.memory_space<vmem>> -> memref<4x8x128xf32, #tpu.memory_space<vmem>>
    %dma_wait3A_289 = arith.constant 0 : i32
    %dma_wait3A_290 = arith.constant 0 : i32
    %dma_wait3A_291 = arith.constant 0 : i32
    %dma_wait3A_292 = tpu.memref_slice %arg4[%dma_wait3A_284, %dma_wait3A_289, %add3A, %dma_wait3A_290, %dma_wait3A_291] : memref<200x4x32x8x128xf32, #tpu.memory_space<hbm>> -> memref<1x4x1x8x128xf32, #tpu.memory_space<hbm>>
    %dma_wait3A_293 = tpu.memref_squeeze %dma_wait3A_292 : memref<1x4x1x8x128xf32, #tpu.memory_space<hbm>> -> memref<4x8x128xf32, #tpu.memory_space<hbm>>
    %dma_wait3A_294 = arith.constant 0 : i32
    %dma_wait3A_295 = arith.constant 0 : i32
    %dma_wait3A_296 = arith.constant 0 : i32
    %dma_wait3A_297 = tpu.memref_slice %arg4[%dma_wait3A_284, %dma_wait3A_294, %add3A, %dma_wait3A_295, %dma_wait3A_296] : memref<200x4x32x8x128xf32, #tpu.memory_space<hbm>> -> memref<1x4x1x8x128xf32, #tpu.memory_space<hbm>>
    %dma_wait3A_298 = tpu.memref_squeeze %dma_wait3A_297 : memref<1x4x1x8x128xf32, #tpu.memory_space<hbm>> -> memref<4x8x128xf32, #tpu.memory_space<hbm>>
    %dma_wait3A_299 = arith.constant 0 : i32
    %dma_wait3A_300 = arith.constant 0 : i32
    %dma_wait3A_301 = arith.constant 0 : i32
    %dma_wait3A_302 = tpu.memref_slice %arg20[%dma_wait3A_299, %dma_wait3A_300, %dma_wait3A_301] : memref<4x8x129xf32, #tpu.memory_space<vmem>> -> memref<4x8x128xf32, #tpu.memory_space<vmem>>
    tpu.wait_dma2 semaphore(%arg36 : memref<!tpu.dma_semaphore, #tpu.memory_space<semaphore_mem>>) src(%dma_wait3A_302 : memref<4x8x128xf32, #tpu.memory_space<vmem>>) dst(%dma_wait3A_298 : memref<4x8x128xf32, #tpu.memory_space<hbm>>)
    %dma_wait3A_303 = arith.constant 0 : i32
    %dma_wait3A_304 = arith.constant 0 : i32
    %dma_wait3A_305 = arith.constant 0 : i32
    %dma_wait3A_306 = arith.constant 0 : i32
    %dma_wait3A_307 = tpu.memref_slice %arg21[%dma_wait3A_304, %dma_wait3A_305, %dma_wait3A_306] : memref<4x8x129xf32, #tpu.memory_space<vmem>> -> memref<4x8x128xf32, #tpu.memory_space<vmem>>
    %dma_wait3A_308 = arith.constant 0 : i32
    %dma_wait3A_309 = arith.constant 0 : i32
    %dma_wait3A_310 = arith.constant 0 : i32
    %dma_wait3A_311 = tpu.memref_slice %arg4[%dma_wait3A_303, %dma_wait3A_308, %add3A, %dma_wait3A_309, %dma_wait3A_310] : memref<200x4x32x8x128xf32, #tpu.memory_space<hbm>> -> memref<1x4x1x8x128xf32, #tpu.memory_space<hbm>>
    %dma_wait3A_312 = tpu.memref_squeeze %dma_wait3A_311 : memref<1x4x1x8x128xf32, #tpu.memory_space<hbm>> -> memref<4x8x128xf32, #tpu.memory_space<hbm>>
    %dma_wait3A_313 = arith.constant 0 : i32
    %dma_wait3A_314 = arith.constant 0 : i32
    %dma_wait3A_315 = arith.constant 0 : i32
    %dma_wait3A_316 = tpu.memref_slice %arg4[%dma_wait3A_303, %dma_wait3A_313, %add3A, %dma_wait3A_314, %dma_wait3A_315] : memref<200x4x32x8x128xf32, #tpu.memory_space<hbm>> -> memref<1x4x1x8x128xf32, #tpu.memory_space<hbm>>
    %dma_wait3A_317 = tpu.memref_squeeze %dma_wait3A_316 : memref<1x4x1x8x128xf32, #tpu.memory_space<hbm>> -> memref<4x8x128xf32, #tpu.memory_space<hbm>>
    %dma_wait3A_318 = arith.constant 0 : i32
    %dma_wait3A_319 = arith.constant 0 : i32
    %dma_wait3A_320 = arith.constant 0 : i32
    %dma_wait3A_321 = tpu.memref_slice %arg21[%dma_wait3A_318, %dma_wait3A_319, %dma_wait3A_320] : memref<4x8x129xf32, #tpu.memory_space<vmem>> -> memref<4x8x128xf32, #tpu.memory_space<vmem>>
    tpu.wait_dma2 semaphore(%arg37 : memref<!tpu.dma_semaphore, #tpu.memory_space<semaphore_mem>>) src(%dma_wait3A_321 : memref<4x8x128xf32, #tpu.memory_space<vmem>>) dst(%dma_wait3A_317 : memref<4x8x128xf32, #tpu.memory_space<hbm>>)
    return
  }
}

</mosaic_0001>

<sc_bundles>
// kernel: _gather_sc.3.cloned.1.call-start
scs
__scs_entry_jumppad:
0x0: {  	(pc) =	sbr.rel $0x88, $3  }
0x1: {  	(tag) =	ssettag $0x0;
	lr =	simm.s32 $0x1  }
0x2: {  	[smem:$0x3F9F] =	sst lr;
	_ =	strace $0xD0000000  }
0x3: {  	_ = 	snop  }
0x4: {  	_ = 	snop  }
0x5: {  	_ = 	snop  }
0x6: {  	_ = 	snop  }
0x7: {  	_ = 	snop  }
__scs_overlays_trampoline_lowered:
0x8: {  	[smem:$0x3FAE] =	sst s0  }
0x9: {  	[smem:$0x3FAF] =	sst s1  }
0xa: {  	[smem:$0x3FB0] =	sst s2  }
0xb: {  	[smem:$0x3FB1] =	sst s3  }
0xc: {  	[smem:$0x3FB2] =	sst s4  }
0xd: {  	[smem:$0x3FB3] =	sst s5  }
0xe: {  	[smem:$0x3FB4] =	sst s6  }
0xf: {  	[smem:$0x3FB5] =	sst s7  }
0x10: {  	[smem:$0x3FB6] =	sst s8  }
0x11: {  	[smem:$0x3FB7] =	sst s9;
	s0 =	simm.s32 @!p0 $0x0  }
0x12: {  	s1 =	sld [smem:$0x3F9D];
	s0 =	simm.s32 @p0 $0x1  }
0x13: {  	[smem:$0x3FB8] =	sst s0;
	s0 =	simm.s32 @!p1 $0x0  }
0x14: {  	s2 =	sld [smem:$0x3F9C];
	s0 =	simm.s32 @p1 $0x1  }
0x15: {  	[smem:$0x3FB9] =	sst s0;
	s0 =	simm.s32 @!p2 $0x0  }
0x16: {  	s3 =	sld [smem:$0x3FDB];
	s0 =	simm.s32 @p2 $0x1  }
0x17: {  	s4 =	simm.s32 $0x1BF5;
	[smem:$0x3FBB] =	sst s0  }
0x18: {  	s0 =	sld [smem:$0x3F9E];
	_ =	swait.ge [sflag:s4], $0x0  }
0x19: {  	s7 =	sld [smem:$0x3F9F]  }
0x1a: {  	s8 =	sadd.s32 $0xFFFFE003, lr  }
0x1b: {  	s9 =	sadd.s32 $0xFFFFFEF7, lr;
	s5 =	simm.s32 $0xFFFFFFFF;
	p2 =	slt.u32 s8, $0xFFFFF086  }
0x1c: {  	p1 =	slt.u32 s9, $0xF7A;
	s5 =	simm.s32 @!p2 $0x0  }
0x1d: {  	s5 =	simm.s32 @p1 $0x1;
	p0 =	seq.s32 s7, s2  }
0x1e: {  	s7 =	smul.u32 @!p0 $0xF7A, s2;
	p2 =	seq.s32 @!p0 s5, $0x0  }
0x1f: {  	s9 =	smul.u32 $0xF7A, s1;
	s8 =	simm.s32 @!p0 $0x1BF5;
	p2 =	por !p2, p0  }
0x20: {  	[sflag:s8] =	ssyncset.s32 @!p0 $0xFFFFF086;
	s6 =	sadd.s32 @!p0 s3, s7;
	s7 =	simm.s32 @!p0 $0x108  }
0x21: {  	s3 =	sadd.s32 s3, s9;
	s6 =	sadd.s32 @!p0 $0x88, s6;
	s7 =	simm.s32 @p2 $0x1082  }
0x22: {  	[simem:s7], [sflag:s8] =	dma.local @!p0 [hbm:s6], $0xF7A  }
0x23: {  	s9 =	sor.u32 $0xD0000000, s2;
	s6 =	simm.s32 $0x108;
	_ =	swait.ge @!p0 [sflag:s8], $0x0  }
0x24: {  	s3 =	sadd.s32 $0x88, s3;
	s6 =	simm.s32 @!p1 $0x1082;
	[sflag:s4] =	ssyncset.s32 $0xFFFFF086  }
0x25: {  	[simem:s6], [sflag:s4] =	dma.local [hbm:s3], $0xF7A  }
0x26: {  	[smem:$0x3F9F] =	sst s1;
	(tag) =	ssettag s2;
	_ =	strace s9  }
0x27: {  	s1 =	sld [smem:$0x3FAF]  }
0x28: {  	s2 =	sld [smem:$0x3FB0]  }
0x29: {  	s4 =	sld [smem:$0x3FB2]  }
0x2a: {  	p0 =	seq.s32 s5, $0x0;
	s5 =	sld [smem:$0x3FB3]  }
0x2b: {  	s6 =	sld [smem:$0x3FB4]  }
0x2c: {  	s7 =	sld [smem:$0x3FB5]  }
0x2d: {  	s3 =	simm.s32 $0x108;
	s8 =	sld [smem:$0x3FB6]  }
0x2e: {  	s3 =	simm.s32 @!p0 $0x1082;
	s9 =	sld [smem:$0x3FB7]  }
0x2f: {  	lr =	sadd.s32 s0, s3;
	s0 =	sld [smem:$0x3FAE]  }
0x30: {  	s3 =	sld [smem:$0x3FB1]  }
0x31: {  	[smem:$0x3FBA] =	sst s10  }
0x32: {  	s10 =	sld [smem:$0x3FB8];
	_ =	sdelay $0x3  }
0x33: {  	p0 =	seq.s32 s10, $0x1;
	s10 =	sld [smem:$0x3FBA];
	_ =	sdelay $0x3  }
0x34: {  	[smem:$0x3FBA] =	sst s10  }
0x35: {  	s10 =	sld [smem:$0x3FB9];
	_ =	sdelay $0x3  }
0x36: {  	p1 =	seq.s32 s10, $0x1;
	s10 =	sld [smem:$0x3FBA];
	_ =	sdelay $0x3  }
0x37: {  	[smem:$0x3FBA] =	sst s10  }
0x38: {  	s10 =	sld [smem:$0x3FBB]  }
0x39: {  	_ = 	snop;
	(pc) =	sbr.ind lr, $3  }
0x3a: {  	_ = 	snop  }
0x3b: {  	_ = 	snop  }
0x3c: {  	p2 =	seq.s32 s10, $0x1;
	s10 =	sld [smem:$0x3FBA]  }
0x3d: {  	_ =	shalt  }
0x3e: {  	_ =	shalt  }
0x3f: {  	_ =	shalt  }
0x40: {  	_ =	shalt  }
0x41: {  	_ =	shalt  }
0x42: {  	_ =	shalt  }
0x43: {  	_ =	shalt  }
0x44: {  	_ =	shalt  }
0x45: {  	_ =	shalt  }
0x46: {  	_ =	shalt  }
0x47: {  	_ =	shalt  }
0x48: {  	_ =	shalt  }
0x49: {  	_ =	shalt  }
0x4a: {  	_ =	shalt  }
0x4b: {  	_ =	shalt  }
0x4c: {  	_ =	shalt  }
0x4d: {  	_ =	shalt  }
0x4e: {  	_ =	shalt  }
0x4f: {  	_ =	shalt  }
0x50: {  	_ =	shalt  }
0x51: {  	_ =	shalt  }
0x52: {  	_ =	shalt  }
0x53: {  	_ =	shalt  }
0x54: {  	_ =	shalt  }
0x55: {  	_ =	shalt  }
0x56: {  	_ =	shalt  }
0x57: {  	_ =	shalt  }
0x58: {  	_ =	shalt  }
0x59: {  	_ =	shalt  }
0x5a: {  	_ =	shalt  }
0x5b: {  	_ =	shalt  }
0x5c: {  	_ =	shalt  }
0x5d: {  	_ =	shalt  }
0x5e: {  	_ =	shalt  }
0x5f: {  	_ =	shalt  }
0x60: {  	_ =	shalt  }
0x61: {  	_ =	shalt  }
0x62: {  	_ =	shalt  }
0x63: {  	_ =	shalt  }
0x64: {  	_ =	shalt  }
0x65: {  	_ =	shalt  }
0x66: {  	_ =	shalt  }
0x67: {  	_ =	shalt  }
0x68: {  	_ =	shalt  }
0x69: {  	_ =	shalt  }
0x6a: {  	_ =	shalt  }
0x6b: {  	_ =	shalt  }
0x6c: {  	_ =	shalt  }
0x6d: {  	_ =	shalt  }
0x6e: {  	_ =	shalt  }
0x6f: {  	_ =	shalt  }
0x70: {  	_ =	shalt  }
0x71: {  	_ =	shalt  }
0x72: {  	_ =	shalt  }
0x73: {  	_ =	shalt  }
0x74: {  	_ =	shalt  }
0x75: {  	_ =	shalt  }
0x76: {  	_ =	shalt  }
0x77: {  	_ =	shalt  }
0x78: {  	_ =	shalt  }
0x79: {  	_ =	shalt  }
0x7a: {  	_ =	shalt  }
0x7b: {  	_ =	shalt  }
0x7c: {  	_ =	shalt  }
0x7d: {  	_ =	shalt  }
0x7e: {  	_ =	shalt  }
0x7f: {  	_ =	shalt  }
0x80: {  	_ =	shalt  }
0x81: {  	_ =	shalt  }
0x82: {  	_ =	shalt  }
0x83: {  	_ =	shalt  }
0x84: {  	_ =	shalt  }
0x85: {  	_ =	shalt  }
0x86: {  	_ =	shalt  }
0x87: {  	_ =	shalt  }
.Lfunc_end0:
.L_simem_size_0:
called_computation_lowered:
.L_overlay_start_0:
0x88: {  	s2 =	sld [smem:$0x3FD9]  }
0x89: {  	s3 =	sld [smem:$0x3FFE];
	_ =	sdelay $0x1  }
0x8a: {  	s1 =	srdreg.scid  }
0x8b: {  	s0 =	sand.u32 $0x1, s1  }
0x8c: {  	s17 =	sshll.u32 s0, $0xA;
	s2 =	sadd.s32 s3, s2  }
0x8d: {  	s2 =	sadd.s32 s2, s17  }
0x8e: {  	[smem:$0x3FC6] =	sst s2  }
0x8f: {  	_ = 	snop  }
0x90: {  	s2 =	sld [smem:$0x3FD0];
	(tm) =	ssettm $0x1  }
0x91: {  	s18 =	sld [smem:$0x3FFB];
	_ =	sdelay $0x3  }
0x92: {  	_ =	strace s18  }
0x93: {  	s3 =	sld [smem:$0x3FFC];
	_ =	sdelay $0x3  }
0x94: {  	_ =	strace s3  }
0x95: {  	s3 =	sld [smem:$0x3FFD];
	_ =	sdelay $0x3  }
0x96: {  	_ =	strace s3  }
0x97: {  	_ =	strace $0x8FFFFFFF  }
0x98: {  	s19 =	sld [smem:$0x3FDB];
	_ =	sdelay $0x1  }
0x99: {  	s4 =	simm.s32 $_scs_section_size  }
0x9a: {  	s5 =	simm.s32 $_size__tile_overlayer_lowered;
	s6 =	simm.s32 $_tile_overlayer_lowered  }
0x9b: {  	s22 =	simm.s32 $0x1BFF;
	s21 =	sshll.u32 s6, $0x1;
	s3 =	sadd.s32 s4, s19  }
0x9c: {  	s7 =	simm.s32 $0x0;
	s20 =	sshll.u32 s5, $0x1;
	s5 =	sadd.s32 s21, s3  }
0x9d: {  	[timem:s7], [sflag:s22] =	dma.local [hbm:s5], s20  }
0x9e: {  	_ =	swait.ge [sflag:s22], s20  }
0x9f: {  	s4 =	ssub.s32 $0x0, s20;
	[sflag:s22] =	ssyncset.done $0x0  }
0xa0: {  	[sflag:s22] =	ssyncadd.s32 s4;
	_ =	sdelay $0x1  }
0xa1: {  	s23 =	simm.s32 $0x1B8B  }
0xa2: {  	_ =	swait.ge [sflag:s23], $0x1  }
0xa3: {  	[sflag:s23] =	ssyncset.done $0x0  }
0xa4: {  	s25 =	simm.s32 $0x1B8E;
	s24 =	sld [smem:$0x3FFE];
	[sflag:s23] =	ssyncadd.s32 $0xFFFFFFFF  }
0xa5: {  	s26 =	simm.s32 $execute0_lowered;
	[smem:$0x3FD2] =	sst s25  }
0xa6: {  	s5 =	sshll.u32 s26, $0x1;
	_ =	strace $0x80000046;
	[dreg:$0x1] =	wrdreg $0xFFFFFFFF  }
0xa7: {  	s28 =	simm.s32 $_size_execute0_lowered;
	s3 =	sadd.s32 s3, s5;
	[dreg:$0x0] =	wrdreg $0x0  }
0xa8: {  	s5 =	sshll.u32 s28, $0x1;
	[dreg:$0x2] =	wrdreg s3  }
0xa9: {  	[dreg:$0x3] =	wrdreg s5  }
0xaa: {  	[dreg:$0x4] =	wrdreg $0xC0  }
0xab: {  	_ =	task [dreg:s7], $0x5FFFF  }
0xac: {  	[dreg:$0x1] =	wrdreg $0xFFFFFFFF  }
0xad: {  	[dreg:$0x0] =	wrdreg $0x60  }
0xae: {  	[dreg:$0x2] =	wrdreg s24  }
0xaf: {  	[dreg:$0x3] =	wrdreg s2  }
0xb0: {  	[dreg:$0x4] =	wrdreg $0x9  }
0xb1: {  	_ =	task.clear_ibuf [dreg:s7], $0x5FFFF;
	_ =	strace $0x90000046  }
0xb2: {  	s29 =	simm.s32 $0x9;
	_ =	strace $0x80000048  }
0xb3: {  	_ =	swait.ge [sflag:s29], $0x1  }
0xb4: {  	[sflag:s29] =	ssyncadd.s32 $0xFFFFFFFF  }
0xb5: {  	_ =	strace $0x90000048  }
0xb6: {  	_ =	sfence  }
0xb7: {  	s30 =	sld [smem:$0x0];
	_ =	sdelay $0x2  }
0xb8: {  	s31 =	sshll.u32 s1, $0xD;
	s1 =	sshrl.u32 s1, $0x2  }
0xb9: {  	s3 =	sand.u32 $0x4000, s31;
	s1 =	sadd.s32 s1, s30  }
0xba: {  	s0 =	sor.u32 s3, s0;
	s1 =	sshll.u32 s1, $0x11  }
0xbb: {  	s0 =	sor.u32 s1, s0  }
0xbc: {  	s0 =	sadd.s32 $0x8F2B, s0  }
0xbd: {  	[sflag:s0] =	ssyncadd.remote.s32 $0x1  }
0xbe: {  	_ =	sfence.sel $0xFFFF  }
0xbf: {  	[dreg:$0x0] =	wrdreg $0xFFFFFFFF;
	(pc) =	sbr.abs _section_cstart, $3  }
0xc0: {  	[dreg:$0x1] =	wrdreg $0xFFFFFFFF  }
0xc1: {  	_ =	task.clear_ibuf [dreg:s7], $0x2FFFF;
	_ =	strace $0x9FFFFFFF  }
0xc2: {  	(tm) =	ssettm $0x7FFFFFFF  }
0xc3: {  	_ =	shalt  }
tec
execute0_lowered:
.L_overlay_start_1:
0x0: {  	(tag) =	ssettag $0x1  }
0x1: {  	s0 =	rddreg [dreg:$0x0]  }
0x2: {  	s7 =	rddreg [dreg:$0x1];
	s1 =	srdreg.scid  }
0x3: {  	s2 =	stileid.u32;
	s3 =	simm.s32 $0x0;
	s15 =	simm.s32 $0x80  }
0x4: {  	s16 =	simm.s32 $0xE400;
	s30 =	simm.s32 $0xF500;
	s29 =	simm.s32 $0x5  }
0x5: {  	s31 =	simm.s32 $0xD;
	s17 =	simm.s32 $0x6;
	s14 =	simm.s32 $0xF  }
0x6: {  	s8 =	simm.s32 $0x15B00;
	[smem:$0x7FF] =	sst s3;
	s21 =	sadd.s32 $0x4000, s7  }
0x7: {  	s22 =	sadd.s32 $0x8000, s7;
	_ =	strace $0x80000047;
	[dreg:$0x5] =	wrdreg s21  }
0x8: {  	s10 =	simm.s32 $0x0;
	s23 =	sadd.s32 $0xC000, s7;
	[dreg:$0x6] =	wrdreg s22  }
0x9: {  	s1 =	sand.u32 $0x1, s1;
	s24 =	sadd.s32 $0x10000, s7;
	[dreg:$0x7] =	wrdreg s23  }
0xa: {  	s2 =	sshll.u32 s2, $0x1;
	s25 =	sadd.s32 $0x14000, s7;
	[dreg:$0x8] =	wrdreg s24  }
0xb: {  	s26 =	sadd.s32 $0x18000, s7;
	s28 =	sadd.s32 $0x1C000, s7;
	[dreg:$0x9] =	wrdreg s25  }
0xc: {  	s7 =	simm.s32 $0x10;
	s2 =	sor.u32 s1, s2;
	[dreg:$0xa] =	wrdreg s26  }
0xd: {  	s1 =	ssub.s32 $0x2, s1;
	[dreg:$0xb] =	wrdreg s28;
	s25 =	simm.s32 $0x2  }
0xe: {  	v0 =	vlaneseq.u32;
	s22 =	simm.s32 $0x10600;
	s21 =	simm.s32 $0x11700;
	s23 =	simm.s32 $0xE  }
0xf: {  	v1 =	vimm.s32 $0x0;
	vm0 =	vcmask $0x300;
	v0 =	vmul.u32 $0x88, v0;
	s26 =	simm.s32 $0x7;
	s24 =	simm.s32 $0x14A00;
	s4 =	sshll.u32 s2, $0x4  }
0x10: {  	v1 =	vsel vm0, $0x3, v1;
	s5 =	sshrl.u32 s1, $0x1;
	s20 =	sshll.u32 s2, $0x7;
	s2 =	simm.s32 $0x13900  }
.Ltmp0:
0x11: {  	v2 =	vadd.s32 $0x880, v0;
	v3 =	vor.u32 $0x1, v0;
	v4 =	vadd.s32 $0x881, v0;
	s6 =	sadd.s32 s4, s0;
	s4 =	sadd.s32 $0xF42A00, s0;
	(pc) =	sbr.rel .LBB2_1-.Ltmp0, $4  }
0x12: {  	v5 =	vor.u32 $0x2, v0;
	v6 =	vadd.s32 $0x882, v0;
	v7 =	vor.u32 $0x3, v0;
	s18 =	ssub.s32 s1, s5;
	[dreg:$0x4] =	wrdreg s20;
	s1 =	simm.s32 $0x1  }
0x13: {  	v8 =	vadd.s32 $0x883, v0;
	v9 =	vor.u32 $0x4, v0;
	v10 =	vadd.s32 $0x884, v0;
	s5 =	simm.s32 $0x12800;
	s19 =	sadd.s32 $0x600, s6;
	s0 =	smax.u32 s18, $0x1  }
0x14: {  	v11 =	vor.u32 $0x5, v0;
	v12 =	vadd.s32 $0x885, v0;
	v13 =	vor.u32 $0x6, v0;
	s18 =	simm.s32 $0x4;
	s6 =	simm.s32 $0x8;
	[dreg:$0x3] =	wrdreg s19  }
0x15: {  	v14 =	vadd.s32 $0x886, v0;
	v15 =	vor.u32 $0x7, v0;
	v16 =	vadd.s32 $0x887, v0;
	[dreg:$0xc] =	wrdreg s0;
	s0 =	simm.s32 $0x3;
	s19 =	simm.s32 $0xC  }
.LBB2_48:
0x16: {  	s9 =	simm.s32 $0x9  }
0x17: {  	_ =	swait.ge [sflag:s9], $0x1000  }
0x18: {  	[sflag:s9] =	ssyncset.done $0x0  }
0x19: {  	s13 =	simm.s32 $0xA;
	[sflag:s9] =	ssyncadd.s32 $0xFFFFF000  }
0x1a: {  	_ =	swait.ge [sflag:s13], $0x1000  }
0x1b: {  	[sflag:s13] =	ssyncset.done $0x0  }
0x1c: {  	s20 =	simm.s32 $0xB;
	[sflag:s13] =	ssyncadd.s32 $0xFFFFF000  }
0x1d: {  	_ =	swait.ge [sflag:s20], $0x1000  }
0x1e: {  	[sflag:s20] =	ssyncset.done $0x0  }
0x1f: {  	[sflag:s20] =	ssyncadd.s32 $0xFFFFF000  }
0x20: {  	_ =	swait.ge [sflag:s19], $0x1000  }
0x21: {  	[sflag:s19] =	ssyncset.done $0x0  }
0x22: {  	[sflag:s19] =	ssyncadd.s32 $0xFFFFF000  }
0x23: {  	_ =	swait.ge [sflag:s31], $0x1000  }
0x24: {  	[sflag:s31] =	ssyncset.done $0x0  }
0x25: {  	[sflag:s31] =	ssyncadd.s32 $0xFFFFF000  }
0x26: {  	_ =	swait.ge [sflag:s23], $0x1000  }
0x27: {  	[sflag:s23] =	ssyncset.done $0x0  }
0x28: {  	[sflag:s23] =	ssyncadd.s32 $0xFFFFF000  }
0x29: {  	_ =	swait.ge [sflag:s14], $0x1000  }
0x2a: {  	[sflag:s14] =	ssyncset.done $0x0  }
0x2b: {  	[sflag:s14] =	ssyncadd.s32 $0xFFFFF000  }
0x2c: {  	_ =	swait.ge [sflag:s7], $0x1000  }
0x2d: {  	s10 =	rddreg [dreg:$0xd]  }
0x2e: {  	s28 =	rddreg [dreg:$0xc];
	s10 =	sadd.s32 $0x1, s10  }
0x2f: {  	p0 =	sne.s32 s10, s28  }
.Ltmp1:
0x30: {  	_ = 	snop;
	(pc) =	sbr.rel @!p0 .LBB2_49-.Ltmp1, $3  }
0x31: {  	_ =	sdelay $0x1  }
0x32: {  	[sflag:s7] =	ssyncset.done $0x0  }
0x33: {  	[sflag:s7] =	ssyncadd.s32 $0xFFFFF000  }
.LBB2_1:
0x34: {  	[dreg:$0xd] =	wrdreg s10  }
0x35: {  	s9 =	rddreg [dreg:$0x3];
	s12 =	simm.s32 $0x1000;
	s13 =	simm.s32 $0x11  }
0x36: {  	[tilespmem:s3], [sflag:$0x11] =	stream.strided.gather [hbm4b:s9+s15], $0x6400, s12, s15, $0x38;
	[tilespmem:$0x16C00] =	vst v63  }
0x37: {  	_ =	swait.ge [sflag:s13], $0x6400  }
0x38: {  	[sflag:s13] =	ssyncset.done $0x0  }
0x39: {  	s20 =	simm.s32 $0x6400;
	[sflag:s13] =	ssyncadd.s32 $0xFFFF9C00  }
0x3a: {  	[tilespmem:s20], [sflag:$0x1] =	stream.indirect.gather [hbm4b:s4+s15], $0x20, s3, s15, $0xb8;
	[tilespmem:$0x16C00] =	vst v63  }
0x3b: {  	s28 =	simm.s32 $0x7400  }
0x3c: {  	[tilespmem:s28], [sflag:$0x2] =	stream.indirect.gather [hbm4b:s4+s15], $0x20, s15, s15, $0xb8;
	[tilespmem:$0x16C00] =	vst v63  }
0x3d: {  	s10 =	simm.s32 $0x100;
	s11 =	simm.s32 $0x8400  }
0x3e: {  	[tilespmem:s11], [sflag:$0x3] =	stream.indirect.gather [hbm4b:s4+s15], $0x20, s10, s15, $0xb8;
	[tilespmem:$0x16C00] =	vst v63  }
0x3f: {  	s12 =	simm.s32 $0x180;
	s13 =	simm.s32 $0x9400  }
0x40: {  	[tilespmem:s13], [sflag:$0x4] =	stream.indirect.gather [hbm4b:s4+s15], $0x20, s12, s15, $0xb8;
	[tilespmem:$0x16C00] =	vst v63  }
0x41: {  	s20 =	simm.s32 $0x200;
	s28 =	simm.s32 $0xA400  }
0x42: {  	[tilespmem:s28], [sflag:$0x5] =	stream.indirect.gather [hbm4b:s4+s15], $0x20, s20, s15, $0xb8;
	[tilespmem:$0x16C00] =	vst v63  }
0x43: {  	s10 =	simm.s32 $0x280;
	s11 =	simm.s32 $0xB400  }
0x44: {  	[tilespmem:s11], [sflag:$0x6] =	stream.indirect.gather [hbm4b:s4+s15], $0x20, s10, s15, $0xb8;
	[tilespmem:$0x16C00] =	vst v63  }
0x45: {  	s12 =	simm.s32 $0x300;
	s13 =	simm.s32 $0xC400  }
0x46: {  	[tilespmem:s13], [sflag:$0x7] =	stream.indirect.gather [hbm4b:s4+s15], $0x20, s12, s15, $0xb8;
	[tilespmem:$0x16C00] =	vst v63  }
0x47: {  	s9 =	simm.s32 $0x0;
	s20 =	simm.s32 $0x380;
	s28 =	simm.s32 $0xD400  }
0x48: {  	[tilespmem:s28], [sflag:$0x8] =	stream.indirect.gather [hbm4b:s4+s15], $0x20, s20, s15, $0xb8;
	[tilespmem:$0x16C00] =	vst v63  }
.LBB2_2:
0x49: {  	s10 =	simm.s32 $0x0;
	_ =	swait.ge [sflag:s1], $0x1000  }
0x4a: {  	s20 =	simm.s32 $0x1;
	s11 =	simm.s32 $0x2;
	s28 =	simm.s32 $0x3;
	v17 =	vmov s10  }
0x4b: {  	s13 =	simm.s32 $0x4;
	s12 =	simm.s32 $0x7;
	p0 =	seq.s32 s9, $0x0;
	v18 =	vmov s20;
	v19 =	vmov s11;
	v20 =	vmov s28  }
0x4c: {  	[sflag:s1] =	ssyncset.done $0x0;
	s20 =	simm.s32 $0x5;
	v21 =	vmov s13;
	v22 =	vmov s12;
	s28 =	simm.s32 $0x6;
	v17 =	vshrl.u32 v17, $0x3  }
0x4d: {  	s11 =	simm.s32 @!p0 $0x9;
	[sflag:s1] =	ssyncadd.s32 $0xFFFFF000;
	v23 =	vmov s20;
	v22 =	vshrl.u32 v22, $0x3;
	v24 =	vmov s28  }
0x4e: {  	v18 =	vshrl.u32 v18, $0x3;
	v19 =	vshrl.u32 v19, $0x3;
	_ =	swait.ge @!p0 [sflag:s11], $0x1000;
	v22 =	vshll.u32 v22, v1  }
0x4f: {  	v20 =	vshrl.u32 v20, $0x3;
	v17 =	vshll.u32 v17, v1;
	[sflag:s11] =	ssyncset.done @!p0 $0x0;
	v25 =	vbroadcast v22, $0x0  }
0x50: {  	v18 =	vshll.u32 v18, v1;
	v22 =	vshrl.u32 v21, $0x3;
	v17 =	vbroadcast v17, $0x0;
	[sflag:s11] =	ssyncadd.s32 @!p0 $0xFFFFF000;
	s11 =	simm.s32 $0x6480  }
0x51: {  	v32 =	vbroadcast v18, $0x0;
	v18 =	vshll.u32 v19, v1;
	v19 =	vld [tilespmem:s11+$0x60];
	v26 =	vadd.s32 v15, v25  }
0x52: {  	v37 =	vbroadcast v18, $0x0;
	v18 =	vshll.u32 v20, v1;
	v27 =	vld [tilespmem:s11+$0xFFFFFF80];
	v28 =	vadd.s32 v0, v17  }
0x53: {  	v29 =	vld [tilespmem:s11+$0xFFFFFFA0];
	v30 =	vadd.s32 v3, v32;
	v21 =	vbroadcast v18, $0x0;
	v18 =	vshll.u32 v22, v1  }
0x54: {  	v31 =	vld [tilespmem:s11+$0xFFFFFFC0];
	v33 =	vadd.s32 v5, v37;
	v20 =	vbroadcast v18, $0x0;
	v18 =	vshrl.u32 v23, $0x3  }
0x55: {  	v34 =	vld [tilespmem:s11+$0xFFFFFFE0];
	v23 =	vshrl.u32 v24, $0x3;
	v39 =	vadd.s32 v7, v21;
	v18 =	vshll.u32 v18, v1  }
0x56: {  	s13 =	simm.s32 $0x9;
	v40 =	vld [tilespmem:s11+$0x0];
	v41 =	vadd.s32 v9, v20;
	v22 =	vbroadcast v18, $0x0;
	v18 =	vshll.u32 v23, v1;
	[tilespmem:v26+s16+$0x0] =	vst.idx.msk $0xffff, v19  }
0x57: {  	v36 =	vmov s13;
	s20 =	simm.s32 $0xA;
	v25 =	vadd.s32 v16, v25;
	v23 =	vbroadcast v18, $0x0;
	[tilespmem:v28+s16+$0x0] =	vst.idx.msk $0xffff, v27;
	v24 =	vld [tilespmem:s11+$0x70]  }
0x58: {  	s12 =	simm.s32 $0x8;
	v38 =	vmov s20;
	v35 =	vadd.s32 v4, v32;
	[tilespmem:v30+s16+$0x0] =	vst.idx.msk $0xffff, v29;
	v26 =	vld [tilespmem:s11+$0x20];
	v27 =	vadd.s32 v11, v22  }
0x59: {  	s28 =	simm.s32 $0xB;
	s20 =	simm.s32 $0xD;
	v37 =	vadd.s32 v6, v37;
	v19 =	vmov s12;
	v29 =	vld [tilespmem:s11+$0x40];
	[tilespmem:v33+s16+$0x0] =	vst.idx.msk $0xffff, v31;
	v30 =	vadd.s32 v13, v23  }
0x5a: {  	s13 =	simm.s32 $0xC;
	v18 =	vmov s20;
	v28 =	vmov s28;
	s28 =	simm.s32 $0xE;
	v19 =	vshrl.u32 v19, $0x3;
	v33 =	vld [tilespmem:s11+$0xFFFFFFB0];
	[tilespmem:v39+s16+$0x0] =	vst.idx.msk $0xffff, v34  }
0x5b: {  	s10 =	sshll.u32 s9, $0xC;
	s12 =	simm.s32 $0x10;
	v31 =	vmov s13;
	s13 =	simm.s32 $0xF;
	v32 =	vshll.u32 v19, v1;
	v19 =	vmov s28;
	v34 =	vld [tilespmem:s11+$0xFFFFFFD0];
	[tilespmem:v41+s16+$0x0] =	vst.idx.msk $0xffff, v40  }
.LBB2_3:
0x5c: {  	p1 =	slt.u32 s12, $0x78;
	v36 =	vshrl.u32 v36, $0x3;
	v39 =	vmov s13;
	v40 =	vld [tilespmem:s11+$0xFFFFFFF0];
	v21 =	vadd.s32 v8, v21;
	[tilespmem:v25+s16+$0x0] =	vst.idx.msk $0xffff, v24  }
0x5d: {  	v24 =	vshrl.u32 v38, $0x3;
	v20 =	vadd.s32 v10, v20;
	v25 =	vshrl.u32 v39, $0x3;
	v38 =	vld [tilespmem:s11+$0x10];
	[tilespmem:v27+s16+$0x0] =	vst.idx.msk $0xffff, v26  }
0x5e: {  	v22 =	vadd.s32 v12, v22;
	v26 =	vshrl.u32 v28, $0x3;
	v25 =	vshll.u32 v25, v1;
	v27 =	vld [tilespmem:s11+$0x30];
	[tilespmem:v30+s16+$0x0] =	vst.idx.msk $0xffff, v29  }
0x5f: {  	v23 =	vadd.s32 v14, v23;
	v28 =	vshrl.u32 v31, $0x3;
	v25 =	vbroadcast v25, $0x0;
	[tilespmem:v35+s16+$0x0] =	vst.idx.msk $0xffff, v33;
	v29 =	vld [tilespmem:s11+$0x50]  }
0x60: {  	v30 =	vshll.u32 v36, v1;
	v33 =	vadd.s32 v2, v17;
	v17 =	vbroadcast v32, $0x0;
	v31 =	vld [tilespmem:s11+$0xFFFFFF90];
	[tilespmem:v37+s16+$0x0] =	vst.idx.msk $0xffff, v34;
	s11 =	sadd.s32 $0x100, s11  }
0x61: {  	v24 =	vshll.u32 v24, v1;
	v32 =	vbroadcast v30, $0x0;
	v30 =	vld [tilespmem:s11+$0x60];
	v34 =	vadd.s32 v15, v25;
	[tilespmem:v21+s16+$0x0] =	vst.idx.msk $0xffff, v40  }
0x62: {  	v37 =	vbroadcast v24, $0x0;
	v36 =	vadd.s32 v0, v17;
	v21 =	vshll.u32 v26, v1;
	v35 =	vld [tilespmem:s11+$0xFFFFFF80];
	[tilespmem:v20+s16+$0x0] =	vst.idx.msk $0xffff, v38  }
0x63: {  	v38 =	vadd.s32 v3, v32;
	v21 =	vbroadcast v21, $0x0;
	v20 =	vshll.u32 v28, v1;
	v26 =	vld [tilespmem:s11+$0xFFFFFFA0];
	[tilespmem:v22+s16+$0x0] =	vst.idx.msk $0xffff, v27  }
0x64: {  	v18 =	vshrl.u32 v18, $0x3;
	v40 =	vadd.s32 v5, v37;
	v20 =	vbroadcast v20, $0x0;
	v39 =	vld [tilespmem:s11+$0xFFFFFFC0];
	[tilespmem:v23+s16+$0x0] =	vst.idx.msk $0xffff, v29  }
0x65: {  	v19 =	vshrl.u32 v19, $0x3;
	v18 =	vshll.u32 v18, v1;
	v42 =	vadd.s32 v7, v21;
	v41 =	vld [tilespmem:s11+$0xFFFFFFE0];
	[tilespmem:v33+s16+$0x0] =	vst.idx.msk $0xffff, v31  }
0x66: {  	v22 =	vbroadcast v18, $0x0;
	v18 =	vshll.u32 v19, v1;
	v44 =	vadd.s32 v9, v20;
	v43 =	vld [tilespmem:s11+$0x0];
	[tilespmem:v34+s16+$0x0] =	vst.idx.msk $0xffff, v30  }
.Ltmp2:
0x67: {  	s13 =	sadd.s32 $0x1, s12;
	v25 =	vadd.s32 v16, v25;
	v19 =	vmov s12;
	v23 =	vbroadcast v18, $0x0;
	[tilespmem:v36+s16+$0x0] =	vst.idx.msk $0xffff, v35;
	v24 =	vld [tilespmem:s11+$0x70];
	(pc) =	sbr.rel @p1 .LBB2_3-.Ltmp2, $4  }
0x68: {  	s28 =	sadd.s32 $0x3, s12;
	v19 =	vshrl.u32 v19, $0x3;
	v27 =	vadd.s32 v11, v22;
	v36 =	vmov s13;
	s13 =	sadd.s32 $0x2, s12;
	[tilespmem:v38+s16+$0x0] =	vst.idx.msk $0xffff, v26;
	v26 =	vld [tilespmem:s11+$0x20]  }
0x69: {  	v28 =	vmov s28;
	s28 =	sadd.s32 $0x5, s12;
	v30 =	vadd.s32 v13, v23;
	v38 =	vmov s13;
	s13 =	sadd.s32 $0x4, s12;
	[tilespmem:v40+s16+$0x0] =	vst.idx.msk $0xffff, v39;
	v29 =	vld [tilespmem:s11+$0x40]  }
0x6a: {  	v18 =	vmov s28;
	v35 =	vadd.s32 v4, v32;
	v31 =	vmov s13;
	s13 =	sadd.s32 $0x6, s12;
	v33 =	vld [tilespmem:s11+$0xFFFFFFB0];
	[tilespmem:v42+s16+$0x0] =	vst.idx.msk $0xffff, v41  }
0x6b: {  	v37 =	vadd.s32 v6, v37;
	v32 =	vshll.u32 v19, v1;
	v19 =	vmov s13;
	s13 =	sadd.s32 $0x7, s12;
	s12 =	sadd.s32 $0x8, s12;
	v34 =	vld [tilespmem:s11+$0xFFFFFFD0];
	[tilespmem:v44+s16+$0x0] =	vst.idx.msk $0xffff, v43  }
0x6c: {  	_ =	sdelay $0x2  }
0x6d: {  	v36 =	vshrl.u32 v36, $0x3;
	v39 =	vmov s13  }
0x6e: {  	v40 =	vld [tilespmem:s11+$0xFFFFFFF0];
	v21 =	vadd.s32 v8, v21;
	[tilespmem:v25+s16+$0x0] =	vst.idx.msk $0xffff, v24;
	v58 =	vshrl.u32 v38, $0x3;
	v20 =	vadd.s32 v10, v20  }
0x6f: {  	v60 =	vld [tilespmem:s11+$0x10];
	v61 =	vshrl.u32 v28, $0x3;
	v22 =	vadd.s32 v12, v22;
	v62 =	vshrl.u32 v31, $0x3;
	[tilespmem:v27+s16+$0x0] =	vst.idx.msk $0xffff, v26  }
0x70: {  	v23 =	vadd.s32 v14, v23;
	v63 =	vbroadcast v32, $0x0;
	v41 =	vld [tilespmem:s11+$0xFFFFFF90];
	v17 =	vadd.s32 v2, v17;
	[tilespmem:v30+s16+$0x0] =	vst.idx.msk $0xffff, v29  }
0x71: {  	s12 =	sadd.s32 $0x100, s11;
	v18 =	vshrl.u32 v18, $0x3;
	v59 =	vshrl.u32 v39, $0x3;
	v39 =	vshll.u32 v36, v1;
	v27 =	vld [tilespmem:s11+$0x30];
	[tilespmem:v35+s16+$0x0] =	vst.idx.msk $0xffff, v33  }
0x72: {  	v24 =	vshll.u32 v58, v1;
	v44 =	vld [tilespmem:s12+$0xFFFFFF80];
	v31 =	vbroadcast v39, $0x0;
	v45 =	vadd.s32 v0, v63;
	[tilespmem:v37+s16+$0x0] =	vst.idx.msk $0xffff, v34  }
0x73: {  	v19 =	vshrl.u32 v19, $0x3;
	v26 =	vshll.u32 v61, v1;
	v24 =	vbroadcast v24, $0x0;
	v29 =	vld [tilespmem:s11+$0x50];
	[tilespmem:v21+s16+$0x0] =	vst.idx.msk $0xffff, v40  }
0x74: {  	v46 =	vld [tilespmem:s12+$0xFFFFFFA0];
	v18 =	vshll.u32 v18, v1;
	v26 =	vbroadcast v26, $0x0;
	v47 =	vadd.s32 v3, v31;
	[tilespmem:v20+s16+$0x0] =	vst.idx.msk $0xffff, v60  }
0x75: {  	v28 =	vshll.u32 v62, v1;
	v48 =	vld [tilespmem:s12+$0xFFFFFFC0];
	v18 =	vbroadcast v18, $0x0;
	v49 =	vadd.s32 v5, v24;
	[tilespmem:v17+s16+$0x0] =	vst.idx.msk $0xffff, v41  }
0x76: {  	v50 =	vld [tilespmem:s12+$0xFFFFFFE0];
	v19 =	vshll.u32 v19, v1;
	v28 =	vbroadcast v28, $0x0;
	v51 =	vadd.s32 v7, v26;
	[tilespmem:v22+s16+$0x0] =	vst.idx.msk $0xffff, v27  }
0x77: {  	v54 =	vld [tilespmem:s12+$0x20];
	v25 =	vshll.u32 v59, v1;
	v19 =	vbroadcast v19, $0x0;
	v55 =	vadd.s32 v11, v18;
	[tilespmem:v45+s16+$0x0] =	vst.idx.msk $0xffff, v44  }
0x78: {  	v25 =	vbroadcast v25, $0x0;
	v52 =	vadd.s32 v9, v28;
	v17 =	vld [tilespmem:s12+$0x0];
	[tilespmem:v23+s16+$0x0] =	vst.idx.msk $0xffff, v29  }
0x79: {  	v56 =	vld [tilespmem:s12+$0x40];
	v57 =	vadd.s32 v13, v19;
	[tilespmem:v47+s16+$0x0] =	vst.idx.msk $0xffff, v46  }
0x7a: {  	v42 =	vld [tilespmem:s12+$0x60];
	v43 =	vadd.s32 v15, v25;
	[tilespmem:v49+s16+$0x0] =	vst.idx.msk $0xffff, v48  }
0x7b: {  	v31 =	vadd.s32 v4, v31;
	[tilespmem:v51+s16+$0x0] =	vst.idx.msk $0xffff, v50;
	v58 =	vld [tilespmem:s12+$0xFFFFFFB0]  }
0x7c: {  	v24 =	vadd.s32 v6, v24;
	[tilespmem:v55+s16+$0x0] =	vst.idx.msk $0xffff, v54;
	v59 =	vld [tilespmem:s12+$0xFFFFFFD0]  }
0x7d: {  	v26 =	vadd.s32 v8, v26;
	[tilespmem:v52+s16+$0x0] =	vst.idx.msk $0xffff, v17;
	v17 =	vld [tilespmem:s12+$0xFFFFFFF0]  }
0x7e: {  	v18 =	vadd.s32 v12, v18;
	[tilespmem:v57+s16+$0x0] =	vst.idx.msk $0xffff, v56;
	v20 =	vld [tilespmem:s12+$0x30]  }
0x7f: {  	v19 =	vadd.s32 v14, v19;
	[tilespmem:v43+s16+$0x0] =	vst.idx.msk $0xffff, v42;
	v22 =	vld [tilespmem:s12+$0x50]  }
0x80: {  	v25 =	vadd.s32 v16, v25;
	v53 =	vld [tilespmem:s12+$0x70];
	[tilespmem:v31+s16+$0x0] =	vst.idx.msk $0xffff, v58  }
0x81: {  	v61 =	vadd.s32 v10, v28;
	v60 =	vld [tilespmem:s12+$0x10];
	[tilespmem:v24+s16+$0x0] =	vst.idx.msk $0xffff, v59  }
0x82: {  	[tilespmem:v26+s16+$0x0] =	vst.idx.msk $0xffff, v17  }
0x83: {  	[tilespmem:v18+s16+$0x0] =	vst.idx.msk $0xffff, v20  }
0x84: {  	v63 =	vadd.s32 v2, v63;
	v62 =	vld [tilespmem:s12+$0xFFFFFF90];
	[tilespmem:v19+s16+$0x0] =	vst.idx.msk $0xffff, v22  }
0x85: {  	[tilespmem:v25+s16+$0x0] =	vst.idx.msk $0xffff, v53  }
0x86: {  	[tilespmem:v61+s16+$0x0] =	vst.idx.msk $0xffff, v60  }
0x87: {  	s13 =	sshll.u32 s9, $0x11;
	s12 =	rddreg [dreg:$0x4]  }
0x88: {  	s20 =	rddreg [dreg:$0x1];
	s11 =	sor.u32 s12, s13  }
0x89: {  	[tilespmem:v63+s16+$0x0] =	vst.idx.msk $0xffff, v62;
	s12 =	sadd.s32 s20, s11  }
0x8a: {  	[hbm4b:s12+s3] =	stream.linear.scatter [tilespmem:s16], [sflag:$0x9], $0x80, $0x38;
	[tilespmem:$0x16C00] =	vst v63  }
0x8b: {  	s20 =	simm.s32 $0xE488;
	s28 =	sadd.s32 $0x10, s12  }
0x8c: {  	[hbm4b:s28+s3] =	stream.linear.scatter [tilespmem:s20], [sflag:$0x9], $0x80, $0x38;
	[tilespmem:$0x16C00] =	vst v63  }
0x8d: {  	s20 =	sadd.s32 $0x20, s12;
	s28 =	simm.s32 $0xE510  }
0x8e: {  	[hbm4b:s20+s3] =	stream.linear.scatter [tilespmem:s28], [sflag:$0x9], $0x80, $0x38;
	[tilespmem:$0x16C00] =	vst v63  }
0x8f: {  	s20 =	sadd.s32 $0x30, s12;
	s28 =	simm.s32 $0xE598  }
0x90: {  	[hbm4b:s20+s3] =	stream.linear.scatter [tilespmem:s28], [sflag:$0x9], $0x80, $0x38;
	[tilespmem:$0x16C00] =	vst v63  }
0x91: {  	s20 =	sadd.s32 $0x40, s12;
	s28 =	simm.s32 $0xE620  }
0x92: {  	[hbm4b:s20+s3] =	stream.linear.scatter [tilespmem:s28], [sflag:$0x9], $0x80, $0x38;
	[tilespmem:$0x16C00] =	vst v63  }
0x93: {  	s20 =	sadd.s32 $0x50, s12;
	s28 =	simm.s32 $0xE6A8  }
0x94: {  	[hbm4b:s20+s3] =	stream.linear.scatter [tilespmem:s28], [sflag:$0x9], $0x80, $0x38;
	[tilespmem:$0x16C00] =	vst v63  }
0x95: {  	s20 =	sadd.s32 $0x60, s12;
	s28 =	simm.s32 $0xE730  }
0x96: {  	[hbm4b:s20+s3] =	stream.linear.scatter [tilespmem:s28], [sflag:$0x9], $0x80, $0x38;
	[tilespmem:$0x16C00] =	vst v63  }
0x97: {  	s20 =	sadd.s32 $0x70, s12;
	s28 =	simm.s32 $0xE7B8  }
0x98: {  	[hbm4b:s20+s3] =	stream.linear.scatter [tilespmem:s28], [sflag:$0x9], $0x80, $0x38;
	[tilespmem:$0x16C00] =	vst v63  }
0x99: {  	s20 =	sadd.s32 $0x1000, s12;
	s28 =	simm.s32 $0xE840  }
0x9a: {  	[hbm4b:s20+s3] =	stream.linear.scatter [tilespmem:s28], [sflag:$0x9], $0x80, $0x38;
	[tilespmem:$0x16C00] =	vst v63  }
0x9b: {  	s20 =	sadd.s32 $0x1010, s12;
	s28 =	simm.s32 $0xE8C8  }
0x9c: {  	[hbm4b:s20+s3] =	stream.linear.scatter [tilespmem:s28], [sflag:$0x9], $0x80, $0x38;
	[tilespmem:$0x16C00] =	vst v63  }
0x9d: {  	s20 =	sadd.s32 $0x1020, s12;
	s28 =	simm.s32 $0xE950  }
0x9e: {  	[hbm4b:s20+s3] =	stream.linear.scatter [tilespmem:s28], [sflag:$0x9], $0x80, $0x38;
	[tilespmem:$0x16C00] =	vst v63  }
0x9f: {  	s20 =	sadd.s32 $0x1030, s12;
	s28 =	simm.s32 $0xE9D8  }
0xa0: {  	[hbm4b:s20+s3] =	stream.linear.scatter [tilespmem:s28], [sflag:$0x9], $0x80, $0x38;
	[tilespmem:$0x16C00] =	vst v63  }
0xa1: {  	s20 =	sadd.s32 $0x1040, s12;
	s28 =	simm.s32 $0xEA60  }
0xa2: {  	[hbm4b:s20+s3] =	stream.linear.scatter [tilespmem:s28], [sflag:$0x9], $0x80, $0x38;
	[tilespmem:$0x16C00] =	vst v63  }
0xa3: {  	s20 =	sadd.s32 $0x1050, s12;
	s28 =	simm.s32 $0xEAE8  }
0xa4: {  	[hbm4b:s20+s3] =	stream.linear.scatter [tilespmem:s28], [sflag:$0x9], $0x80, $0x38;
	[tilespmem:$0x16C00] =	vst v63  }
0xa5: {  	s20 =	sadd.s32 $0x1060, s12;
	s28 =	simm.s32 $0xEB70  }
0xa6: {  	[hbm4b:s20+s3] =	stream.linear.scatter [tilespmem:s28], [sflag:$0x9], $0x80, $0x38;
	[tilespmem:$0x16C00] =	vst v63  }
0xa7: {  	s20 =	sadd.s32 $0x1070, s12;
	s28 =	simm.s32 $0xEBF8  }
0xa8: {  	[hbm4b:s20+s3] =	stream.linear.scatter [tilespmem:s28], [sflag:$0x9], $0x80, $0x38;
	[tilespmem:$0x16C00] =	vst v63  }
0xa9: {  	s20 =	sadd.s32 $0x2000, s12;
	s28 =	simm.s32 $0xEC80  }
0xaa: {  	[hbm4b:s20+s3] =	stream.linear.scatter [tilespmem:s28], [sflag:$0x9], $0x80, $0x38;
	[tilespmem:$0x16C00] =	vst v63  }
0xab: {  	s20 =	sadd.s32 $0x2010, s12;
	s28 =	simm.s32 $0xED08  }
0xac: {  	[hbm4b:s20+s3] =	stream.linear.scatter [tilespmem:s28], [sflag:$0x9], $0x80, $0x38;
	[tilespmem:$0x16C00] =	vst v63  }
0xad: {  	s20 =	sadd.s32 $0x2020, s12;
	s28 =	simm.s32 $0xED90  }
0xae: {  	[hbm4b:s20+s3] =	stream.linear.scatter [tilespmem:s28], [sflag:$0x9], $0x80, $0x38;
	[tilespmem:$0x16C00] =	vst v63  }
0xaf: {  	s20 =	sadd.s32 $0x2030, s12;
	s28 =	simm.s32 $0xEE18  }
0xb0: {  	[hbm4b:s20+s3] =	stream.linear.scatter [tilespmem:s28], [sflag:$0x9], $0x80, $0x38;
	[tilespmem:$0x16C00] =	vst v63  }
0xb1: {  	s20 =	sadd.s32 $0x2040, s12;
	s28 =	simm.s32 $0xEEA0  }
0xb2: {  	[hbm4b:s20+s3] =	stream.linear.scatter [tilespmem:s28], [sflag:$0x9], $0x80, $0x38;
	[tilespmem:$0x16C00] =	vst v63  }
0xb3: {  	s20 =	sadd.s32 $0x2050, s12;
	s28 =	simm.s32 $0xEF28  }
0xb4: {  	[hbm4b:s20+s3] =	stream.linear.scatter [tilespmem:s28], [sflag:$0x9], $0x80, $0x38;
	[tilespmem:$0x16C00] =	vst v63  }
0xb5: {  	s20 =	sadd.s32 $0x2060, s12;
	s28 =	simm.s32 $0xEFB0  }
0xb6: {  	[hbm4b:s20+s3] =	stream.linear.scatter [tilespmem:s28], [sflag:$0x9], $0x80, $0x38;
	[tilespmem:$0x16C00] =	vst v63  }
0xb7: {  	s20 =	sadd.s32 $0x2070, s12;
	s28 =	simm.s32 $0xF038  }
0xb8: {  	[hbm4b:s20+s3] =	stream.linear.scatter [tilespmem:s28], [sflag:$0x9], $0x80, $0x38;
	[tilespmem:$0x16C00] =	vst v63  }
0xb9: {  	s20 =	sadd.s32 $0x3000, s12;
	s28 =	simm.s32 $0xF0C0  }
0xba: {  	[hbm4b:s20+s3] =	stream.linear.scatter [tilespmem:s28], [sflag:$0x9], $0x80, $0x38;
	[tilespmem:$0x16C00] =	vst v63  }
0xbb: {  	s20 =	sadd.s32 $0x3010, s12;
	s28 =	simm.s32 $0xF148  }
0xbc: {  	[hbm4b:s20+s3] =	stream.linear.scatter [tilespmem:s28], [sflag:$0x9], $0x80, $0x38;
	[tilespmem:$0x16C00] =	vst v63  }
0xbd: {  	s20 =	sadd.s32 $0x3020, s12;
	s28 =	simm.s32 $0xF1D0  }
0xbe: {  	[hbm4b:s20+s3] =	stream.linear.scatter [tilespmem:s28], [sflag:$0x9], $0x80, $0x38;
	[tilespmem:$0x16C00] =	vst v63  }
0xbf: {  	s20 =	sadd.s32 $0x3030, s12;
	s28 =	simm.s32 $0xF258  }
0xc0: {  	[hbm4b:s20+s3] =	stream.linear.scatter [tilespmem:s28], [sflag:$0x9], $0x80, $0x38;
	[tilespmem:$0x16C00] =	vst v63  }
0xc1: {  	s20 =	sadd.s32 $0x3040, s12;
	s28 =	simm.s32 $0xF2E0  }
0xc2: {  	[hbm4b:s20+s3] =	stream.linear.scatter [tilespmem:s28], [sflag:$0x9], $0x80, $0x38;
	[tilespmem:$0x16C00] =	vst v63  }
0xc3: {  	p1 =	sne.s32 s9, $0x18;
	s20 =	sadd.s32 $0x3050, s12;
	s28 =	simm.s32 $0xF368  }
0xc4: {  	[hbm4b:s20+s3] =	stream.linear.scatter [tilespmem:s28], [sflag:$0x9], $0x80, $0x38;
	[tilespmem:$0x16C00] =	vst v63  }
.Ltmp3:
0xc5: {  	_ = 	snop;
	(pc) =	sbr.rel @p1 .LBB2_6-.Ltmp3, $4  }
0xc6: {  	s20 =	sadd.s32 $0x3060, s12;
	s28 =	simm.s32 $0xF3F0  }
0xc7: {  	[hbm4b:s20+s3] =	stream.linear.scatter [tilespmem:s28], [sflag:$0x9], $0x80, $0x38;
	[tilespmem:$0x16C00] =	vst v63  }
0xc8: {  	s12 =	sadd.s32 $0x3070, s12;
	s28 =	simm.s32 $0xF478  }
0xc9: {  	[hbm4b:s12+s3] =	stream.linear.scatter [tilespmem:s28], [sflag:$0x9], $0x80, $0x38;
	[tilespmem:$0x16C00] =	vst v63  }
.Ltmp4:
0xca: {  	(pc) =	sbr.rel .LBB2_7-.Ltmp4, $4  }
0xcb: {  	_ = 	snop  }
0xcc: {  	_ =	swait.ge [sflag:s25], $0x1000  }
0xcd: {  	[sflag:s25] =	ssyncset.done $0x0  }
0xce: {  	[sflag:s25] =	ssyncadd.s32 $0xFFFFF000  }
.LBB2_6:
0xcf: {  	s12 =	sshrl.u32 s10, $0x2  }
.Ltmp5:
0xd0: {  	s13 =	simm.s32 $0x6400;
	s12 =	sadd.s32 $0x400, s12;
	(pc) =	sbr.rel @p0 .LBB2_8-.Ltmp5, $4  }
0xd1: {  	[tilespmem:s13], [sflag:$0x1] =	stream.indirect.gather [hbm4b:s4+s15], $0x20, s12, s15, $0xb8;
	[tilespmem:$0x16C00] =	vst v63  }
0xd2: {  	_ =	swait.ge [sflag:s25], $0x1000  }
0xd3: {  	[sflag:s25] =	ssyncset.done $0x0  }
0xd4: {  	[sflag:s25] =	ssyncadd.s32 $0xFFFFF000  }
.LBB2_7:
0xd5: {  	s12 =	simm.s32 $0xA  }
0xd6: {  	_ =	swait.ge [sflag:s12], $0x1000  }
0xd7: {  	[sflag:s12] =	ssyncset.done $0x0  }
0xd8: {  	[sflag:s12] =	ssyncadd.s32 $0xFFFFF000  }
.LBB2_8:
0xd9: {  	s12 =	simm.s32 $0x0  }
0xda: {  	s20 =	simm.s32 $0x1;
	s13 =	simm.s32 $0x2;
	s28 =	simm.s32 $0x7;
	v17 =	vmov s12  }
0xdb: {  	v18 =	vmov s20;
	s20 =	simm.s32 $0x3;
	v19 =	vmov s13;
	s13 =	simm.s32 $0x4;
	v22 =	vmov s28  }
0xdc: {  	v17 =	vshrl.u32 v17, $0x3;
	v20 =	vmov s20;
	v21 =	vmov s13  }
0xdd: {  	s20 =	simm.s32 $0x5;
	v22 =	vshrl.u32 v22, $0x3;
	v18 =	vshrl.u32 v18, $0x3;
	v19 =	vshrl.u32 v19, $0x3  }
0xde: {  	s13 =	simm.s32 $0x6;
	v23 =	vmov s20;
	v17 =	vshll.u32 v17, v1;
	v22 =	vshll.u32 v22, v1  }
0xdf: {  	v24 =	vmov s13;
	v20 =	vshrl.u32 v20, $0x3;
	v25 =	vbroadcast v22, $0x0  }
0xe0: {  	s12 =	simm.s32 $0x7480;
	v18 =	vshll.u32 v18, v1;
	v22 =	vshrl.u32 v21, $0x3;
	v17 =	vbroadcast v17, $0x0  }
0xe1: {  	v30 =	vbroadcast v18, $0x0;
	v18 =	vshll.u32 v19, v1;
	v19 =	vld [tilespmem:s12+$0x60];
	v26 =	vadd.s32 v15, v25  }
0xe2: {  	v27 =	vld [tilespmem:s12+$0xFFFFFF80];
	v36 =	vbroadcast v18, $0x0;
	v18 =	vshll.u32 v20, v1;
	v28 =	vadd.s32 v0, v17  }
0xe3: {  	v29 =	vld [tilespmem:s12+$0xFFFFFFA0];
	v31 =	vadd.s32 v3, v30;
	v21 =	vbroadcast v18, $0x0;
	v18 =	vshll.u32 v22, v1  }
0xe4: {  	v32 =	vld [tilespmem:s12+$0xFFFFFFC0];
	v33 =	vadd.s32 v5, v36;
	v20 =	vbroadcast v18, $0x0;
	v18 =	vshrl.u32 v23, $0x3  }
0xe5: {  	v34 =	vld [tilespmem:s12+$0xFFFFFFE0];
	v23 =	vshrl.u32 v24, $0x3;
	v39 =	vadd.s32 v7, v21;
	v18 =	vshll.u32 v18, v1  }
0xe6: {  	v40 =	vld [tilespmem:s12+$0x0];
	s20 =	simm.s32 $0x8;
	v41 =	vadd.s32 v9, v20;
	v22 =	vbroadcast v18, $0x0;
	v18 =	vshll.u32 v23, v1;
	[tilespmem:v26+s30+$0x0] =	vst.idx.msk $0xffff, v19  }
0xe7: {  	v25 =	vadd.s32 v16, v25;
	v23 =	vbroadcast v18, $0x0;
	v19 =	vmov s20;
	s20 =	simm.s32 $0x9;
	[tilespmem:v28+s30+$0x0] =	vst.idx.msk $0xffff, v27;
	v24 =	vld [tilespmem:s12+$0x70]  }
0xe8: {  	v35 =	vadd.s32 v4, v30;
	[tilespmem:v31+s30+$0x0] =	vst.idx.msk $0xffff, v29;
	v26 =	vld [tilespmem:s12+$0x20];
	v27 =	vadd.s32 v11, v22;
	v37 =	vmov s20;
	s20 =	simm.s32 $0xA  }
0xe9: {  	s28 =	simm.s32 $0xB;
	v36 =	vadd.s32 v6, v36;
	v29 =	vld [tilespmem:s12+$0x40];
	[tilespmem:v33+s30+$0x0] =	vst.idx.msk $0xffff, v32;
	v31 =	vadd.s32 v13, v23;
	v38 =	vmov s20;
	s20 =	simm.s32 $0xC  }
0xea: {  	v28 =	vmov s28;
	s28 =	simm.s32 $0xD;
	v19 =	vshrl.u32 v19, $0x3;
	v33 =	vld [tilespmem:s12+$0xFFFFFFB0];
	[tilespmem:v39+s30+$0x0] =	vst.idx.msk $0xffff, v34;
	v32 =	vmov s20;
	s20 =	simm.s32 $0xE  }
0xeb: {  	s13 =	simm.s32 $0x10;
	v18 =	vmov s28;
	s28 =	simm.s32 $0xF;
	v30 =	vshll.u32 v19, v1;
	v34 =	vld [tilespmem:s12+$0xFFFFFFD0];
	[tilespmem:v41+s30+$0x0] =	vst.idx.msk $0xffff, v40;
	v19 =	vmov s20  }
.LBB2_9:
0xec: {  	p2 =	slt.u32 s13, $0x78;
	v37 =	vshrl.u32 v37, $0x3;
	v39 =	vmov s28;
	v40 =	vld [tilespmem:s12+$0xFFFFFFF0];
	v21 =	vadd.s32 v8, v21;
	[tilespmem:v25+s30+$0x0] =	vst.idx.msk $0xffff, v24  }
0xed: {  	v24 =	vshrl.u32 v38, $0x3;
	v20 =	vadd.s32 v10, v20;
	v25 =	vshrl.u32 v39, $0x3;
	v38 =	vld [tilespmem:s12+$0x10];
	[tilespmem:v27+s30+$0x0] =	vst.idx.msk $0xffff, v26  }
0xee: {  	v22 =	vadd.s32 v12, v22;
	v26 =	vshrl.u32 v28, $0x3;
	v25 =	vshll.u32 v25, v1;
	v27 =	vld [tilespmem:s12+$0x30];
	[tilespmem:v31+s30+$0x0] =	vst.idx.msk $0xffff, v29  }
0xef: {  	v23 =	vadd.s32 v14, v23;
	v28 =	vshrl.u32 v32, $0x3;
	v25 =	vbroadcast v25, $0x0;
	[tilespmem:v35+s30+$0x0] =	vst.idx.msk $0xffff, v33;
	v29 =	vld [tilespmem:s12+$0x50]  }
0xf0: {  	v31 =	vshll.u32 v37, v1;
	v33 =	vadd.s32 v2, v17;
	v17 =	vbroadcast v30, $0x0;
	v32 =	vld [tilespmem:s12+$0xFFFFFF90];
	[tilespmem:v36+s30+$0x0] =	vst.idx.msk $0xffff, v34;
	s12 =	sadd.s32 $0x100, s12  }
0xf1: {  	v24 =	vshll.u32 v24, v1;
	v30 =	vbroadcast v31, $0x0;
	v31 =	vld [tilespmem:s12+$0x60];
	v34 =	vadd.s32 v15, v25;
	[tilespmem:v21+s30+$0x0] =	vst.idx.msk $0xffff, v40  }
0xf2: {  	v39 =	vbroadcast v24, $0x0;
	v36 =	vadd.s32 v0, v17;
	v21 =	vshll.u32 v26, v1;
	v35 =	vld [tilespmem:s12+$0xFFFFFF80];
	[tilespmem:v20+s30+$0x0] =	vst.idx.msk $0xffff, v38  }
0xf3: {  	v38 =	vadd.s32 v3, v30;
	v21 =	vbroadcast v21, $0x0;
	v20 =	vshll.u32 v28, v1;
	v26 =	vld [tilespmem:s12+$0xFFFFFFA0];
	[tilespmem:v22+s30+$0x0] =	vst.idx.msk $0xffff, v27  }
0xf4: {  	v18 =	vshrl.u32 v18, $0x3;
	v41 =	vadd.s32 v5, v39;
	v20 =	vbroadcast v20, $0x0;
	v40 =	vld [tilespmem:s12+$0xFFFFFFC0];
	[tilespmem:v23+s30+$0x0] =	vst.idx.msk $0xffff, v29  }
0xf5: {  	v19 =	vshrl.u32 v19, $0x3;
	v18 =	vshll.u32 v18, v1;
	v43 =	vadd.s32 v7, v21;
	v42 =	vld [tilespmem:s12+$0xFFFFFFE0];
	[tilespmem:v33+s30+$0x0] =	vst.idx.msk $0xffff, v32  }
0xf6: {  	v22 =	vbroadcast v18, $0x0;
	v18 =	vshll.u32 v19, v1;
	v45 =	vadd.s32 v9, v20;
	v44 =	vld [tilespmem:s12+$0x0];
	[tilespmem:v34+s30+$0x0] =	vst.idx.msk $0xffff, v31  }
.Ltmp6:
0xf7: {  	s28 =	sadd.s32 $0x1, s13;
	v25 =	vadd.s32 v16, v25;
	v19 =	vmov s13;
	v23 =	vbroadcast v18, $0x0;
	[tilespmem:v36+s30+$0x0] =	vst.idx.msk $0xffff, v35;
	v24 =	vld [tilespmem:s12+$0x70];
	(pc) =	sbr.rel @p2 .LBB2_9-.Ltmp6, $4  }
0xf8: {  	s20 =	sadd.s32 $0x3, s13;
	v37 =	vmov s28;
	s28 =	sadd.s32 $0x2, s13;
	v19 =	vshrl.u32 v19, $0x3;
	v27 =	vadd.s32 v11, v22;
	[tilespmem:v38+s30+$0x0] =	vst.idx.msk $0xffff, v26;
	v26 =	vld [tilespmem:s12+$0x20]  }
0xf9: {  	v28 =	vmov s20;
	s20 =	sadd.s32 $0x4, s13;
	v31 =	vadd.s32 v13, v23;
	v38 =	vmov s28;
	s28 =	sadd.s32 $0x5, s13;
	[tilespmem:v41+s30+$0x0] =	vst.idx.msk $0xffff, v40;
	v29 =	vld [tilespmem:s12+$0x40]  }
0xfa: {  	v32 =	vmov s20;
	s20 =	sadd.s32 $0x6, s13;
	v35 =	vadd.s32 v4, v30;
	v18 =	vmov s28;
	v33 =	vld [tilespmem:s12+$0xFFFFFFB0];
	[tilespmem:v43+s30+$0x0] =	vst.idx.msk $0xffff, v42  }
0xfb: {  	v30 =	vshll.u32 v19, v1;
	v19 =	vmov s20;
	v36 =	vadd.s32 v6, v39;
	s28 =	sadd.s32 $0x7, s13;
	s13 =	sadd.s32 $0x8, s13;
	v34 =	vld [tilespmem:s12+$0xFFFFFFD0];
	[tilespmem:v45+s30+$0x0] =	vst.idx.msk $0xffff, v44  }
0xfc: {  	_ =	sdelay $0x2  }
0xfd: {  	v37 =	vshrl.u32 v37, $0x3;
	v39 =	vmov s28  }
0xfe: {  	v40 =	vld [tilespmem:s12+$0xFFFFFFF0];
	v21 =	vadd.s32 v8, v21;
	[tilespmem:v25+s30+$0x0] =	vst.idx.msk $0xffff, v24;
	v59 =	vshrl.u32 v38, $0x3;
	v20 =	vadd.s32 v10, v20  }
0xff: {  	v61 =	vld [tilespmem:s12+$0x10];
	v62 =	vshrl.u32 v28, $0x3;
	v22 =	vadd.s32 v12, v22;
	v63 =	vshrl.u32 v32, $0x3;
	[tilespmem:v27+s30+$0x0] =	vst.idx.msk $0xffff, v26  }
0x100: {  	v23 =	vadd.s32 v14, v23;
	v30 =	vbroadcast v30, $0x0;
	v41 =	vld [tilespmem:s12+$0xFFFFFF90];
	v17 =	vadd.s32 v2, v17;
	[tilespmem:v31+s30+$0x0] =	vst.idx.msk $0xffff, v29  }
0x101: {  	s28 =	sadd.s32 $0x100, s12;
	v18 =	vshrl.u32 v18, $0x3;
	v60 =	vshrl.u32 v39, $0x3;
	v39 =	vshll.u32 v37, v1;
	v27 =	vld [tilespmem:s12+$0x30];
	[tilespmem:v35+s30+$0x0] =	vst.idx.msk $0xffff, v33  }
0x102: {  	v24 =	vshll.u32 v59, v1;
	v44 =	vld [tilespmem:s28+$0xFFFFFF80];
	v31 =	vbroadcast v39, $0x0;
	v45 =	vadd.s32 v0, v30;
	[tilespmem:v36+s30+$0x0] =	vst.idx.msk $0xffff, v34  }
0x103: {  	v19 =	vshrl.u32 v19, $0x3;
	v26 =	vshll.u32 v62, v1;
	v24 =	vbroadcast v24, $0x0;
	v29 =	vld [tilespmem:s12+$0x50];
	[tilespmem:v21+s30+$0x0] =	vst.idx.msk $0xffff, v40  }
0x104: {  	v46 =	vld [tilespmem:s28+$0xFFFFFFA0];
	v18 =	vshll.u32 v18, v1;
	v26 =	vbroadcast v26, $0x0;
	v47 =	vadd.s32 v3, v31;
	[tilespmem:v20+s30+$0x0] =	vst.idx.msk $0xffff, v61  }
0x105: {  	v48 =	vld [tilespmem:s28+$0xFFFFFFC0];
	v19 =	vshll.u32 v19, v1;
	v18 =	vbroadcast v18, $0x0;
	v49 =	vadd.s32 v5, v24;
	[tilespmem:v17+s30+$0x0] =	vst.idx.msk $0xffff, v41  }
0x106: {  	v28 =	vshll.u32 v63, v1;
	v50 =	vld [tilespmem:s28+$0xFFFFFFE0];
	v19 =	vbroadcast v19, $0x0;
	v51 =	vadd.s32 v7, v26;
	[tilespmem:v22+s30+$0x0] =	vst.idx.msk $0xffff, v27  }
0x107: {  	v54 =	vld [tilespmem:s28+$0x20];
	v25 =	vshll.u32 v60, v1;
	v28 =	vbroadcast v28, $0x0;
	v55 =	vadd.s32 v11, v18;
	[tilespmem:v45+s30+$0x0] =	vst.idx.msk $0xffff, v44  }
0x108: {  	v56 =	vld [tilespmem:s28+$0x40];
	v25 =	vbroadcast v25, $0x0;
	v57 =	vadd.s32 v13, v19;
	[tilespmem:v23+s30+$0x0] =	vst.idx.msk $0xffff, v29  }
0x109: {  	v52 =	vadd.s32 v9, v28;
	v17 =	vld [tilespmem:s28+$0x0];
	[tilespmem:v47+s30+$0x0] =	vst.idx.msk $0xffff, v46  }
0x10a: {  	v42 =	vld [tilespmem:s28+$0x60];
	v43 =	vadd.s32 v15, v25;
	[tilespmem:v49+s30+$0x0] =	vst.idx.msk $0xffff, v48  }
0x10b: {  	v63 =	vadd.s32 v2, v30;
	v62 =	vld [tilespmem:s28+$0xFFFFFF90];
	[tilespmem:v51+s30+$0x0] =	vst.idx.msk $0xffff, v50  }
0x10c: {  	v31 =	vadd.s32 v4, v31;
	[tilespmem:v55+s30+$0x0] =	vst.idx.msk $0xffff, v54;
	v58 =	vld [tilespmem:s28+$0xFFFFFFB0]  }
0x10d: {  	v24 =	vadd.s32 v6, v24;
	[tilespmem:v57+s30+$0x0] =	vst.idx.msk $0xffff, v56;
	v59 =	vld [tilespmem:s28+$0xFFFFFFD0]  }
0x10e: {  	v26 =	vadd.s32 v8, v26;
	[tilespmem:v52+s30+$0x0] =	vst.idx.msk $0xffff, v17;
	v17 =	vld [tilespmem:s28+$0xFFFFFFF0]  }
0x10f: {  	v18 =	vadd.s32 v12, v18;
	[tilespmem:v43+s30+$0x0] =	vst.idx.msk $0xffff, v42;
	v20 =	vld [tilespmem:s28+$0x30]  }
0x110: {  	v19 =	vadd.s32 v14, v19;
	v22 =	vld [tilespmem:s28+$0x50];
	[tilespmem:v63+s30+$0x0] =	vst.idx.msk $0xffff, v62  }
0x111: {  	v25 =	vadd.s32 v16, v25;
	v53 =	vld [tilespmem:s28+$0x70];
	[tilespmem:v31+s30+$0x0] =	vst.idx.msk $0xffff, v58  }
0x112: {  	v61 =	vadd.s32 v10, v28;
	v60 =	vld [tilespmem:s28+$0x10];
	[tilespmem:v24+s30+$0x0] =	vst.idx.msk $0xffff, v59  }
0x113: {  	[tilespmem:v26+s30+$0x0] =	vst.idx.msk $0xffff, v17  }
0x114: {  	[tilespmem:v18+s30+$0x0] =	vst.idx.msk $0xffff, v20  }
0x115: {  	[tilespmem:v19+s30+$0x0] =	vst.idx.msk $0xffff, v22  }
0x116: {  	[tilespmem:v25+s30+$0x0] =	vst.idx.msk $0xffff, v53  }
0x117: {  	[tilespmem:v61+s30+$0x0] =	vst.idx.msk $0xffff, v60  }
0x118: {  	s13 =	rddreg [dreg:$0x5]  }
0x119: {  	s12 =	sadd.s32 s11, s13  }
0x11a: {  	[hbm4b:s12+s3] =	stream.linear.scatter [tilespmem:s30], [sflag:$0xA], $0x80, $0x38;
	[tilespmem:$0x16C00] =	vst v63  }
0x11b: {  	s20 =	simm.s32 $0xF588;
	s13 =	sadd.s32 $0x10, s12  }
0x11c: {  	[hbm4b:s13+s3] =	stream.linear.scatter [tilespmem:s20], [sflag:$0xA], $0x80, $0x38;
	[tilespmem:$0x16C00] =	vst v63  }
0x11d: {  	s28 =	simm.s32 $0xF610;
	s20 =	sadd.s32 $0x20, s12  }
0x11e: {  	[hbm4b:s20+s3] =	stream.linear.scatter [tilespmem:s28], [sflag:$0xA], $0x80, $0x38;
	[tilespmem:$0x16C00] =	vst v63  }
0x11f: {  	s20 =	sadd.s32 $0x30, s12;
	s28 =	simm.s32 $0xF698  }
0x120: {  	[hbm4b:s20+s3] =	stream.linear.scatter [tilespmem:s28], [sflag:$0xA], $0x80, $0x38;
	[tilespmem:$0x16C00] =	vst v63  }
0x121: {  	s20 =	sadd.s32 $0x40, s12;
	s28 =	simm.s32 $0xF720  }
0x122: {  	[hbm4b:s20+s3] =	stream.linear.scatter [tilespmem:s28], [sflag:$0xA], $0x80, $0x38;
	[tilespmem:$0x16C00] =	vst v63  }
0x123: {  	s20 =	sadd.s32 $0x50, s12;
	s28 =	simm.s32 $0xF7A8  }
0x124: {  	[hbm4b:s20+s3] =	stream.linear.scatter [tilespmem:s28], [sflag:$0xA], $0x80, $0x38;
	[tilespmem:$0x16C00] =	vst v63  }
0x125: {  	s20 =	sadd.s32 $0x60, s12;
	s28 =	simm.s32 $0xF830  }
0x126: {  	[hbm4b:s20+s3] =	stream.linear.scatter [tilespmem:s28], [sflag:$0xA], $0x80, $0x38;
	[tilespmem:$0x16C00] =	vst v63  }
0x127: {  	s20 =	sadd.s32 $0x70, s12;
	s28 =	simm.s32 $0xF8B8  }
0x128: {  	[hbm4b:s20+s3] =	stream.linear.scatter [tilespmem:s28], [sflag:$0xA], $0x80, $0x38;
	[tilespmem:$0x16C00] =	vst v63  }
0x129: {  	s20 =	sadd.s32 $0x1000, s12;
	s28 =	simm.s32 $0xF940  }
0x12a: {  	[hbm4b:s20+s3] =	stream.linear.scatter [tilespmem:s28], [sflag:$0xA], $0x80, $0x38;
	[tilespmem:$0x16C00] =	vst v63  }
0x12b: {  	s20 =	sadd.s32 $0x1010, s12;
	s28 =	simm.s32 $0xF9C8  }
0x12c: {  	[hbm4b:s20+s3] =	stream.linear.scatter [tilespmem:s28], [sflag:$0xA], $0x80, $0x38;
	[tilespmem:$0x16C00] =	vst v63  }
0x12d: {  	s20 =	sadd.s32 $0x1020, s12;
	s28 =	simm.s32 $0xFA50  }
0x12e: {  	[hbm4b:s20+s3] =	stream.linear.scatter [tilespmem:s28], [sflag:$0xA], $0x80, $0x38;
	[tilespmem:$0x16C00] =	vst v63  }
0x12f: {  	s20 =	sadd.s32 $0x1030, s12;
	s28 =	simm.s32 $0xFAD8  }
0x130: {  	[hbm4b:s20+s3] =	stream.linear.scatter [tilespmem:s28], [sflag:$0xA], $0x80, $0x38;
	[tilespmem:$0x16C00] =	vst v63  }
0x131: {  	s20 =	sadd.s32 $0x1040, s12;
	s28 =	simm.s32 $0xFB60  }
0x132: {  	[hbm4b:s20+s3] =	stream.linear.scatter [tilespmem:s28], [sflag:$0xA], $0x80, $0x38;
	[tilespmem:$0x16C00] =	vst v63  }
0x133: {  	s20 =	sadd.s32 $0x1050, s12;
	s28 =	simm.s32 $0xFBE8  }
0x134: {  	[hbm4b:s20+s3] =	stream.linear.scatter [tilespmem:s28], [sflag:$0xA], $0x80, $0x38;
	[tilespmem:$0x16C00] =	vst v63  }
0x135: {  	s20 =	sadd.s32 $0x1060, s12;
	s28 =	simm.s32 $0xFC70  }
0x136: {  	[hbm4b:s20+s3] =	stream.linear.scatter [tilespmem:s28], [sflag:$0xA], $0x80, $0x38;
	[tilespmem:$0x16C00] =	vst v63  }
0x137: {  	s20 =	sadd.s32 $0x1070, s12;
	s28 =	simm.s32 $0xFCF8  }
0x138: {  	[hbm4b:s20+s3] =	stream.linear.scatter [tilespmem:s28], [sflag:$0xA], $0x80, $0x38;
	[tilespmem:$0x16C00] =	vst v63  }
0x139: {  	s20 =	sadd.s32 $0x2000, s12;
	s28 =	simm.s32 $0xFD80  }
0x13a: {  	[hbm4b:s20+s3] =	stream.linear.scatter [tilespmem:s28], [sflag:$0xA], $0x80, $0x38;
	[tilespmem:$0x16C00] =	vst v63  }
0x13b: {  	s20 =	sadd.s32 $0x2010, s12;
	s28 =	simm.s32 $0xFE08  }
0x13c: {  	[hbm4b:s20+s3] =	stream.linear.scatter [tilespmem:s28], [sflag:$0xA], $0x80, $0x38;
	[tilespmem:$0x16C00] =	vst v63  }
0x13d: {  	s20 =	sadd.s32 $0x2020, s12;
	s28 =	simm.s32 $0xFE90  }
0x13e: {  	[hbm4b:s20+s3] =	stream.linear.scatter [tilespmem:s28], [sflag:$0xA], $0x80, $0x38;
	[tilespmem:$0x16C00] =	vst v63  }
0x13f: {  	s20 =	sadd.s32 $0x2030, s12;
	s28 =	simm.s32 $0xFF18  }
0x140: {  	[hbm4b:s20+s3] =	stream.linear.scatter [tilespmem:s28], [sflag:$0xA], $0x80, $0x38;
	[tilespmem:$0x16C00] =	vst v63  }
0x141: {  	s20 =	sadd.s32 $0x2040, s12;
	s28 =	simm.s32 $0xFFA0  }
0x142: {  	[hbm4b:s20+s3] =	stream.linear.scatter [tilespmem:s28], [sflag:$0xA], $0x80, $0x38;
	[tilespmem:$0x16C00] =	vst v63  }
0x143: {  	s20 =	sadd.s32 $0x2050, s12;
	s28 =	simm.s32 $0x10028  }
0x144: {  	[hbm4b:s20+s3] =	stream.linear.scatter [tilespmem:s28], [sflag:$0xA], $0x80, $0x38;
	[tilespmem:$0x16C00] =	vst v63  }
0x145: {  	s20 =	sadd.s32 $0x2060, s12;
	s28 =	simm.s32 $0x100B0  }
0x146: {  	[hbm4b:s20+s3] =	stream.linear.scatter [tilespmem:s28], [sflag:$0xA], $0x80, $0x38;
	[tilespmem:$0x16C00] =	vst v63  }
0x147: {  	s20 =	sadd.s32 $0x2070, s12;
	s28 =	simm.s32 $0x10138  }
0x148: {  	[hbm4b:s20+s3] =	stream.linear.scatter [tilespmem:s28], [sflag:$0xA], $0x80, $0x38;
	[tilespmem:$0x16C00] =	vst v63  }
0x149: {  	s20 =	sadd.s32 $0x3000, s12;
	s28 =	simm.s32 $0x101C0  }
0x14a: {  	[hbm4b:s20+s3] =	stream.linear.scatter [tilespmem:s28], [sflag:$0xA], $0x80, $0x38;
	[tilespmem:$0x16C00] =	vst v63  }
0x14b: {  	s20 =	sadd.s32 $0x3010, s12;
	s28 =	simm.s32 $0x10248  }
0x14c: {  	[hbm4b:s20+s3] =	stream.linear.scatter [tilespmem:s28], [sflag:$0xA], $0x80, $0x38;
	[tilespmem:$0x16C00] =	vst v63  }
0x14d: {  	s20 =	sadd.s32 $0x3020, s12;
	s28 =	simm.s32 $0x102D0  }
0x14e: {  	[hbm4b:s20+s3] =	stream.linear.scatter [tilespmem:s28], [sflag:$0xA], $0x80, $0x38;
	[tilespmem:$0x16C00] =	vst v63  }
0x14f: {  	s20 =	sadd.s32 $0x3030, s12;
	s28 =	simm.s32 $0x10358  }
0x150: {  	[hbm4b:s20+s3] =	stream.linear.scatter [tilespmem:s28], [sflag:$0xA], $0x80, $0x38;
	[tilespmem:$0x16C00] =	vst v63  }
0x151: {  	s20 =	sadd.s32 $0x3040, s12;
	s28 =	simm.s32 $0x103E0  }
0x152: {  	[hbm4b:s20+s3] =	stream.linear.scatter [tilespmem:s28], [sflag:$0xA], $0x80, $0x38;
	[tilespmem:$0x16C00] =	vst v63  }
0x153: {  	s20 =	sadd.s32 $0x3050, s12;
	s28 =	simm.s32 $0x10468  }
0x154: {  	[hbm4b:s20+s3] =	stream.linear.scatter [tilespmem:s28], [sflag:$0xA], $0x80, $0x38;
	[tilespmem:$0x16C00] =	vst v63  }
.Ltmp7:
0x155: {  	_ = 	snop;
	(pc) =	sbr.rel @p1 .LBB2_12-.Ltmp7, $4  }
0x156: {  	s20 =	sadd.s32 $0x3060, s12;
	s28 =	simm.s32 $0x104F0  }
0x157: {  	[hbm4b:s20+s3] =	stream.linear.scatter [tilespmem:s28], [sflag:$0xA], $0x80, $0x38;
	[tilespmem:$0x16C00] =	vst v63  }
0x158: {  	s12 =	sadd.s32 $0x3070, s12;
	s28 =	simm.s32 $0x10578  }
0x159: {  	[hbm4b:s12+s3] =	stream.linear.scatter [tilespmem:s28], [sflag:$0xA], $0x80, $0x38;
	[tilespmem:$0x16C00] =	vst v63  }
.Ltmp8:
0x15a: {  	(pc) =	sbr.rel .LBB2_13-.Ltmp8, $4  }
0x15b: {  	_ = 	snop  }
0x15c: {  	_ =	swait.ge [sflag:s0], $0x1000  }
0x15d: {  	[sflag:s0] =	ssyncset.done $0x0  }
0x15e: {  	[sflag:s0] =	ssyncadd.s32 $0xFFFFF000  }
.LBB2_12:
0x15f: {  	s12 =	sshrl.u32 s10, $0x2  }
.Ltmp9:
0x160: {  	s13 =	simm.s32 $0x7400;
	s12 =	sadd.s32 $0x480, s12;
	(pc) =	sbr.rel @p0 .LBB2_14-.Ltmp9, $4  }
0x161: {  	[tilespmem:s13], [sflag:$0x2] =	stream.indirect.gather [hbm4b:s4+s15], $0x20, s12, s15, $0xb8;
	[tilespmem:$0x16C00] =	vst v63  }
0x162: {  	_ =	swait.ge [sflag:s0], $0x1000  }
0x163: {  	[sflag:s0] =	ssyncset.done $0x0  }
0x164: {  	[sflag:s0] =	ssyncadd.s32 $0xFFFFF000  }
.LBB2_13:
0x165: {  	s12 =	simm.s32 $0xB  }
0x166: {  	_ =	swait.ge [sflag:s12], $0x1000  }
0x167: {  	[sflag:s12] =	ssyncset.done $0x0  }
0x168: {  	[sflag:s12] =	ssyncadd.s32 $0xFFFFF000  }
.LBB2_14:
0x169: {  	s12 =	simm.s32 $0x0  }
0x16a: {  	s20 =	simm.s32 $0x1;
	s13 =	simm.s32 $0x2;
	v17 =	vmov s12  }
0x16b: {  	v18 =	vmov s20;
	s12 =	simm.s32 $0x3;
	v19 =	vmov s13;
	s13 =	simm.s32 $0x4;
	s20 =	simm.s32 $0x7;
	v17 =	vshrl.u32 v17, $0x3  }
0x16c: {  	v20 =	vmov s12;
	v21 =	vmov s13;
	v22 =	vmov s20  }
0x16d: {  	s12 =	simm.s32 $0x5;
	v18 =	vshrl.u32 v18, $0x3;
	v19 =	vshrl.u32 v19, $0x3;
	v22 =	vshrl.u32 v22, $0x3  }
0x16e: {  	s13 =	simm.s32 $0x6;
	v23 =	vmov s12;
	v17 =	vshll.u32 v17, v1;
	v22 =	vshll.u32 v22, v1  }
0x16f: {  	v24 =	vmov s13;
	v18 =	vshll.u32 v18, v1;
	v25 =	vbroadcast v22, $0x0  }
0x170: {  	v20 =	vshrl.u32 v20, $0x3;
	s12 =	simm.s32 $0x8480;
	v17 =	vbroadcast v17, $0x0;
	v30 =	vbroadcast v18, $0x0  }
0x171: {  	v18 =	vshll.u32 v19, v1;
	v19 =	vld [tilespmem:s12+$0x60];
	v22 =	vshrl.u32 v21, $0x3;
	v26 =	vadd.s32 v15, v25  }
0x172: {  	v27 =	vld [tilespmem:s12+$0xFFFFFF80];
	v36 =	vbroadcast v18, $0x0;
	v18 =	vshll.u32 v20, v1;
	v28 =	vadd.s32 v0, v17  }
0x173: {  	v29 =	vld [tilespmem:s12+$0xFFFFFFA0];
	v31 =	vadd.s32 v3, v30;
	v21 =	vbroadcast v18, $0x0;
	v18 =	vshll.u32 v22, v1  }
0x174: {  	v32 =	vld [tilespmem:s12+$0xFFFFFFC0];
	v33 =	vadd.s32 v5, v36;
	v20 =	vbroadcast v18, $0x0;
	v18 =	vshrl.u32 v23, $0x3  }
0x175: {  	v34 =	vld [tilespmem:s12+$0xFFFFFFE0];
	v23 =	vshrl.u32 v24, $0x3;
	v39 =	vadd.s32 v7, v21;
	v18 =	vshll.u32 v18, v1  }
0x176: {  	s20 =	simm.s32 $0x8;
	v40 =	vld [tilespmem:s12+$0x0];
	v41 =	vadd.s32 v9, v20;
	v22 =	vbroadcast v18, $0x0;
	v18 =	vshll.u32 v23, v1;
	[tilespmem:v26+s22+$0x0] =	vst.idx.msk $0xffff, v19  }
0x177: {  	s13 =	simm.s32 $0xA;
	v25 =	vadd.s32 v16, v25;
	v23 =	vbroadcast v18, $0x0;
	[tilespmem:v28+s22+$0x0] =	vst.idx.msk $0xffff, v27;
	v19 =	vmov s20;
	s20 =	simm.s32 $0x9;
	v24 =	vld [tilespmem:s12+$0x70]  }
0x178: {  	v38 =	vmov s13;
	[tilespmem:v31+s22+$0x0] =	vst.idx.msk $0xffff, v29;
	v27 =	vadd.s32 v11, v22;
	v26 =	vld [tilespmem:s12+$0x20];
	v37 =	vmov s20;
	s20 =	simm.s32 $0xB  }
0x179: {  	v35 =	vadd.s32 v4, v30;
	v29 =	vld [tilespmem:s12+$0x40];
	[tilespmem:v33+s22+$0x0] =	vst.idx.msk $0xffff, v32;
	v31 =	vadd.s32 v13, v23;
	v28 =	vmov s20;
	s20 =	simm.s32 $0xD  }
0x17a: {  	s13 =	simm.s32 $0xC;
	v36 =	vadd.s32 v6, v36;
	v33 =	vld [tilespmem:s12+$0xFFFFFFB0];
	v19 =	vshrl.u32 v19, $0x3;
	[tilespmem:v39+s22+$0x0] =	vst.idx.msk $0xffff, v34;
	v18 =	vmov s20;
	s20 =	simm.s32 $0xE  }
0x17b: {  	s28 =	simm.s32 $0xF;
	v32 =	vmov s13;
	s13 =	simm.s32 $0x10;
	v34 =	vld [tilespmem:s12+$0xFFFFFFD0];
	v30 =	vshll.u32 v19, v1;
	[tilespmem:v41+s22+$0x0] =	vst.idx.msk $0xffff, v40;
	v19 =	vmov s20  }
.LBB2_15:
0x17c: {  	p2 =	slt.u32 s13, $0x78;
	v37 =	vshrl.u32 v37, $0x3;
	v39 =	vmov s28;
	v40 =	vld [tilespmem:s12+$0xFFFFFFF0];
	v21 =	vadd.s32 v8, v21;
	[tilespmem:v25+s22+$0x0] =	vst.idx.msk $0xffff, v24  }
0x17d: {  	v24 =	vshrl.u32 v38, $0x3;
	v20 =	vadd.s32 v10, v20;
	v25 =	vshrl.u32 v39, $0x3;
	v38 =	vld [tilespmem:s12+$0x10];
	[tilespmem:v27+s22+$0x0] =	vst.idx.msk $0xffff, v26  }
0x17e: {  	v22 =	vadd.s32 v12, v22;
	v26 =	vshrl.u32 v28, $0x3;
	v25 =	vshll.u32 v25, v1;
	v27 =	vld [tilespmem:s12+$0x30];
	[tilespmem:v31+s22+$0x0] =	vst.idx.msk $0xffff, v29  }
0x17f: {  	v23 =	vadd.s32 v14, v23;
	v28 =	vshrl.u32 v32, $0x3;
	v25 =	vbroadcast v25, $0x0;
	[tilespmem:v35+s22+$0x0] =	vst.idx.msk $0xffff, v33;
	v29 =	vld [tilespmem:s12+$0x50]  }
0x180: {  	v31 =	vshll.u32 v37, v1;
	v33 =	vadd.s32 v2, v17;
	v17 =	vbroadcast v30, $0x0;
	v32 =	vld [tilespmem:s12+$0xFFFFFF90];
	[tilespmem:v36+s22+$0x0] =	vst.idx.msk $0xffff, v34;
	s12 =	sadd.s32 $0x100, s12  }
0x181: {  	v24 =	vshll.u32 v24, v1;
	v30 =	vbroadcast v31, $0x0;
	v31 =	vld [tilespmem:s12+$0x60];
	v34 =	vadd.s32 v15, v25;
	[tilespmem:v21+s22+$0x0] =	vst.idx.msk $0xffff, v40  }
0x182: {  	v39 =	vbroadcast v24, $0x0;
	v36 =	vadd.s32 v0, v17;
	v21 =	vshll.u32 v26, v1;
	v35 =	vld [tilespmem:s12+$0xFFFFFF80];
	[tilespmem:v20+s22+$0x0] =	vst.idx.msk $0xffff, v38  }
0x183: {  	v38 =	vadd.s32 v3, v30;
	v21 =	vbroadcast v21, $0x0;
	v20 =	vshll.u32 v28, v1;
	v26 =	vld [tilespmem:s12+$0xFFFFFFA0];
	[tilespmem:v22+s22+$0x0] =	vst.idx.msk $0xffff, v27  }
0x184: {  	v18 =	vshrl.u32 v18, $0x3;
	v41 =	vadd.s32 v5, v39;
	v20 =	vbroadcast v20, $0x0;
	v40 =	vld [tilespmem:s12+$0xFFFFFFC0];
	[tilespmem:v23+s22+$0x0] =	vst.idx.msk $0xffff, v29  }
0x185: {  	v19 =	vshrl.u32 v19, $0x3;
	v18 =	vshll.u32 v18, v1;
	v43 =	vadd.s32 v7, v21;
	v42 =	vld [tilespmem:s12+$0xFFFFFFE0];
	[tilespmem:v33+s22+$0x0] =	vst.idx.msk $0xffff, v32  }
0x186: {  	v22 =	vbroadcast v18, $0x0;
	v18 =	vshll.u32 v19, v1;
	v45 =	vadd.s32 v9, v20;
	v44 =	vld [tilespmem:s12+$0x0];
	[tilespmem:v34+s22+$0x0] =	vst.idx.msk $0xffff, v31  }
.Ltmp10:
0x187: {  	s20 =	sadd.s32 $0x1, s13;
	v25 =	vadd.s32 v16, v25;
	v19 =	vmov s13;
	v23 =	vbroadcast v18, $0x0;
	[tilespmem:v36+s22+$0x0] =	vst.idx.msk $0xffff, v35;
	v24 =	vld [tilespmem:s12+$0x70];
	(pc) =	sbr.rel @p2 .LBB2_15-.Ltmp10, $4  }
0x188: {  	s28 =	sadd.s32 $0x3, s13;
	v37 =	vmov s20;
	s20 =	sadd.s32 $0x2, s13;
	v19 =	vshrl.u32 v19, $0x3;
	v27 =	vadd.s32 v11, v22;
	[tilespmem:v38+s22+$0x0] =	vst.idx.msk $0xffff, v26;
	v26 =	vld [tilespmem:s12+$0x20]  }
0x189: {  	v28 =	vmov s28;
	s28 =	sadd.s32 $0x5, s13;
	v31 =	vadd.s32 v13, v23;
	v38 =	vmov s20;
	s20 =	sadd.s32 $0x4, s13;
	[tilespmem:v41+s22+$0x0] =	vst.idx.msk $0xffff, v40;
	v29 =	vld [tilespmem:s12+$0x40]  }
0x18a: {  	v18 =	vmov s28;
	v35 =	vadd.s32 v4, v30;
	v32 =	vmov s20;
	s20 =	sadd.s32 $0x6, s13;
	v33 =	vld [tilespmem:s12+$0xFFFFFFB0];
	[tilespmem:v43+s22+$0x0] =	vst.idx.msk $0xffff, v42  }
0x18b: {  	s28 =	sadd.s32 $0x7, s13;
	v30 =	vshll.u32 v19, v1;
	v36 =	vadd.s32 v6, v39;
	s13 =	sadd.s32 $0x8, s13;
	v19 =	vmov s20;
	v34 =	vld [tilespmem:s12+$0xFFFFFFD0];
	[tilespmem:v45+s22+$0x0] =	vst.idx.msk $0xffff, v44  }
0x18c: {  	_ =	sdelay $0x2  }
0x18d: {  	v37 =	vshrl.u32 v37, $0x3;
	v39 =	vmov s28  }
0x18e: {  	v40 =	vld [tilespmem:s12+$0xFFFFFFF0];
	v21 =	vadd.s32 v8, v21;
	[tilespmem:v25+s22+$0x0] =	vst.idx.msk $0xffff, v24;
	v59 =	vshrl.u32 v38, $0x3;
	v20 =	vadd.s32 v10, v20  }
0x18f: {  	v61 =	vld [tilespmem:s12+$0x10];
	v62 =	vshrl.u32 v28, $0x3;
	v22 =	vadd.s32 v12, v22;
	v63 =	vshrl.u32 v32, $0x3;
	[tilespmem:v27+s22+$0x0] =	vst.idx.msk $0xffff, v26  }
0x190: {  	v23 =	vadd.s32 v14, v23;
	v30 =	vbroadcast v30, $0x0;
	v41 =	vld [tilespmem:s12+$0xFFFFFF90];
	v17 =	vadd.s32 v2, v17;
	[tilespmem:v31+s22+$0x0] =	vst.idx.msk $0xffff, v29  }
0x191: {  	s28 =	sadd.s32 $0x100, s12;
	v18 =	vshrl.u32 v18, $0x3;
	v60 =	vshrl.u32 v39, $0x3;
	v39 =	vshll.u32 v37, v1;
	v27 =	vld [tilespmem:s12+$0x30];
	[tilespmem:v35+s22+$0x0] =	vst.idx.msk $0xffff, v33  }
0x192: {  	v24 =	vshll.u32 v59, v1;
	v44 =	vld [tilespmem:s28+$0xFFFFFF80];
	v31 =	vbroadcast v39, $0x0;
	v45 =	vadd.s32 v0, v30;
	[tilespmem:v36+s22+$0x0] =	vst.idx.msk $0xffff, v34  }
0x193: {  	v19 =	vshrl.u32 v19, $0x3;
	v26 =	vshll.u32 v62, v1;
	v24 =	vbroadcast v24, $0x0;
	v29 =	vld [tilespmem:s12+$0x50];
	[tilespmem:v21+s22+$0x0] =	vst.idx.msk $0xffff, v40  }
0x194: {  	v46 =	vld [tilespmem:s28+$0xFFFFFFA0];
	v18 =	vshll.u32 v18, v1;
	v26 =	vbroadcast v26, $0x0;
	v47 =	vadd.s32 v3, v31;
	[tilespmem:v20+s22+$0x0] =	vst.idx.msk $0xffff, v61  }
0x195: {  	v48 =	vld [tilespmem:s28+$0xFFFFFFC0];
	v19 =	vshll.u32 v19, v1;
	v18 =	vbroadcast v18, $0x0;
	v49 =	vadd.s32 v5, v24;
	[tilespmem:v17+s22+$0x0] =	vst.idx.msk $0xffff, v41  }
0x196: {  	v28 =	vshll.u32 v63, v1;
	v50 =	vld [tilespmem:s28+$0xFFFFFFE0];
	v19 =	vbroadcast v19, $0x0;
	v51 =	vadd.s32 v7, v26;
	[tilespmem:v22+s22+$0x0] =	vst.idx.msk $0xffff, v27  }
0x197: {  	v54 =	vld [tilespmem:s28+$0x20];
	v25 =	vshll.u32 v60, v1;
	v28 =	vbroadcast v28, $0x0;
	v55 =	vadd.s32 v11, v18;
	[tilespmem:v45+s22+$0x0] =	vst.idx.msk $0xffff, v44  }
0x198: {  	v56 =	vld [tilespmem:s28+$0x40];
	v25 =	vbroadcast v25, $0x0;
	v57 =	vadd.s32 v13, v19;
	[tilespmem:v23+s22+$0x0] =	vst.idx.msk $0xffff, v29  }
0x199: {  	v52 =	vadd.s32 v9, v28;
	v17 =	vld [tilespmem:s28+$0x0];
	[tilespmem:v47+s22+$0x0] =	vst.idx.msk $0xffff, v46  }
0x19a: {  	v42 =	vld [tilespmem:s28+$0x60];
	v43 =	vadd.s32 v15, v25;
	[tilespmem:v49+s22+$0x0] =	vst.idx.msk $0xffff, v48  }
0x19b: {  	v63 =	vadd.s32 v2, v30;
	v62 =	vld [tilespmem:s28+$0xFFFFFF90];
	[tilespmem:v51+s22+$0x0] =	vst.idx.msk $0xffff, v50  }
0x19c: {  	v31 =	vadd.s32 v4, v31;
	[tilespmem:v55+s22+$0x0] =	vst.idx.msk $0xffff, v54;
	v58 =	vld [tilespmem:s28+$0xFFFFFFB0]  }
0x19d: {  	v24 =	vadd.s32 v6, v24;
	[tilespmem:v57+s22+$0x0] =	vst.idx.msk $0xffff, v56;
	v59 =	vld [tilespmem:s28+$0xFFFFFFD0]  }
0x19e: {  	v26 =	vadd.s32 v8, v26;
	[tilespmem:v52+s22+$0x0] =	vst.idx.msk $0xffff, v17;
	v17 =	vld [tilespmem:s28+$0xFFFFFFF0]  }
0x19f: {  	v18 =	vadd.s32 v12, v18;
	[tilespmem:v43+s22+$0x0] =	vst.idx.msk $0xffff, v42;
	v20 =	vld [tilespmem:s28+$0x30]  }
0x1a0: {  	v19 =	vadd.s32 v14, v19;
	v22 =	vld [tilespmem:s28+$0x50];
	[tilespmem:v63+s22+$0x0] =	vst.idx.msk $0xffff, v62  }
0x1a1: {  	v25 =	vadd.s32 v16, v25;
	v53 =	vld [tilespmem:s28+$0x70];
	[tilespmem:v31+s22+$0x0] =	vst.idx.msk $0xffff, v58  }
0x1a2: {  	v61 =	vadd.s32 v10, v28;
	v60 =	vld [tilespmem:s28+$0x10];
	[tilespmem:v24+s22+$0x0] =	vst.idx.msk $0xffff, v59  }
0x1a3: {  	[tilespmem:v26+s22+$0x0] =	vst.idx.msk $0xffff, v17  }
0x1a4: {  	[tilespmem:v18+s22+$0x0] =	vst.idx.msk $0xffff, v20  }
0x1a5: {  	[tilespmem:v19+s22+$0x0] =	vst.idx.msk $0xffff, v22  }
0x1a6: {  	[tilespmem:v25+s22+$0x0] =	vst.idx.msk $0xffff, v53  }
0x1a7: {  	[tilespmem:v61+s22+$0x0] =	vst.idx.msk $0xffff, v60  }
0x1a8: {  	s13 =	rddreg [dreg:$0x6]  }
0x1a9: {  	s12 =	sadd.s32 s11, s13  }
0x1aa: {  	[hbm4b:s12+s3] =	stream.linear.scatter [tilespmem:s22], [sflag:$0xB], $0x80, $0x38;
	[tilespmem:$0x16C00] =	vst v63  }
0x1ab: {  	s20 =	simm.s32 $0x10688;
	s13 =	sadd.s32 $0x10, s12  }
0x1ac: {  	[hbm4b:s13+s3] =	stream.linear.scatter [tilespmem:s20], [sflag:$0xB], $0x80, $0x38;
	[tilespmem:$0x16C00] =	vst v63  }
0x1ad: {  	s28 =	simm.s32 $0x10710;
	s20 =	sadd.s32 $0x20, s12  }
0x1ae: {  	[hbm4b:s20+s3] =	stream.linear.scatter [tilespmem:s28], [sflag:$0xB], $0x80, $0x38;
	[tilespmem:$0x16C00] =	vst v63  }
0x1af: {  	s20 =	sadd.s32 $0x30, s12;
	s28 =	simm.s32 $0x10798  }
0x1b0: {  	[hbm4b:s20+s3] =	stream.linear.scatter [tilespmem:s28], [sflag:$0xB], $0x80, $0x38;
	[tilespmem:$0x16C00] =	vst v63  }
0x1b1: {  	s20 =	sadd.s32 $0x40, s12;
	s28 =	simm.s32 $0x10820  }
0x1b2: {  	[hbm4b:s20+s3] =	stream.linear.scatter [tilespmem:s28], [sflag:$0xB], $0x80, $0x38;
	[tilespmem:$0x16C00] =	vst v63  }
0x1b3: {  	s20 =	sadd.s32 $0x50, s12;
	s28 =	simm.s32 $0x108A8  }
0x1b4: {  	[hbm4b:s20+s3] =	stream.linear.scatter [tilespmem:s28], [sflag:$0xB], $0x80, $0x38;
	[tilespmem:$0x16C00] =	vst v63  }
0x1b5: {  	s20 =	sadd.s32 $0x60, s12;
	s28 =	simm.s32 $0x10930  }
0x1b6: {  	[hbm4b:s20+s3] =	stream.linear.scatter [tilespmem:s28], [sflag:$0xB], $0x80, $0x38;
	[tilespmem:$0x16C00] =	vst v63  }
0x1b7: {  	s20 =	sadd.s32 $0x70, s12;
	s28 =	simm.s32 $0x109B8  }
0x1b8: {  	[hbm4b:s20+s3] =	stream.linear.scatter [tilespmem:s28], [sflag:$0xB], $0x80, $0x38;
	[tilespmem:$0x16C00] =	vst v63  }
0x1b9: {  	s20 =	sadd.s32 $0x1000, s12;
	s28 =	simm.s32 $0x10A40  }
0x1ba: {  	[hbm4b:s20+s3] =	stream.linear.scatter [tilespmem:s28], [sflag:$0xB], $0x80, $0x38;
	[tilespmem:$0x16C00] =	vst v63  }
0x1bb: {  	s20 =	sadd.s32 $0x1010, s12;
	s28 =	simm.s32 $0x10AC8  }
0x1bc: {  	[hbm4b:s20+s3] =	stream.linear.scatter [tilespmem:s28], [sflag:$0xB], $0x80, $0x38;
	[tilespmem:$0x16C00] =	vst v63  }
0x1bd: {  	s20 =	sadd.s32 $0x1020, s12;
	s28 =	simm.s32 $0x10B50  }
0x1be: {  	[hbm4b:s20+s3] =	stream.linear.scatter [tilespmem:s28], [sflag:$0xB], $0x80, $0x38;
	[tilespmem:$0x16C00] =	vst v63  }
0x1bf: {  	s20 =	sadd.s32 $0x1030, s12;
	s28 =	simm.s32 $0x10BD8  }
0x1c0: {  	[hbm4b:s20+s3] =	stream.linear.scatter [tilespmem:s28], [sflag:$0xB], $0x80, $0x38;
	[tilespmem:$0x16C00] =	vst v63  }
0x1c1: {  	s20 =	sadd.s32 $0x1040, s12;
	s28 =	simm.s32 $0x10C60  }
0x1c2: {  	[hbm4b:s20+s3] =	stream.linear.scatter [tilespmem:s28], [sflag:$0xB], $0x80, $0x38;
	[tilespmem:$0x16C00] =	vst v63  }
0x1c3: {  	s20 =	sadd.s32 $0x1050, s12;
	s28 =	simm.s32 $0x10CE8  }
0x1c4: {  	[hbm4b:s20+s3] =	stream.linear.scatter [tilespmem:s28], [sflag:$0xB], $0x80, $0x38;
	[tilespmem:$0x16C00] =	vst v63  }
0x1c5: {  	s20 =	sadd.s32 $0x1060, s12;
	s28 =	simm.s32 $0x10D70  }
0x1c6: {  	[hbm4b:s20+s3] =	stream.linear.scatter [tilespmem:s28], [sflag:$0xB], $0x80, $0x38;
	[tilespmem:$0x16C00] =	vst v63  }
0x1c7: {  	s20 =	sadd.s32 $0x1070, s12;
	s28 =	simm.s32 $0x10DF8  }
0x1c8: {  	[hbm4b:s20+s3] =	stream.linear.scatter [tilespmem:s28], [sflag:$0xB], $0x80, $0x38;
	[tilespmem:$0x16C00] =	vst v63  }
0x1c9: {  	s20 =	sadd.s32 $0x2000, s12;
	s28 =	simm.s32 $0x10E80  }
0x1ca: {  	[hbm4b:s20+s3] =	stream.linear.scatter [tilespmem:s28], [sflag:$0xB], $0x80, $0x38;
	[tilespmem:$0x16C00] =	vst v63  }
0x1cb: {  	s20 =	sadd.s32 $0x2010, s12;
	s28 =	simm.s32 $0x10F08  }
0x1cc: {  	[hbm4b:s20+s3] =	stream.linear.scatter [tilespmem:s28], [sflag:$0xB], $0x80, $0x38;
	[tilespmem:$0x16C00] =	vst v63  }
0x1cd: {  	s20 =	sadd.s32 $0x2020, s12;
	s28 =	simm.s32 $0x10F90  }
0x1ce: {  	[hbm4b:s20+s3] =	stream.linear.scatter [tilespmem:s28], [sflag:$0xB], $0x80, $0x38;
	[tilespmem:$0x16C00] =	vst v63  }
0x1cf: {  	s20 =	sadd.s32 $0x2030, s12;
	s28 =	simm.s32 $0x11018  }
0x1d0: {  	[hbm4b:s20+s3] =	stream.linear.scatter [tilespmem:s28], [sflag:$0xB], $0x80, $0x38;
	[tilespmem:$0x16C00] =	vst v63  }
0x1d1: {  	s20 =	sadd.s32 $0x2040, s12;
	s28 =	simm.s32 $0x110A0  }
0x1d2: {  	[hbm4b:s20+s3] =	stream.linear.scatter [tilespmem:s28], [sflag:$0xB], $0x80, $0x38;
	[tilespmem:$0x16C00] =	vst v63  }
0x1d3: {  	s20 =	sadd.s32 $0x2050, s12;
	s28 =	simm.s32 $0x11128  }
0x1d4: {  	[hbm4b:s20+s3] =	stream.linear.scatter [tilespmem:s28], [sflag:$0xB], $0x80, $0x38;
	[tilespmem:$0x16C00] =	vst v63  }
0x1d5: {  	s20 =	sadd.s32 $0x2060, s12;
	s28 =	simm.s32 $0x111B0  }
0x1d6: {  	[hbm4b:s20+s3] =	stream.linear.scatter [tilespmem:s28], [sflag:$0xB], $0x80, $0x38;
	[tilespmem:$0x16C00] =	vst v63  }
0x1d7: {  	s20 =	sadd.s32 $0x2070, s12;
	s28 =	simm.s32 $0x11238  }
0x1d8: {  	[hbm4b:s20+s3] =	stream.linear.scatter [tilespmem:s28], [sflag:$0xB], $0x80, $0x38;
	[tilespmem:$0x16C00] =	vst v63  }
0x1d9: {  	s20 =	sadd.s32 $0x3000, s12;
	s28 =	simm.s32 $0x112C0  }
0x1da: {  	[hbm4b:s20+s3] =	stream.linear.scatter [tilespmem:s28], [sflag:$0xB], $0x80, $0x38;
	[tilespmem:$0x16C00] =	vst v63  }
0x1db: {  	s20 =	sadd.s32 $0x3010, s12;
	s28 =	simm.s32 $0x11348  }
0x1dc: {  	[hbm4b:s20+s3] =	stream.linear.scatter [tilespmem:s28], [sflag:$0xB], $0x80, $0x38;
	[tilespmem:$0x16C00] =	vst v63  }
0x1dd: {  	s20 =	sadd.s32 $0x3020, s12;
	s28 =	simm.s32 $0x113D0  }
0x1de: {  	[hbm4b:s20+s3] =	stream.linear.scatter [tilespmem:s28], [sflag:$0xB], $0x80, $0x38;
	[tilespmem:$0x16C00] =	vst v63  }
0x1df: {  	s20 =	sadd.s32 $0x3030, s12;
	s28 =	simm.s32 $0x11458  }
0x1e0: {  	[hbm4b:s20+s3] =	stream.linear.scatter [tilespmem:s28], [sflag:$0xB], $0x80, $0x38;
	[tilespmem:$0x16C00] =	vst v63  }
0x1e1: {  	s20 =	sadd.s32 $0x3040, s12;
	s28 =	simm.s32 $0x114E0  }
0x1e2: {  	[hbm4b:s20+s3] =	stream.linear.scatter [tilespmem:s28], [sflag:$0xB], $0x80, $0x38;
	[tilespmem:$0x16C00] =	vst v63  }
0x1e3: {  	s20 =	sadd.s32 $0x3050, s12;
	s28 =	simm.s32 $0x11568  }
0x1e4: {  	[hbm4b:s20+s3] =	stream.linear.scatter [tilespmem:s28], [sflag:$0xB], $0x80, $0x38;
	[tilespmem:$0x16C00] =	vst v63  }
.Ltmp11:
0x1e5: {  	_ = 	snop;
	(pc) =	sbr.rel @p1 .LBB2_18-.Ltmp11, $4  }
0x1e6: {  	s20 =	sadd.s32 $0x3060, s12;
	s28 =	simm.s32 $0x115F0  }
0x1e7: {  	[hbm4b:s20+s3] =	stream.linear.scatter [tilespmem:s28], [sflag:$0xB], $0x80, $0x38;
	[tilespmem:$0x16C00] =	vst v63  }
0x1e8: {  	s12 =	sadd.s32 $0x3070, s12;
	s28 =	simm.s32 $0x11678  }
0x1e9: {  	[hbm4b:s12+s3] =	stream.linear.scatter [tilespmem:s28], [sflag:$0xB], $0x80, $0x38;
	[tilespmem:$0x16C00] =	vst v63  }
.Ltmp12:
0x1ea: {  	(pc) =	sbr.rel .LBB2_19-.Ltmp12, $4  }
0x1eb: {  	_ = 	snop  }
0x1ec: {  	_ =	swait.ge [sflag:s18], $0x1000  }
0x1ed: {  	[sflag:s18] =	ssyncset.done $0x0  }
0x1ee: {  	[sflag:s18] =	ssyncadd.s32 $0xFFFFF000  }
.LBB2_18:
0x1ef: {  	s12 =	sshrl.u32 s10, $0x2  }
.Ltmp13:
0x1f0: {  	s13 =	simm.s32 $0x8400;
	s12 =	sadd.s32 $0x500, s12;
	(pc) =	sbr.rel @p0 .LBB2_20-.Ltmp13, $4  }
0x1f1: {  	[tilespmem:s13], [sflag:$0x3] =	stream.indirect.gather [hbm4b:s4+s15], $0x20, s12, s15, $0xb8;
	[tilespmem:$0x16C00] =	vst v63  }
0x1f2: {  	_ =	swait.ge [sflag:s18], $0x1000  }
0x1f3: {  	[sflag:s18] =	ssyncset.done $0x0  }
0x1f4: {  	[sflag:s18] =	ssyncadd.s32 $0xFFFFF000  }
.LBB2_19:
0x1f5: {  	_ =	swait.ge [sflag:s19], $0x1000  }
0x1f6: {  	[sflag:s19] =	ssyncset.done $0x0  }
0x1f7: {  	[sflag:s19] =	ssyncadd.s32 $0xFFFFF000  }
.LBB2_20:
0x1f8: {  	s12 =	simm.s32 $0x0  }
0x1f9: {  	s20 =	simm.s32 $0x1;
	s13 =	simm.s32 $0x2;
	v17 =	vmov s12  }
0x1fa: {  	v18 =	vmov s20;
	s12 =	simm.s32 $0x3;
	v19 =	vmov s13;
	s13 =	simm.s32 $0x4;
	s20 =	simm.s32 $0x7;
	v17 =	vshrl.u32 v17, $0x3  }
0x1fb: {  	v20 =	vmov s12;
	v21 =	vmov s13;
	v22 =	vmov s20  }
0x1fc: {  	s12 =	simm.s32 $0x5;
	v18 =	vshrl.u32 v18, $0x3;
	v19 =	vshrl.u32 v19, $0x3;
	v22 =	vshrl.u32 v22, $0x3  }
0x1fd: {  	s13 =	simm.s32 $0x6;
	v23 =	vmov s12;
	v17 =	vshll.u32 v17, v1;
	v22 =	vshll.u32 v22, v1  }
0x1fe: {  	v24 =	vmov s13;
	v18 =	vshll.u32 v18, v1;
	v25 =	vbroadcast v22, $0x0  }
0x1ff: {  	v20 =	vshrl.u32 v20, $0x3;
	s12 =	simm.s32 $0x9480;
	v17 =	vbroadcast v17, $0x0;
	v30 =	vbroadcast v18, $0x0  }
0x200: {  	v18 =	vshll.u32 v19, v1;
	v19 =	vld [tilespmem:s12+$0x60];
	v22 =	vshrl.u32 v21, $0x3;
	v26 =	vadd.s32 v15, v25  }
0x201: {  	v27 =	vld [tilespmem:s12+$0xFFFFFF80];
	v36 =	vbroadcast v18, $0x0;
	v18 =	vshll.u32 v20, v1;
	v28 =	vadd.s32 v0, v17  }
0x202: {  	v29 =	vld [tilespmem:s12+$0xFFFFFFA0];
	v31 =	vadd.s32 v3, v30;
	v21 =	vbroadcast v18, $0x0;
	v18 =	vshll.u32 v22, v1  }
0x203: {  	v32 =	vld [tilespmem:s12+$0xFFFFFFC0];
	v33 =	vadd.s32 v5, v36;
	v20 =	vbroadcast v18, $0x0;
	v18 =	vshrl.u32 v23, $0x3  }
0x204: {  	v34 =	vld [tilespmem:s12+$0xFFFFFFE0];
	v23 =	vshrl.u32 v24, $0x3;
	v39 =	vadd.s32 v7, v21;
	v18 =	vshll.u32 v18, v1  }
0x205: {  	s20 =	simm.s32 $0x8;
	v40 =	vld [tilespmem:s12+$0x0];
	v41 =	vadd.s32 v9, v20;
	v22 =	vbroadcast v18, $0x0;
	v18 =	vshll.u32 v23, v1;
	[tilespmem:v26+s21+$0x0] =	vst.idx.msk $0xffff, v19  }
0x206: {  	s13 =	simm.s32 $0xA;
	v25 =	vadd.s32 v16, v25;
	v23 =	vbroadcast v18, $0x0;
	[tilespmem:v28+s21+$0x0] =	vst.idx.msk $0xffff, v27;
	v19 =	vmov s20;
	s20 =	simm.s32 $0x9;
	v24 =	vld [tilespmem:s12+$0x70]  }
0x207: {  	v38 =	vmov s13;
	[tilespmem:v31+s21+$0x0] =	vst.idx.msk $0xffff, v29;
	v27 =	vadd.s32 v11, v22;
	v26 =	vld [tilespmem:s12+$0x20];
	v37 =	vmov s20;
	s20 =	simm.s32 $0xB  }
0x208: {  	v35 =	vadd.s32 v4, v30;
	v29 =	vld [tilespmem:s12+$0x40];
	[tilespmem:v33+s21+$0x0] =	vst.idx.msk $0xffff, v32;
	v31 =	vadd.s32 v13, v23;
	v28 =	vmov s20;
	s20 =	simm.s32 $0xD  }
0x209: {  	s13 =	simm.s32 $0xC;
	v36 =	vadd.s32 v6, v36;
	v33 =	vld [tilespmem:s12+$0xFFFFFFB0];
	v19 =	vshrl.u32 v19, $0x3;
	[tilespmem:v39+s21+$0x0] =	vst.idx.msk $0xffff, v34;
	v18 =	vmov s20;
	s20 =	simm.s32 $0xE  }
0x20a: {  	s28 =	simm.s32 $0xF;
	v32 =	vmov s13;
	s13 =	simm.s32 $0x10;
	v34 =	vld [tilespmem:s12+$0xFFFFFFD0];
	v30 =	vshll.u32 v19, v1;
	[tilespmem:v41+s21+$0x0] =	vst.idx.msk $0xffff, v40;
	v19 =	vmov s20  }
.LBB2_21:
0x20b: {  	p2 =	slt.u32 s13, $0x78;
	v37 =	vshrl.u32 v37, $0x3;
	v39 =	vmov s28;
	v40 =	vld [tilespmem:s12+$0xFFFFFFF0];
	v21 =	vadd.s32 v8, v21;
	[tilespmem:v25+s21+$0x0] =	vst.idx.msk $0xffff, v24  }
0x20c: {  	v24 =	vshrl.u32 v38, $0x3;
	v20 =	vadd.s32 v10, v20;
	v25 =	vshrl.u32 v39, $0x3;
	v38 =	vld [tilespmem:s12+$0x10];
	[tilespmem:v27+s21+$0x0] =	vst.idx.msk $0xffff, v26  }
0x20d: {  	v22 =	vadd.s32 v12, v22;
	v26 =	vshrl.u32 v28, $0x3;
	v25 =	vshll.u32 v25, v1;
	v27 =	vld [tilespmem:s12+$0x30];
	[tilespmem:v31+s21+$0x0] =	vst.idx.msk $0xffff, v29  }
0x20e: {  	v23 =	vadd.s32 v14, v23;
	v28 =	vshrl.u32 v32, $0x3;
	v25 =	vbroadcast v25, $0x0;
	[tilespmem:v35+s21+$0x0] =	vst.idx.msk $0xffff, v33;
	v29 =	vld [tilespmem:s12+$0x50]  }
0x20f: {  	v31 =	vshll.u32 v37, v1;
	v33 =	vadd.s32 v2, v17;
	v17 =	vbroadcast v30, $0x0;
	v32 =	vld [tilespmem:s12+$0xFFFFFF90];
	[tilespmem:v36+s21+$0x0] =	vst.idx.msk $0xffff, v34;
	s12 =	sadd.s32 $0x100, s12  }
0x210: {  	v24 =	vshll.u32 v24, v1;
	v30 =	vbroadcast v31, $0x0;
	v31 =	vld [tilespmem:s12+$0x60];
	v34 =	vadd.s32 v15, v25;
	[tilespmem:v21+s21+$0x0] =	vst.idx.msk $0xffff, v40  }
0x211: {  	v39 =	vbroadcast v24, $0x0;
	v36 =	vadd.s32 v0, v17;
	v21 =	vshll.u32 v26, v1;
	v35 =	vld [tilespmem:s12+$0xFFFFFF80];
	[tilespmem:v20+s21+$0x0] =	vst.idx.msk $0xffff, v38  }
0x212: {  	v38 =	vadd.s32 v3, v30;
	v21 =	vbroadcast v21, $0x0;
	v20 =	vshll.u32 v28, v1;
	v26 =	vld [tilespmem:s12+$0xFFFFFFA0];
	[tilespmem:v22+s21+$0x0] =	vst.idx.msk $0xffff, v27  }
0x213: {  	v18 =	vshrl.u32 v18, $0x3;
	v41 =	vadd.s32 v5, v39;
	v20 =	vbroadcast v20, $0x0;
	v40 =	vld [tilespmem:s12+$0xFFFFFFC0];
	[tilespmem:v23+s21+$0x0] =	vst.idx.msk $0xffff, v29  }
0x214: {  	v19 =	vshrl.u32 v19, $0x3;
	v18 =	vshll.u32 v18, v1;
	v43 =	vadd.s32 v7, v21;
	v42 =	vld [tilespmem:s12+$0xFFFFFFE0];
	[tilespmem:v33+s21+$0x0] =	vst.idx.msk $0xffff, v32  }
0x215: {  	v22 =	vbroadcast v18, $0x0;
	v18 =	vshll.u32 v19, v1;
	v45 =	vadd.s32 v9, v20;
	v44 =	vld [tilespmem:s12+$0x0];
	[tilespmem:v34+s21+$0x0] =	vst.idx.msk $0xffff, v31  }
.Ltmp14:
0x216: {  	s20 =	sadd.s32 $0x1, s13;
	v25 =	vadd.s32 v16, v25;
	v19 =	vmov s13;
	v23 =	vbroadcast v18, $0x0;
	[tilespmem:v36+s21+$0x0] =	vst.idx.msk $0xffff, v35;
	v24 =	vld [tilespmem:s12+$0x70];
	(pc) =	sbr.rel @p2 .LBB2_21-.Ltmp14, $4  }
0x217: {  	s28 =	sadd.s32 $0x3, s13;
	v37 =	vmov s20;
	s20 =	sadd.s32 $0x2, s13;
	v19 =	vshrl.u32 v19, $0x3;
	v27 =	vadd.s32 v11, v22;
	[tilespmem:v38+s21+$0x0] =	vst.idx.msk $0xffff, v26;
	v26 =	vld [tilespmem:s12+$0x20]  }
0x218: {  	v28 =	vmov s28;
	s28 =	sadd.s32 $0x5, s13;
	v31 =	vadd.s32 v13, v23;
	v38 =	vmov s20;
	s20 =	sadd.s32 $0x4, s13;
	[tilespmem:v41+s21+$0x0] =	vst.idx.msk $0xffff, v40;
	v29 =	vld [tilespmem:s12+$0x40]  }
0x219: {  	v18 =	vmov s28;
	v35 =	vadd.s32 v4, v30;
	v32 =	vmov s20;
	s20 =	sadd.s32 $0x6, s13;
	v33 =	vld [tilespmem:s12+$0xFFFFFFB0];
	[tilespmem:v43+s21+$0x0] =	vst.idx.msk $0xffff, v42  }
0x21a: {  	s28 =	sadd.s32 $0x7, s13;
	v30 =	vshll.u32 v19, v1;
	v36 =	vadd.s32 v6, v39;
	s13 =	sadd.s32 $0x8, s13;
	v19 =	vmov s20;
	v34 =	vld [tilespmem:s12+$0xFFFFFFD0];
	[tilespmem:v45+s21+$0x0] =	vst.idx.msk $0xffff, v44  }
0x21b: {  	_ =	sdelay $0x2  }
0x21c: {  	v37 =	vshrl.u32 v37, $0x3;
	v39 =	vmov s28  }
0x21d: {  	v40 =	vld [tilespmem:s12+$0xFFFFFFF0];
	v21 =	vadd.s32 v8, v21;
	[tilespmem:v25+s21+$0x0] =	vst.idx.msk $0xffff, v24;
	v59 =	vshrl.u32 v38, $0x3;
	v20 =	vadd.s32 v10, v20  }
0x21e: {  	v61 =	vld [tilespmem:s12+$0x10];
	v62 =	vshrl.u32 v28, $0x3;
	v22 =	vadd.s32 v12, v22;
	v63 =	vshrl.u32 v32, $0x3;
	[tilespmem:v27+s21+$0x0] =	vst.idx.msk $0xffff, v26  }
0x21f: {  	v23 =	vadd.s32 v14, v23;
	v30 =	vbroadcast v30, $0x0;
	v41 =	vld [tilespmem:s12+$0xFFFFFF90];
	v17 =	vadd.s32 v2, v17;
	[tilespmem:v31+s21+$0x0] =	vst.idx.msk $0xffff, v29  }
0x220: {  	s28 =	sadd.s32 $0x100, s12;
	v18 =	vshrl.u32 v18, $0x3;
	v60 =	vshrl.u32 v39, $0x3;
	v39 =	vshll.u32 v37, v1;
	v27 =	vld [tilespmem:s12+$0x30];
	[tilespmem:v35+s21+$0x0] =	vst.idx.msk $0xffff, v33  }
0x221: {  	v24 =	vshll.u32 v59, v1;
	v44 =	vld [tilespmem:s28+$0xFFFFFF80];
	v31 =	vbroadcast v39, $0x0;
	v45 =	vadd.s32 v0, v30;
	[tilespmem:v36+s21+$0x0] =	vst.idx.msk $0xffff, v34  }
0x222: {  	v19 =	vshrl.u32 v19, $0x3;
	v26 =	vshll.u32 v62, v1;
	v24 =	vbroadcast v24, $0x0;
	v29 =	vld [tilespmem:s12+$0x50];
	[tilespmem:v21+s21+$0x0] =	vst.idx.msk $0xffff, v40  }
0x223: {  	v46 =	vld [tilespmem:s28+$0xFFFFFFA0];
	v18 =	vshll.u32 v18, v1;
	v26 =	vbroadcast v26, $0x0;
	v47 =	vadd.s32 v3, v31;
	[tilespmem:v20+s21+$0x0] =	vst.idx.msk $0xffff, v61  }
0x224: {  	v48 =	vld [tilespmem:s28+$0xFFFFFFC0];
	v19 =	vshll.u32 v19, v1;
	v18 =	vbroadcast v18, $0x0;
	v49 =	vadd.s32 v5, v24;
	[tilespmem:v17+s21+$0x0] =	vst.idx.msk $0xffff, v41  }
0x225: {  	v28 =	vshll.u32 v63, v1;
	v50 =	vld [tilespmem:s28+$0xFFFFFFE0];
	v19 =	vbroadcast v19, $0x0;
	v51 =	vadd.s32 v7, v26;
	[tilespmem:v22+s21+$0x0] =	vst.idx.msk $0xffff, v27  }
0x226: {  	v54 =	vld [tilespmem:s28+$0x20];
	v25 =	vshll.u32 v60, v1;
	v28 =	vbroadcast v28, $0x0;
	v55 =	vadd.s32 v11, v18;
	[tilespmem:v45+s21+$0x0] =	vst.idx.msk $0xffff, v44  }
0x227: {  	v56 =	vld [tilespmem:s28+$0x40];
	v25 =	vbroadcast v25, $0x0;
	v57 =	vadd.s32 v13, v19;
	[tilespmem:v23+s21+$0x0] =	vst.idx.msk $0xffff, v29  }
0x228: {  	v52 =	vadd.s32 v9, v28;
	v17 =	vld [tilespmem:s28+$0x0];
	[tilespmem:v47+s21+$0x0] =	vst.idx.msk $0xffff, v46  }
0x229: {  	v42 =	vld [tilespmem:s28+$0x60];
	v43 =	vadd.s32 v15, v25;
	[tilespmem:v49+s21+$0x0] =	vst.idx.msk $0xffff, v48  }
0x22a: {  	v63 =	vadd.s32 v2, v30;
	v62 =	vld [tilespmem:s28+$0xFFFFFF90];
	[tilespmem:v51+s21+$0x0] =	vst.idx.msk $0xffff, v50  }
0x22b: {  	v31 =	vadd.s32 v4, v31;
	[tilespmem:v55+s21+$0x0] =	vst.idx.msk $0xffff, v54;
	v58 =	vld [tilespmem:s28+$0xFFFFFFB0]  }
0x22c: {  	v24 =	vadd.s32 v6, v24;
	[tilespmem:v57+s21+$0x0] =	vst.idx.msk $0xffff, v56;
	v59 =	vld [tilespmem:s28+$0xFFFFFFD0]  }
0x22d: {  	v26 =	vadd.s32 v8, v26;
	[tilespmem:v52+s21+$0x0] =	vst.idx.msk $0xffff, v17;
	v17 =	vld [tilespmem:s28+$0xFFFFFFF0]  }
0x22e: {  	v18 =	vadd.s32 v12, v18;
	[tilespmem:v43+s21+$0x0] =	vst.idx.msk $0xffff, v42;
	v20 =	vld [tilespmem:s28+$0x30]  }
0x22f: {  	v19 =	vadd.s32 v14, v19;
	v22 =	vld [tilespmem:s28+$0x50];
	[tilespmem:v63+s21+$0x0] =	vst.idx.msk $0xffff, v62  }
0x230: {  	v25 =	vadd.s32 v16, v25;
	v53 =	vld [tilespmem:s28+$0x70];
	[tilespmem:v31+s21+$0x0] =	vst.idx.msk $0xffff, v58  }
0x231: {  	v61 =	vadd.s32 v10, v28;
	v60 =	vld [tilespmem:s28+$0x10];
	[tilespmem:v24+s21+$0x0] =	vst.idx.msk $0xffff, v59  }
0x232: {  	[tilespmem:v26+s21+$0x0] =	vst.idx.msk $0xffff, v17  }
0x233: {  	[tilespmem:v18+s21+$0x0] =	vst.idx.msk $0xffff, v20  }
0x234: {  	[tilespmem:v19+s21+$0x0] =	vst.idx.msk $0xffff, v22  }
0x235: {  	[tilespmem:v25+s21+$0x0] =	vst.idx.msk $0xffff, v53  }
0x236: {  	[tilespmem:v61+s21+$0x0] =	vst.idx.msk $0xffff, v60  }
0x237: {  	s13 =	rddreg [dreg:$0x7]  }
0x238: {  	s12 =	sadd.s32 s11, s13  }
0x239: {  	[hbm4b:s12+s3] =	stream.linear.scatter [tilespmem:s21], [sflag:$0xC], $0x80, $0x38;
	[tilespmem:$0x16C00] =	vst v63  }
0x23a: {  	s20 =	simm.s32 $0x11788;
	s13 =	sadd.s32 $0x10, s12  }
0x23b: {  	[hbm4b:s13+s3] =	stream.linear.scatter [tilespmem:s20], [sflag:$0xC], $0x80, $0x38;
	[tilespmem:$0x16C00] =	vst v63  }
0x23c: {  	s28 =	simm.s32 $0x11810;
	s20 =	sadd.s32 $0x20, s12  }
0x23d: {  	[hbm4b:s20+s3] =	stream.linear.scatter [tilespmem:s28], [sflag:$0xC], $0x80, $0x38;
	[tilespmem:$0x16C00] =	vst v63  }
0x23e: {  	s20 =	sadd.s32 $0x30, s12;
	s28 =	simm.s32 $0x11898  }
0x23f: {  	[hbm4b:s20+s3] =	stream.linear.scatter [tilespmem:s28], [sflag:$0xC], $0x80, $0x38;
	[tilespmem:$0x16C00] =	vst v63  }
0x240: {  	s20 =	sadd.s32 $0x40, s12;
	s28 =	simm.s32 $0x11920  }
0x241: {  	[hbm4b:s20+s3] =	stream.linear.scatter [tilespmem:s28], [sflag:$0xC], $0x80, $0x38;
	[tilespmem:$0x16C00] =	vst v63  }
0x242: {  	s20 =	sadd.s32 $0x50, s12;
	s28 =	simm.s32 $0x119A8  }
0x243: {  	[hbm4b:s20+s3] =	stream.linear.scatter [tilespmem:s28], [sflag:$0xC], $0x80, $0x38;
	[tilespmem:$0x16C00] =	vst v63  }
0x244: {  	s20 =	sadd.s32 $0x60, s12;
	s28 =	simm.s32 $0x11A30  }
0x245: {  	[hbm4b:s20+s3] =	stream.linear.scatter [tilespmem:s28], [sflag:$0xC], $0x80, $0x38;
	[tilespmem:$0x16C00] =	vst v63  }
0x246: {  	s20 =	sadd.s32 $0x70, s12;
	s28 =	simm.s32 $0x11AB8  }
0x247: {  	[hbm4b:s20+s3] =	stream.linear.scatter [tilespmem:s28], [sflag:$0xC], $0x80, $0x38;
	[tilespmem:$0x16C00] =	vst v63  }
0x248: {  	s20 =	sadd.s32 $0x1000, s12;
	s28 =	simm.s32 $0x11B40  }
0x249: {  	[hbm4b:s20+s3] =	stream.linear.scatter [tilespmem:s28], [sflag:$0xC], $0x80, $0x38;
	[tilespmem:$0x16C00] =	vst v63  }
0x24a: {  	s20 =	sadd.s32 $0x1010, s12;
	s28 =	simm.s32 $0x11BC8  }
0x24b: {  	[hbm4b:s20+s3] =	stream.linear.scatter [tilespmem:s28], [sflag:$0xC], $0x80, $0x38;
	[tilespmem:$0x16C00] =	vst v63  }
0x24c: {  	s20 =	sadd.s32 $0x1020, s12;
	s28 =	simm.s32 $0x11C50  }
0x24d: {  	[hbm4b:s20+s3] =	stream.linear.scatter [tilespmem:s28], [sflag:$0xC], $0x80, $0x38;
	[tilespmem:$0x16C00] =	vst v63  }
0x24e: {  	s20 =	sadd.s32 $0x1030, s12;
	s28 =	simm.s32 $0x11CD8  }
0x24f: {  	[hbm4b:s20+s3] =	stream.linear.scatter [tilespmem:s28], [sflag:$0xC], $0x80, $0x38;
	[tilespmem:$0x16C00] =	vst v63  }
0x250: {  	s20 =	sadd.s32 $0x1040, s12;
	s28 =	simm.s32 $0x11D60  }
0x251: {  	[hbm4b:s20+s3] =	stream.linear.scatter [tilespmem:s28], [sflag:$0xC], $0x80, $0x38;
	[tilespmem:$0x16C00] =	vst v63  }
0x252: {  	s20 =	sadd.s32 $0x1050, s12;
	s28 =	simm.s32 $0x11DE8  }
0x253: {  	[hbm4b:s20+s3] =	stream.linear.scatter [tilespmem:s28], [sflag:$0xC], $0x80, $0x38;
	[tilespmem:$0x16C00] =	vst v63  }
0x254: {  	s20 =	sadd.s32 $0x1060, s12;
	s28 =	simm.s32 $0x11E70  }
0x255: {  	[hbm4b:s20+s3] =	stream.linear.scatter [tilespmem:s28], [sflag:$0xC], $0x80, $0x38;
	[tilespmem:$0x16C00] =	vst v63  }
0x256: {  	s20 =	sadd.s32 $0x1070, s12;
	s28 =	simm.s32 $0x11EF8  }
0x257: {  	[hbm4b:s20+s3] =	stream.linear.scatter [tilespmem:s28], [sflag:$0xC], $0x80, $0x38;
	[tilespmem:$0x16C00] =	vst v63  }
0x258: {  	s20 =	sadd.s32 $0x2000, s12;
	s28 =	simm.s32 $0x11F80  }
0x259: {  	[hbm4b:s20+s3] =	stream.linear.scatter [tilespmem:s28], [sflag:$0xC], $0x80, $0x38;
	[tilespmem:$0x16C00] =	vst v63  }
0x25a: {  	s20 =	sadd.s32 $0x2010, s12;
	s28 =	simm.s32 $0x12008  }
0x25b: {  	[hbm4b:s20+s3] =	stream.linear.scatter [tilespmem:s28], [sflag:$0xC], $0x80, $0x38;
	[tilespmem:$0x16C00] =	vst v63  }
0x25c: {  	s20 =	sadd.s32 $0x2020, s12;
	s28 =	simm.s32 $0x12090  }
0x25d: {  	[hbm4b:s20+s3] =	stream.linear.scatter [tilespmem:s28], [sflag:$0xC], $0x80, $0x38;
	[tilespmem:$0x16C00] =	vst v63  }
0x25e: {  	s20 =	sadd.s32 $0x2030, s12;
	s28 =	simm.s32 $0x12118  }
0x25f: {  	[hbm4b:s20+s3] =	stream.linear.scatter [tilespmem:s28], [sflag:$0xC], $0x80, $0x38;
	[tilespmem:$0x16C00] =	vst v63  }
0x260: {  	s20 =	sadd.s32 $0x2040, s12;
	s28 =	simm.s32 $0x121A0  }
0x261: {  	[hbm4b:s20+s3] =	stream.linear.scatter [tilespmem:s28], [sflag:$0xC], $0x80, $0x38;
	[tilespmem:$0x16C00] =	vst v63  }
0x262: {  	s20 =	sadd.s32 $0x2050, s12;
	s28 =	simm.s32 $0x12228  }
0x263: {  	[hbm4b:s20+s3] =	stream.linear.scatter [tilespmem:s28], [sflag:$0xC], $0x80, $0x38;
	[tilespmem:$0x16C00] =	vst v63  }
0x264: {  	s20 =	sadd.s32 $0x2060, s12;
	s28 =	simm.s32 $0x122B0  }
0x265: {  	[hbm4b:s20+s3] =	stream.linear.scatter [tilespmem:s28], [sflag:$0xC], $0x80, $0x38;
	[tilespmem:$0x16C00] =	vst v63  }
0x266: {  	s20 =	sadd.s32 $0x2070, s12;
	s28 =	simm.s32 $0x12338  }
0x267: {  	[hbm4b:s20+s3] =	stream.linear.scatter [tilespmem:s28], [sflag:$0xC], $0x80, $0x38;
	[tilespmem:$0x16C00] =	vst v63  }
0x268: {  	s20 =	sadd.s32 $0x3000, s12;
	s28 =	simm.s32 $0x123C0  }
0x269: {  	[hbm4b:s20+s3] =	stream.linear.scatter [tilespmem:s28], [sflag:$0xC], $0x80, $0x38;
	[tilespmem:$0x16C00] =	vst v63  }
0x26a: {  	s20 =	sadd.s32 $0x3010, s12;
	s28 =	simm.s32 $0x12448  }
0x26b: {  	[hbm4b:s20+s3] =	stream.linear.scatter [tilespmem:s28], [sflag:$0xC], $0x80, $0x38;
	[tilespmem:$0x16C00] =	vst v63  }
0x26c: {  	s20 =	sadd.s32 $0x3020, s12;
	s28 =	simm.s32 $0x124D0  }
0x26d: {  	[hbm4b:s20+s3] =	stream.linear.scatter [tilespmem:s28], [sflag:$0xC], $0x80, $0x38;
	[tilespmem:$0x16C00] =	vst v63  }
0x26e: {  	s20 =	sadd.s32 $0x3030, s12;
	s28 =	simm.s32 $0x12558  }
0x26f: {  	[hbm4b:s20+s3] =	stream.linear.scatter [tilespmem:s28], [sflag:$0xC], $0x80, $0x38;
	[tilespmem:$0x16C00] =	vst v63  }
0x270: {  	s20 =	sadd.s32 $0x3040, s12;
	s28 =	simm.s32 $0x125E0  }
0x271: {  	[hbm4b:s20+s3] =	stream.linear.scatter [tilespmem:s28], [sflag:$0xC], $0x80, $0x38;
	[tilespmem:$0x16C00] =	vst v63  }
0x272: {  	s20 =	sadd.s32 $0x3050, s12;
	s28 =	simm.s32 $0x12668  }
0x273: {  	[hbm4b:s20+s3] =	stream.linear.scatter [tilespmem:s28], [sflag:$0xC], $0x80, $0x38;
	[tilespmem:$0x16C00] =	vst v63  }
.Ltmp15:
0x274: {  	_ = 	snop;
	(pc) =	sbr.rel @p1 .LBB2_24-.Ltmp15, $4  }
0x275: {  	s20 =	sadd.s32 $0x3060, s12;
	s28 =	simm.s32 $0x126F0  }
0x276: {  	[hbm4b:s20+s3] =	stream.linear.scatter [tilespmem:s28], [sflag:$0xC], $0x80, $0x38;
	[tilespmem:$0x16C00] =	vst v63  }
0x277: {  	s12 =	sadd.s32 $0x3070, s12;
	s28 =	simm.s32 $0x12778  }
0x278: {  	[hbm4b:s12+s3] =	stream.linear.scatter [tilespmem:s28], [sflag:$0xC], $0x80, $0x38;
	[tilespmem:$0x16C00] =	vst v63  }
.Ltmp16:
0x279: {  	(pc) =	sbr.rel .LBB2_25-.Ltmp16, $4  }
0x27a: {  	_ = 	snop  }
0x27b: {  	_ =	swait.ge [sflag:s29], $0x1000  }
0x27c: {  	[sflag:s29] =	ssyncset.done $0x0  }
0x27d: {  	[sflag:s29] =	ssyncadd.s32 $0xFFFFF000  }
.LBB2_24:
0x27e: {  	s12 =	sshrl.u32 s10, $0x2  }
.Ltmp17:
0x27f: {  	s13 =	simm.s32 $0x9400;
	s12 =	sadd.s32 $0x580, s12;
	(pc) =	sbr.rel @p0 .LBB2_26-.Ltmp17, $4  }
0x280: {  	[tilespmem:s13], [sflag:$0x4] =	stream.indirect.gather [hbm4b:s4+s15], $0x20, s12, s15, $0xb8;
	[tilespmem:$0x16C00] =	vst v63  }
0x281: {  	_ =	swait.ge [sflag:s29], $0x1000  }
0x282: {  	[sflag:s29] =	ssyncset.done $0x0  }
0x283: {  	[sflag:s29] =	ssyncadd.s32 $0xFFFFF000  }
.LBB2_25:
0x284: {  	_ =	swait.ge [sflag:s31], $0x1000  }
0x285: {  	[sflag:s31] =	ssyncset.done $0x0  }
0x286: {  	[sflag:s31] =	ssyncadd.s32 $0xFFFFF000  }
.LBB2_26:
0x287: {  	s12 =	simm.s32 $0x0  }
0x288: {  	s20 =	simm.s32 $0x1;
	s13 =	simm.s32 $0x2;
	v17 =	vmov s12  }
0x289: {  	v18 =	vmov s20;
	s12 =	simm.s32 $0x3;
	v19 =	vmov s13;
	s13 =	simm.s32 $0x4;
	s20 =	simm.s32 $0x7;
	v17 =	vshrl.u32 v17, $0x3  }
0x28a: {  	v20 =	vmov s12;
	v21 =	vmov s13;
	v22 =	vmov s20  }
0x28b: {  	s12 =	simm.s32 $0x5;
	v18 =	vshrl.u32 v18, $0x3;
	v19 =	vshrl.u32 v19, $0x3;
	v22 =	vshrl.u32 v22, $0x3  }
0x28c: {  	s13 =	simm.s32 $0x6;
	v23 =	vmov s12;
	v17 =	vshll.u32 v17, v1;
	v22 =	vshll.u32 v22, v1  }
0x28d: {  	v24 =	vmov s13;
	v18 =	vshll.u32 v18, v1;
	v25 =	vbroadcast v22, $0x0  }
0x28e: {  	v20 =	vshrl.u32 v20, $0x3;
	s12 =	simm.s32 $0xA480;
	v17 =	vbroadcast v17, $0x0;
	v30 =	vbroadcast v18, $0x0  }
0x28f: {  	v18 =	vshll.u32 v19, v1;
	v19 =	vld [tilespmem:s12+$0x60];
	v22 =	vshrl.u32 v21, $0x3;
	v26 =	vadd.s32 v15, v25  }
0x290: {  	v27 =	vld [tilespmem:s12+$0xFFFFFF80];
	v36 =	vbroadcast v18, $0x0;
	v18 =	vshll.u32 v20, v1;
	v28 =	vadd.s32 v0, v17  }
0x291: {  	v29 =	vld [tilespmem:s12+$0xFFFFFFA0];
	v31 =	vadd.s32 v3, v30;
	v21 =	vbroadcast v18, $0x0;
	v18 =	vshll.u32 v22, v1  }
0x292: {  	v32 =	vld [tilespmem:s12+$0xFFFFFFC0];
	v33 =	vadd.s32 v5, v36;
	v20 =	vbroadcast v18, $0x0;
	v18 =	vshrl.u32 v23, $0x3  }
0x293: {  	v34 =	vld [tilespmem:s12+$0xFFFFFFE0];
	v23 =	vshrl.u32 v24, $0x3;
	v39 =	vadd.s32 v7, v21;
	v18 =	vshll.u32 v18, v1  }
0x294: {  	s20 =	simm.s32 $0x8;
	v40 =	vld [tilespmem:s12+$0x0];
	v41 =	vadd.s32 v9, v20;
	v22 =	vbroadcast v18, $0x0;
	v18 =	vshll.u32 v23, v1;
	[tilespmem:v26+s5+$0x0] =	vst.idx.msk $0xffff, v19  }
0x295: {  	s13 =	simm.s32 $0xA;
	v25 =	vadd.s32 v16, v25;
	v23 =	vbroadcast v18, $0x0;
	[tilespmem:v28+s5+$0x0] =	vst.idx.msk $0xffff, v27;
	v19 =	vmov s20;
	s20 =	simm.s32 $0x9;
	v24 =	vld [tilespmem:s12+$0x70]  }
0x296: {  	v38 =	vmov s13;
	[tilespmem:v31+s5+$0x0] =	vst.idx.msk $0xffff, v29;
	v27 =	vadd.s32 v11, v22;
	v26 =	vld [tilespmem:s12+$0x20];
	v37 =	vmov s20;
	s20 =	simm.s32 $0xB  }
0x297: {  	v35 =	vadd.s32 v4, v30;
	v29 =	vld [tilespmem:s12+$0x40];
	[tilespmem:v33+s5+$0x0] =	vst.idx.msk $0xffff, v32;
	v31 =	vadd.s32 v13, v23;
	v28 =	vmov s20;
	s20 =	simm.s32 $0xD  }
0x298: {  	s13 =	simm.s32 $0xC;
	v36 =	vadd.s32 v6, v36;
	v33 =	vld [tilespmem:s12+$0xFFFFFFB0];
	v19 =	vshrl.u32 v19, $0x3;
	[tilespmem:v39+s5+$0x0] =	vst.idx.msk $0xffff, v34;
	v18 =	vmov s20;
	s20 =	simm.s32 $0xE  }
0x299: {  	s28 =	simm.s32 $0xF;
	v32 =	vmov s13;
	s13 =	simm.s32 $0x10;
	v34 =	vld [tilespmem:s12+$0xFFFFFFD0];
	v30 =	vshll.u32 v19, v1;
	[tilespmem:v41+s5+$0x0] =	vst.idx.msk $0xffff, v40;
	v19 =	vmov s20  }
.LBB2_27:
0x29a: {  	p2 =	slt.u32 s13, $0x78;
	v37 =	vshrl.u32 v37, $0x3;
	v39 =	vmov s28;
	v40 =	vld [tilespmem:s12+$0xFFFFFFF0];
	v21 =	vadd.s32 v8, v21;
	[tilespmem:v25+s5+$0x0] =	vst.idx.msk $0xffff, v24  }
0x29b: {  	v24 =	vshrl.u32 v38, $0x3;
	v20 =	vadd.s32 v10, v20;
	v25 =	vshrl.u32 v39, $0x3;
	v38 =	vld [tilespmem:s12+$0x10];
	[tilespmem:v27+s5+$0x0] =	vst.idx.msk $0xffff, v26  }
0x29c: {  	v22 =	vadd.s32 v12, v22;
	v26 =	vshrl.u32 v28, $0x3;
	v25 =	vshll.u32 v25, v1;
	v27 =	vld [tilespmem:s12+$0x30];
	[tilespmem:v31+s5+$0x0] =	vst.idx.msk $0xffff, v29  }
0x29d: {  	v23 =	vadd.s32 v14, v23;
	v28 =	vshrl.u32 v32, $0x3;
	v25 =	vbroadcast v25, $0x0;
	[tilespmem:v35+s5+$0x0] =	vst.idx.msk $0xffff, v33;
	v29 =	vld [tilespmem:s12+$0x50]  }
0x29e: {  	v31 =	vshll.u32 v37, v1;
	v33 =	vadd.s32 v2, v17;
	v17 =	vbroadcast v30, $0x0;
	v32 =	vld [tilespmem:s12+$0xFFFFFF90];
	[tilespmem:v36+s5+$0x0] =	vst.idx.msk $0xffff, v34;
	s12 =	sadd.s32 $0x100, s12  }
0x29f: {  	v24 =	vshll.u32 v24, v1;
	v30 =	vbroadcast v31, $0x0;
	v31 =	vld [tilespmem:s12+$0x60];
	v34 =	vadd.s32 v15, v25;
	[tilespmem:v21+s5+$0x0] =	vst.idx.msk $0xffff, v40  }
0x2a0: {  	v39 =	vbroadcast v24, $0x0;
	v36 =	vadd.s32 v0, v17;
	v21 =	vshll.u32 v26, v1;
	v35 =	vld [tilespmem:s12+$0xFFFFFF80];
	[tilespmem:v20+s5+$0x0] =	vst.idx.msk $0xffff, v38  }
0x2a1: {  	v38 =	vadd.s32 v3, v30;
	v21 =	vbroadcast v21, $0x0;
	v20 =	vshll.u32 v28, v1;
	v26 =	vld [tilespmem:s12+$0xFFFFFFA0];
	[tilespmem:v22+s5+$0x0] =	vst.idx.msk $0xffff, v27  }
0x2a2: {  	v18 =	vshrl.u32 v18, $0x3;
	v41 =	vadd.s32 v5, v39;
	v20 =	vbroadcast v20, $0x0;
	v40 =	vld [tilespmem:s12+$0xFFFFFFC0];
	[tilespmem:v23+s5+$0x0] =	vst.idx.msk $0xffff, v29  }
0x2a3: {  	v19 =	vshrl.u32 v19, $0x3;
	v18 =	vshll.u32 v18, v1;
	v43 =	vadd.s32 v7, v21;
	v42 =	vld [tilespmem:s12+$0xFFFFFFE0];
	[tilespmem:v33+s5+$0x0] =	vst.idx.msk $0xffff, v32  }
0x2a4: {  	v22 =	vbroadcast v18, $0x0;
	v18 =	vshll.u32 v19, v1;
	v45 =	vadd.s32 v9, v20;
	v44 =	vld [tilespmem:s12+$0x0];
	[tilespmem:v34+s5+$0x0] =	vst.idx.msk $0xffff, v31  }
.Ltmp18:
0x2a5: {  	s20 =	sadd.s32 $0x1, s13;
	v25 =	vadd.s32 v16, v25;
	v19 =	vmov s13;
	v23 =	vbroadcast v18, $0x0;
	[tilespmem:v36+s5+$0x0] =	vst.idx.msk $0xffff, v35;
	v24 =	vld [tilespmem:s12+$0x70];
	(pc) =	sbr.rel @p2 .LBB2_27-.Ltmp18, $4  }
0x2a6: {  	s28 =	sadd.s32 $0x3, s13;
	v37 =	vmov s20;
	s20 =	sadd.s32 $0x2, s13;
	v19 =	vshrl.u32 v19, $0x3;
	v27 =	vadd.s32 v11, v22;
	[tilespmem:v38+s5+$0x0] =	vst.idx.msk $0xffff, v26;
	v26 =	vld [tilespmem:s12+$0x20]  }
0x2a7: {  	v28 =	vmov s28;
	s28 =	sadd.s32 $0x5, s13;
	v31 =	vadd.s32 v13, v23;
	v38 =	vmov s20;
	s20 =	sadd.s32 $0x4, s13;
	[tilespmem:v41+s5+$0x0] =	vst.idx.msk $0xffff, v40;
	v29 =	vld [tilespmem:s12+$0x40]  }
0x2a8: {  	v18 =	vmov s28;
	v35 =	vadd.s32 v4, v30;
	v32 =	vmov s20;
	s20 =	sadd.s32 $0x6, s13;
	v33 =	vld [tilespmem:s12+$0xFFFFFFB0];
	[tilespmem:v43+s5+$0x0] =	vst.idx.msk $0xffff, v42  }
0x2a9: {  	s28 =	sadd.s32 $0x7, s13;
	v30 =	vshll.u32 v19, v1;
	v36 =	vadd.s32 v6, v39;
	s13 =	sadd.s32 $0x8, s13;
	v19 =	vmov s20;
	v34 =	vld [tilespmem:s12+$0xFFFFFFD0];
	[tilespmem:v45+s5+$0x0] =	vst.idx.msk $0xffff, v44  }
0x2aa: {  	_ =	sdelay $0x2  }
0x2ab: {  	v37 =	vshrl.u32 v37, $0x3;
	v39 =	vmov s28  }
0x2ac: {  	v40 =	vld [tilespmem:s12+$0xFFFFFFF0];
	v21 =	vadd.s32 v8, v21;
	[tilespmem:v25+s5+$0x0] =	vst.idx.msk $0xffff, v24;
	v59 =	vshrl.u32 v38, $0x3;
	v20 =	vadd.s32 v10, v20  }
0x2ad: {  	v61 =	vld [tilespmem:s12+$0x10];
	v62 =	vshrl.u32 v28, $0x3;
	v22 =	vadd.s32 v12, v22;
	v63 =	vshrl.u32 v32, $0x3;
	[tilespmem:v27+s5+$0x0] =	vst.idx.msk $0xffff, v26  }
0x2ae: {  	v23 =	vadd.s32 v14, v23;
	v30 =	vbroadcast v30, $0x0;
	v41 =	vld [tilespmem:s12+$0xFFFFFF90];
	v17 =	vadd.s32 v2, v17;
	[tilespmem:v31+s5+$0x0] =	vst.idx.msk $0xffff, v29  }
0x2af: {  	s28 =	sadd.s32 $0x100, s12;
	v18 =	vshrl.u32 v18, $0x3;
	v60 =	vshrl.u32 v39, $0x3;
	v39 =	vshll.u32 v37, v1;
	v27 =	vld [tilespmem:s12+$0x30];
	[tilespmem:v35+s5+$0x0] =	vst.idx.msk $0xffff, v33  }
0x2b0: {  	v24 =	vshll.u32 v59, v1;
	v44 =	vld [tilespmem:s28+$0xFFFFFF80];
	v31 =	vbroadcast v39, $0x0;
	v45 =	vadd.s32 v0, v30;
	[tilespmem:v36+s5+$0x0] =	vst.idx.msk $0xffff, v34  }
0x2b1: {  	v19 =	vshrl.u32 v19, $0x3;
	v26 =	vshll.u32 v62, v1;
	v24 =	vbroadcast v24, $0x0;
	v29 =	vld [tilespmem:s12+$0x50];
	[tilespmem:v21+s5+$0x0] =	vst.idx.msk $0xffff, v40  }
0x2b2: {  	v46 =	vld [tilespmem:s28+$0xFFFFFFA0];
	v18 =	vshll.u32 v18, v1;
	v26 =	vbroadcast v26, $0x0;
	v47 =	vadd.s32 v3, v31;
	[tilespmem:v20+s5+$0x0] =	vst.idx.msk $0xffff, v61  }
0x2b3: {  	v48 =	vld [tilespmem:s28+$0xFFFFFFC0];
	v19 =	vshll.u32 v19, v1;
	v18 =	vbroadcast v18, $0x0;
	v49 =	vadd.s32 v5, v24;
	[tilespmem:v17+s5+$0x0] =	vst.idx.msk $0xffff, v41  }
0x2b4: {  	v28 =	vshll.u32 v63, v1;
	v50 =	vld [tilespmem:s28+$0xFFFFFFE0];
	v19 =	vbroadcast v19, $0x0;
	v51 =	vadd.s32 v7, v26;
	[tilespmem:v22+s5+$0x0] =	vst.idx.msk $0xffff, v27  }
0x2b5: {  	v54 =	vld [tilespmem:s28+$0x20];
	v25 =	vshll.u32 v60, v1;
	v28 =	vbroadcast v28, $0x0;
	v55 =	vadd.s32 v11, v18;
	[tilespmem:v45+s5+$0x0] =	vst.idx.msk $0xffff, v44  }
0x2b6: {  	v56 =	vld [tilespmem:s28+$0x40];
	v25 =	vbroadcast v25, $0x0;
	v57 =	vadd.s32 v13, v19;
	[tilespmem:v23+s5+$0x0] =	vst.idx.msk $0xffff, v29  }
0x2b7: {  	v52 =	vadd.s32 v9, v28;
	v17 =	vld [tilespmem:s28+$0x0];
	[tilespmem:v47+s5+$0x0] =	vst.idx.msk $0xffff, v46  }
0x2b8: {  	v42 =	vld [tilespmem:s28+$0x60];
	v43 =	vadd.s32 v15, v25;
	[tilespmem:v49+s5+$0x0] =	vst.idx.msk $0xffff, v48  }
0x2b9: {  	v63 =	vadd.s32 v2, v30;
	v62 =	vld [tilespmem:s28+$0xFFFFFF90];
	[tilespmem:v51+s5+$0x0] =	vst.idx.msk $0xffff, v50  }
0x2ba: {  	v31 =	vadd.s32 v4, v31;
	[tilespmem:v55+s5+$0x0] =	vst.idx.msk $0xffff, v54;
	v58 =	vld [tilespmem:s28+$0xFFFFFFB0]  }
0x2bb: {  	v24 =	vadd.s32 v6, v24;
	[tilespmem:v57+s5+$0x0] =	vst.idx.msk $0xffff, v56;
	v59 =	vld [tilespmem:s28+$0xFFFFFFD0]  }
0x2bc: {  	v26 =	vadd.s32 v8, v26;
	[tilespmem:v52+s5+$0x0] =	vst.idx.msk $0xffff, v17;
	v17 =	vld [tilespmem:s28+$0xFFFFFFF0]  }
0x2bd: {  	v18 =	vadd.s32 v12, v18;
	[tilespmem:v43+s5+$0x0] =	vst.idx.msk $0xffff, v42;
	v20 =	vld [tilespmem:s28+$0x30]  }
0x2be: {  	v19 =	vadd.s32 v14, v19;
	v22 =	vld [tilespmem:s28+$0x50];
	[tilespmem:v63+s5+$0x0] =	vst.idx.msk $0xffff, v62  }
0x2bf: {  	v25 =	vadd.s32 v16, v25;
	v53 =	vld [tilespmem:s28+$0x70];
	[tilespmem:v31+s5+$0x0] =	vst.idx.msk $0xffff, v58  }
0x2c0: {  	v61 =	vadd.s32 v10, v28;
	v60 =	vld [tilespmem:s28+$0x10];
	[tilespmem:v24+s5+$0x0] =	vst.idx.msk $0xffff, v59  }
0x2c1: {  	[tilespmem:v26+s5+$0x0] =	vst.idx.msk $0xffff, v17  }
0x2c2: {  	[tilespmem:v18+s5+$0x0] =	vst.idx.msk $0xffff, v20  }
0x2c3: {  	[tilespmem:v19+s5+$0x0] =	vst.idx.msk $0xffff, v22  }
0x2c4: {  	[tilespmem:v25+s5+$0x0] =	vst.idx.msk $0xffff, v53  }
0x2c5: {  	[tilespmem:v61+s5+$0x0] =	vst.idx.msk $0xffff, v60  }
0x2c6: {  	s13 =	rddreg [dreg:$0x8]  }
0x2c7: {  	s12 =	sadd.s32 s11, s13  }
0x2c8: {  	[hbm4b:s12+s3] =	stream.linear.scatter [tilespmem:s5], [sflag:$0xD], $0x80, $0x38;
	[tilespmem:$0x16C00] =	vst v63  }
0x2c9: {  	s20 =	simm.s32 $0x12888;
	s13 =	sadd.s32 $0x10, s12  }
0x2ca: {  	[hbm4b:s13+s3] =	stream.linear.scatter [tilespmem:s20], [sflag:$0xD], $0x80, $0x38;
	[tilespmem:$0x16C00] =	vst v63  }
0x2cb: {  	s28 =	simm.s32 $0x12910;
	s20 =	sadd.s32 $0x20, s12  }
0x2cc: {  	[hbm4b:s20+s3] =	stream.linear.scatter [tilespmem:s28], [sflag:$0xD], $0x80, $0x38;
	[tilespmem:$0x16C00] =	vst v63  }
0x2cd: {  	s20 =	sadd.s32 $0x30, s12;
	s28 =	simm.s32 $0x12998  }
0x2ce: {  	[hbm4b:s20+s3] =	stream.linear.scatter [tilespmem:s28], [sflag:$0xD], $0x80, $0x38;
	[tilespmem:$0x16C00] =	vst v63  }
0x2cf: {  	s20 =	sadd.s32 $0x40, s12;
	s28 =	simm.s32 $0x12A20  }
0x2d0: {  	[hbm4b:s20+s3] =	stream.linear.scatter [tilespmem:s28], [sflag:$0xD], $0x80, $0x38;
	[tilespmem:$0x16C00] =	vst v63  }
0x2d1: {  	s20 =	sadd.s32 $0x50, s12;
	s28 =	simm.s32 $0x12AA8  }
0x2d2: {  	[hbm4b:s20+s3] =	stream.linear.scatter [tilespmem:s28], [sflag:$0xD], $0x80, $0x38;
	[tilespmem:$0x16C00] =	vst v63  }
0x2d3: {  	s20 =	sadd.s32 $0x60, s12;
	s28 =	simm.s32 $0x12B30  }
0x2d4: {  	[hbm4b:s20+s3] =	stream.linear.scatter [tilespmem:s28], [sflag:$0xD], $0x80, $0x38;
	[tilespmem:$0x16C00] =	vst v63  }
0x2d5: {  	s20 =	sadd.s32 $0x70, s12;
	s28 =	simm.s32 $0x12BB8  }
0x2d6: {  	[hbm4b:s20+s3] =	stream.linear.scatter [tilespmem:s28], [sflag:$0xD], $0x80, $0x38;
	[tilespmem:$0x16C00] =	vst v63  }
0x2d7: {  	s20 =	sadd.s32 $0x1000, s12;
	s28 =	simm.s32 $0x12C40  }
0x2d8: {  	[hbm4b:s20+s3] =	stream.linear.scatter [tilespmem:s28], [sflag:$0xD], $0x80, $0x38;
	[tilespmem:$0x16C00] =	vst v63  }
0x2d9: {  	s20 =	sadd.s32 $0x1010, s12;
	s28 =	simm.s32 $0x12CC8  }
0x2da: {  	[hbm4b:s20+s3] =	stream.linear.scatter [tilespmem:s28], [sflag:$0xD], $0x80, $0x38;
	[tilespmem:$0x16C00] =	vst v63  }
0x2db: {  	s20 =	sadd.s32 $0x1020, s12;
	s28 =	simm.s32 $0x12D50  }
0x2dc: {  	[hbm4b:s20+s3] =	stream.linear.scatter [tilespmem:s28], [sflag:$0xD], $0x80, $0x38;
	[tilespmem:$0x16C00] =	vst v63  }
0x2dd: {  	s20 =	sadd.s32 $0x1030, s12;
	s28 =	simm.s32 $0x12DD8  }
0x2de: {  	[hbm4b:s20+s3] =	stream.linear.scatter [tilespmem:s28], [sflag:$0xD], $0x80, $0x38;
	[tilespmem:$0x16C00] =	vst v63  }
0x2df: {  	s20 =	sadd.s32 $0x1040, s12;
	s28 =	simm.s32 $0x12E60  }
0x2e0: {  	[hbm4b:s20+s3] =	stream.linear.scatter [tilespmem:s28], [sflag:$0xD], $0x80, $0x38;
	[tilespmem:$0x16C00] =	vst v63  }
0x2e1: {  	s20 =	sadd.s32 $0x1050, s12;
	s28 =	simm.s32 $0x12EE8  }
0x2e2: {  	[hbm4b:s20+s3] =	stream.linear.scatter [tilespmem:s28], [sflag:$0xD], $0x80, $0x38;
	[tilespmem:$0x16C00] =	vst v63  }
0x2e3: {  	s20 =	sadd.s32 $0x1060, s12;
	s28 =	simm.s32 $0x12F70  }
0x2e4: {  	[hbm4b:s20+s3] =	stream.linear.scatter [tilespmem:s28], [sflag:$0xD], $0x80, $0x38;
	[tilespmem:$0x16C00] =	vst v63  }
0x2e5: {  	s20 =	sadd.s32 $0x1070, s12;
	s28 =	simm.s32 $0x12FF8  }
0x2e6: {  	[hbm4b:s20+s3] =	stream.linear.scatter [tilespmem:s28], [sflag:$0xD], $0x80, $0x38;
	[tilespmem:$0x16C00] =	vst v63  }
0x2e7: {  	s20 =	sadd.s32 $0x2000, s12;
	s28 =	simm.s32 $0x13080  }
0x2e8: {  	[hbm4b:s20+s3] =	stream.linear.scatter [tilespmem:s28], [sflag:$0xD], $0x80, $0x38;
	[tilespmem:$0x16C00] =	vst v63  }
0x2e9: {  	s20 =	sadd.s32 $0x2010, s12;
	s28 =	simm.s32 $0x13108  }
0x2ea: {  	[hbm4b:s20+s3] =	stream.linear.scatter [tilespmem:s28], [sflag:$0xD], $0x80, $0x38;
	[tilespmem:$0x16C00] =	vst v63  }
0x2eb: {  	s20 =	sadd.s32 $0x2020, s12;
	s28 =	simm.s32 $0x13190  }
0x2ec: {  	[hbm4b:s20+s3] =	stream.linear.scatter [tilespmem:s28], [sflag:$0xD], $0x80, $0x38;
	[tilespmem:$0x16C00] =	vst v63  }
0x2ed: {  	s20 =	sadd.s32 $0x2030, s12;
	s28 =	simm.s32 $0x13218  }
0x2ee: {  	[hbm4b:s20+s3] =	stream.linear.scatter [tilespmem:s28], [sflag:$0xD], $0x80, $0x38;
	[tilespmem:$0x16C00] =	vst v63  }
0x2ef: {  	s20 =	sadd.s32 $0x2040, s12;
	s28 =	simm.s32 $0x132A0  }
0x2f0: {  	[hbm4b:s20+s3] =	stream.linear.scatter [tilespmem:s28], [sflag:$0xD], $0x80, $0x38;
	[tilespmem:$0x16C00] =	vst v63  }
0x2f1: {  	s20 =	sadd.s32 $0x2050, s12;
	s28 =	simm.s32 $0x13328  }
0x2f2: {  	[hbm4b:s20+s3] =	stream.linear.scatter [tilespmem:s28], [sflag:$0xD], $0x80, $0x38;
	[tilespmem:$0x16C00] =	vst v63  }
0x2f3: {  	s20 =	sadd.s32 $0x2060, s12;
	s28 =	simm.s32 $0x133B0  }
0x2f4: {  	[hbm4b:s20+s3] =	stream.linear.scatter [tilespmem:s28], [sflag:$0xD], $0x80, $0x38;
	[tilespmem:$0x16C00] =	vst v63  }
0x2f5: {  	s20 =	sadd.s32 $0x2070, s12;
	s28 =	simm.s32 $0x13438  }
0x2f6: {  	[hbm4b:s20+s3] =	stream.linear.scatter [tilespmem:s28], [sflag:$0xD], $0x80, $0x38;
	[tilespmem:$0x16C00] =	vst v63  }
0x2f7: {  	s20 =	sadd.s32 $0x3000, s12;
	s28 =	simm.s32 $0x134C0  }
0x2f8: {  	[hbm4b:s20+s3] =	stream.linear.scatter [tilespmem:s28], [sflag:$0xD], $0x80, $0x38;
	[tilespmem:$0x16C00] =	vst v63  }
0x2f9: {  	s20 =	sadd.s32 $0x3010, s12;
	s28 =	simm.s32 $0x13548  }
0x2fa: {  	[hbm4b:s20+s3] =	stream.linear.scatter [tilespmem:s28], [sflag:$0xD], $0x80, $0x38;
	[tilespmem:$0x16C00] =	vst v63  }
0x2fb: {  	s20 =	sadd.s32 $0x3020, s12;
	s28 =	simm.s32 $0x135D0  }
0x2fc: {  	[hbm4b:s20+s3] =	stream.linear.scatter [tilespmem:s28], [sflag:$0xD], $0x80, $0x38;
	[tilespmem:$0x16C00] =	vst v63  }
0x2fd: {  	s20 =	sadd.s32 $0x3030, s12;
	s28 =	simm.s32 $0x13658  }
0x2fe: {  	[hbm4b:s20+s3] =	stream.linear.scatter [tilespmem:s28], [sflag:$0xD], $0x80, $0x38;
	[tilespmem:$0x16C00] =	vst v63  }
0x2ff: {  	s20 =	sadd.s32 $0x3040, s12;
	s28 =	simm.s32 $0x136E0  }
0x300: {  	[hbm4b:s20+s3] =	stream.linear.scatter [tilespmem:s28], [sflag:$0xD], $0x80, $0x38;
	[tilespmem:$0x16C00] =	vst v63  }
0x301: {  	s20 =	sadd.s32 $0x3050, s12;
	s28 =	simm.s32 $0x13768  }
0x302: {  	[hbm4b:s20+s3] =	stream.linear.scatter [tilespmem:s28], [sflag:$0xD], $0x80, $0x38;
	[tilespmem:$0x16C00] =	vst v63  }
.Ltmp19:
0x303: {  	_ = 	snop;
	(pc) =	sbr.rel @p1 .LBB2_30-.Ltmp19, $4  }
0x304: {  	s20 =	sadd.s32 $0x3060, s12;
	s28 =	simm.s32 $0x137F0  }
0x305: {  	[hbm4b:s20+s3] =	stream.linear.scatter [tilespmem:s28], [sflag:$0xD], $0x80, $0x38;
	[tilespmem:$0x16C00] =	vst v63  }
0x306: {  	s12 =	sadd.s32 $0x3070, s12;
	s28 =	simm.s32 $0x13878  }
0x307: {  	[hbm4b:s12+s3] =	stream.linear.scatter [tilespmem:s28], [sflag:$0xD], $0x80, $0x38;
	[tilespmem:$0x16C00] =	vst v63  }
.Ltmp20:
0x308: {  	(pc) =	sbr.rel .LBB2_31-.Ltmp20, $4  }
0x309: {  	_ = 	snop  }
0x30a: {  	_ =	swait.ge [sflag:s17], $0x1000  }
0x30b: {  	[sflag:s17] =	ssyncset.done $0x0  }
0x30c: {  	[sflag:s17] =	ssyncadd.s32 $0xFFFFF000  }
.LBB2_30:
0x30d: {  	s12 =	sshrl.u32 s10, $0x2  }
.Ltmp21:
0x30e: {  	s13 =	simm.s32 $0xA400;
	s12 =	sadd.s32 $0x600, s12;
	(pc) =	sbr.rel @p0 .LBB2_32-.Ltmp21, $4  }
0x30f: {  	[tilespmem:s13], [sflag:$0x5] =	stream.indirect.gather [hbm4b:s4+s15], $0x20, s12, s15, $0xb8;
	[tilespmem:$0x16C00] =	vst v63  }
0x310: {  	_ =	swait.ge [sflag:s17], $0x1000  }
0x311: {  	[sflag:s17] =	ssyncset.done $0x0  }
0x312: {  	[sflag:s17] =	ssyncadd.s32 $0xFFFFF000  }
.LBB2_31:
0x313: {  	_ =	swait.ge [sflag:s23], $0x1000  }
0x314: {  	[sflag:s23] =	ssyncset.done $0x0  }
0x315: {  	[sflag:s23] =	ssyncadd.s32 $0xFFFFF000  }
.LBB2_32:
0x316: {  	s12 =	simm.s32 $0x0  }
0x317: {  	s20 =	simm.s32 $0x1;
	s13 =	simm.s32 $0x2;
	v17 =	vmov s12  }
0x318: {  	v18 =	vmov s20;
	s12 =	simm.s32 $0x3;
	v19 =	vmov s13;
	s13 =	simm.s32 $0x4;
	s20 =	simm.s32 $0x7;
	v17 =	vshrl.u32 v17, $0x3  }
0x319: {  	v20 =	vmov s12;
	v21 =	vmov s13;
	v22 =	vmov s20  }
0x31a: {  	s12 =	simm.s32 $0x5;
	v18 =	vshrl.u32 v18, $0x3;
	v19 =	vshrl.u32 v19, $0x3;
	v22 =	vshrl.u32 v22, $0x3  }
0x31b: {  	s13 =	simm.s32 $0x6;
	v23 =	vmov s12;
	v17 =	vshll.u32 v17, v1;
	v22 =	vshll.u32 v22, v1  }
0x31c: {  	v24 =	vmov s13;
	v18 =	vshll.u32 v18, v1;
	v25 =	vbroadcast v22, $0x0  }
0x31d: {  	v20 =	vshrl.u32 v20, $0x3;
	s12 =	simm.s32 $0xB480;
	v17 =	vbroadcast v17, $0x0;
	v30 =	vbroadcast v18, $0x0  }
0x31e: {  	v18 =	vshll.u32 v19, v1;
	v19 =	vld [tilespmem:s12+$0x60];
	v22 =	vshrl.u32 v21, $0x3;
	v26 =	vadd.s32 v15, v25  }
0x31f: {  	v27 =	vld [tilespmem:s12+$0xFFFFFF80];
	v36 =	vbroadcast v18, $0x0;
	v18 =	vshll.u32 v20, v1;
	v28 =	vadd.s32 v0, v17  }
0x320: {  	v29 =	vld [tilespmem:s12+$0xFFFFFFA0];
	v31 =	vadd.s32 v3, v30;
	v21 =	vbroadcast v18, $0x0;
	v18 =	vshll.u32 v22, v1  }
0x321: {  	v32 =	vld [tilespmem:s12+$0xFFFFFFC0];
	v33 =	vadd.s32 v5, v36;
	v20 =	vbroadcast v18, $0x0;
	v18 =	vshrl.u32 v23, $0x3  }
0x322: {  	v34 =	vld [tilespmem:s12+$0xFFFFFFE0];
	v23 =	vshrl.u32 v24, $0x3;
	v39 =	vadd.s32 v7, v21;
	v18 =	vshll.u32 v18, v1  }
0x323: {  	s20 =	simm.s32 $0x8;
	v40 =	vld [tilespmem:s12+$0x0];
	v41 =	vadd.s32 v9, v20;
	v22 =	vbroadcast v18, $0x0;
	v18 =	vshll.u32 v23, v1;
	[tilespmem:v26+s2+$0x0] =	vst.idx.msk $0xffff, v19  }
0x324: {  	s13 =	simm.s32 $0xA;
	v25 =	vadd.s32 v16, v25;
	v23 =	vbroadcast v18, $0x0;
	[tilespmem:v28+s2+$0x0] =	vst.idx.msk $0xffff, v27;
	v19 =	vmov s20;
	s20 =	simm.s32 $0x9;
	v24 =	vld [tilespmem:s12+$0x70]  }
0x325: {  	v38 =	vmov s13;
	[tilespmem:v31+s2+$0x0] =	vst.idx.msk $0xffff, v29;
	v27 =	vadd.s32 v11, v22;
	v26 =	vld [tilespmem:s12+$0x20];
	v37 =	vmov s20;
	s20 =	simm.s32 $0xB  }
0x326: {  	v35 =	vadd.s32 v4, v30;
	v29 =	vld [tilespmem:s12+$0x40];
	[tilespmem:v33+s2+$0x0] =	vst.idx.msk $0xffff, v32;
	v31 =	vadd.s32 v13, v23;
	v28 =	vmov s20;
	s20 =	simm.s32 $0xD  }
0x327: {  	s13 =	simm.s32 $0xC;
	v36 =	vadd.s32 v6, v36;
	v33 =	vld [tilespmem:s12+$0xFFFFFFB0];
	v19 =	vshrl.u32 v19, $0x3;
	[tilespmem:v39+s2+$0x0] =	vst.idx.msk $0xffff, v34;
	v18 =	vmov s20;
	s20 =	simm.s32 $0xE  }
0x328: {  	s28 =	simm.s32 $0xF;
	v32 =	vmov s13;
	s13 =	simm.s32 $0x10;
	v34 =	vld [tilespmem:s12+$0xFFFFFFD0];
	v30 =	vshll.u32 v19, v1;
	[tilespmem:v41+s2+$0x0] =	vst.idx.msk $0xffff, v40;
	v19 =	vmov s20  }
.LBB2_33:
0x329: {  	p2 =	slt.u32 s13, $0x78;
	v37 =	vshrl.u32 v37, $0x3;
	v39 =	vmov s28;
	v40 =	vld [tilespmem:s12+$0xFFFFFFF0];
	v21 =	vadd.s32 v8, v21;
	[tilespmem:v25+s2+$0x0] =	vst.idx.msk $0xffff, v24  }
0x32a: {  	v24 =	vshrl.u32 v38, $0x3;
	v20 =	vadd.s32 v10, v20;
	v25 =	vshrl.u32 v39, $0x3;
	v38 =	vld [tilespmem:s12+$0x10];
	[tilespmem:v27+s2+$0x0] =	vst.idx.msk $0xffff, v26  }
0x32b: {  	v22 =	vadd.s32 v12, v22;
	v26 =	vshrl.u32 v28, $0x3;
	v25 =	vshll.u32 v25, v1;
	v27 =	vld [tilespmem:s12+$0x30];
	[tilespmem:v31+s2+$0x0] =	vst.idx.msk $0xffff, v29  }
0x32c: {  	v23 =	vadd.s32 v14, v23;
	v28 =	vshrl.u32 v32, $0x3;
	v25 =	vbroadcast v25, $0x0;
	[tilespmem:v35+s2+$0x0] =	vst.idx.msk $0xffff, v33;
	v29 =	vld [tilespmem:s12+$0x50]  }
0x32d: {  	v31 =	vshll.u32 v37, v1;
	v33 =	vadd.s32 v2, v17;
	v17 =	vbroadcast v30, $0x0;
	v32 =	vld [tilespmem:s12+$0xFFFFFF90];
	[tilespmem:v36+s2+$0x0] =	vst.idx.msk $0xffff, v34;
	s12 =	sadd.s32 $0x100, s12  }
0x32e: {  	v24 =	vshll.u32 v24, v1;
	v30 =	vbroadcast v31, $0x0;
	v31 =	vld [tilespmem:s12+$0x60];
	v34 =	vadd.s32 v15, v25;
	[tilespmem:v21+s2+$0x0] =	vst.idx.msk $0xffff, v40  }
0x32f: {  	v39 =	vbroadcast v24, $0x0;
	v36 =	vadd.s32 v0, v17;
	v21 =	vshll.u32 v26, v1;
	v35 =	vld [tilespmem:s12+$0xFFFFFF80];
	[tilespmem:v20+s2+$0x0] =	vst.idx.msk $0xffff, v38  }
0x330: {  	v38 =	vadd.s32 v3, v30;
	v21 =	vbroadcast v21, $0x0;
	v20 =	vshll.u32 v28, v1;
	v26 =	vld [tilespmem:s12+$0xFFFFFFA0];
	[tilespmem:v22+s2+$0x0] =	vst.idx.msk $0xffff, v27  }
0x331: {  	v18 =	vshrl.u32 v18, $0x3;
	v41 =	vadd.s32 v5, v39;
	v20 =	vbroadcast v20, $0x0;
	v40 =	vld [tilespmem:s12+$0xFFFFFFC0];
	[tilespmem:v23+s2+$0x0] =	vst.idx.msk $0xffff, v29  }
0x332: {  	v19 =	vshrl.u32 v19, $0x3;
	v18 =	vshll.u32 v18, v1;
	v43 =	vadd.s32 v7, v21;
	v42 =	vld [tilespmem:s12+$0xFFFFFFE0];
	[tilespmem:v33+s2+$0x0] =	vst.idx.msk $0xffff, v32  }
0x333: {  	v22 =	vbroadcast v18, $0x0;
	v18 =	vshll.u32 v19, v1;
	v45 =	vadd.s32 v9, v20;
	v44 =	vld [tilespmem:s12+$0x0];
	[tilespmem:v34+s2+$0x0] =	vst.idx.msk $0xffff, v31  }
.Ltmp22:
0x334: {  	s20 =	sadd.s32 $0x1, s13;
	v25 =	vadd.s32 v16, v25;
	v19 =	vmov s13;
	v23 =	vbroadcast v18, $0x0;
	[tilespmem:v36+s2+$0x0] =	vst.idx.msk $0xffff, v35;
	v24 =	vld [tilespmem:s12+$0x70];
	(pc) =	sbr.rel @p2 .LBB2_33-.Ltmp22, $4  }
0x335: {  	s28 =	sadd.s32 $0x3, s13;
	v37 =	vmov s20;
	s20 =	sadd.s32 $0x2, s13;
	v19 =	vshrl.u32 v19, $0x3;
	v27 =	vadd.s32 v11, v22;
	[tilespmem:v38+s2+$0x0] =	vst.idx.msk $0xffff, v26;
	v26 =	vld [tilespmem:s12+$0x20]  }
0x336: {  	v28 =	vmov s28;
	s28 =	sadd.s32 $0x5, s13;
	v31 =	vadd.s32 v13, v23;
	v38 =	vmov s20;
	s20 =	sadd.s32 $0x4, s13;
	[tilespmem:v41+s2+$0x0] =	vst.idx.msk $0xffff, v40;
	v29 =	vld [tilespmem:s12+$0x40]  }
0x337: {  	v18 =	vmov s28;
	v35 =	vadd.s32 v4, v30;
	v32 =	vmov s20;
	s20 =	sadd.s32 $0x6, s13;
	v33 =	vld [tilespmem:s12+$0xFFFFFFB0];
	[tilespmem:v43+s2+$0x0] =	vst.idx.msk $0xffff, v42  }
0x338: {  	s28 =	sadd.s32 $0x7, s13;
	v30 =	vshll.u32 v19, v1;
	v36 =	vadd.s32 v6, v39;
	s13 =	sadd.s32 $0x8, s13;
	v19 =	vmov s20;
	v34 =	vld [tilespmem:s12+$0xFFFFFFD0];
	[tilespmem:v45+s2+$0x0] =	vst.idx.msk $0xffff, v44  }
0x339: {  	_ =	sdelay $0x2  }
0x33a: {  	v37 =	vshrl.u32 v37, $0x3;
	v39 =	vmov s28  }
0x33b: {  	v40 =	vld [tilespmem:s12+$0xFFFFFFF0];
	v21 =	vadd.s32 v8, v21;
	[tilespmem:v25+s2+$0x0] =	vst.idx.msk $0xffff, v24;
	v59 =	vshrl.u32 v38, $0x3;
	v20 =	vadd.s32 v10, v20  }
0x33c: {  	v61 =	vld [tilespmem:s12+$0x10];
	v62 =	vshrl.u32 v28, $0x3;
	v22 =	vadd.s32 v12, v22;
	v63 =	vshrl.u32 v32, $0x3;
	[tilespmem:v27+s2+$0x0] =	vst.idx.msk $0xffff, v26  }
0x33d: {  	v23 =	vadd.s32 v14, v23;
	v30 =	vbroadcast v30, $0x0;
	v41 =	vld [tilespmem:s12+$0xFFFFFF90];
	v17 =	vadd.s32 v2, v17;
	[tilespmem:v31+s2+$0x0] =	vst.idx.msk $0xffff, v29  }
0x33e: {  	s28 =	sadd.s32 $0x100, s12;
	v18 =	vshrl.u32 v18, $0x3;
	v60 =	vshrl.u32 v39, $0x3;
	v39 =	vshll.u32 v37, v1;
	v27 =	vld [tilespmem:s12+$0x30];
	[tilespmem:v35+s2+$0x0] =	vst.idx.msk $0xffff, v33  }
0x33f: {  	v24 =	vshll.u32 v59, v1;
	v44 =	vld [tilespmem:s28+$0xFFFFFF80];
	v31 =	vbroadcast v39, $0x0;
	v45 =	vadd.s32 v0, v30;
	[tilespmem:v36+s2+$0x0] =	vst.idx.msk $0xffff, v34  }
0x340: {  	v19 =	vshrl.u32 v19, $0x3;
	v26 =	vshll.u32 v62, v1;
	v24 =	vbroadcast v24, $0x0;
	v29 =	vld [tilespmem:s12+$0x50];
	[tilespmem:v21+s2+$0x0] =	vst.idx.msk $0xffff, v40  }
0x341: {  	v46 =	vld [tilespmem:s28+$0xFFFFFFA0];
	v18 =	vshll.u32 v18, v1;
	v26 =	vbroadcast v26, $0x0;
	v47 =	vadd.s32 v3, v31;
	[tilespmem:v20+s2+$0x0] =	vst.idx.msk $0xffff, v61  }
0x342: {  	v48 =	vld [tilespmem:s28+$0xFFFFFFC0];
	v19 =	vshll.u32 v19, v1;
	v18 =	vbroadcast v18, $0x0;
	v49 =	vadd.s32 v5, v24;
	[tilespmem:v17+s2+$0x0] =	vst.idx.msk $0xffff, v41  }
0x343: {  	v28 =	vshll.u32 v63, v1;
	v50 =	vld [tilespmem:s28+$0xFFFFFFE0];
	v19 =	vbroadcast v19, $0x0;
	v51 =	vadd.s32 v7, v26;
	[tilespmem:v22+s2+$0x0] =	vst.idx.msk $0xffff, v27  }
0x344: {  	v54 =	vld [tilespmem:s28+$0x20];
	v25 =	vshll.u32 v60, v1;
	v28 =	vbroadcast v28, $0x0;
	v55 =	vadd.s32 v11, v18;
	[tilespmem:v45+s2+$0x0] =	vst.idx.msk $0xffff, v44  }
0x345: {  	v56 =	vld [tilespmem:s28+$0x40];
	v25 =	vbroadcast v25, $0x0;
	v57 =	vadd.s32 v13, v19;
	[tilespmem:v23+s2+$0x0] =	vst.idx.msk $0xffff, v29  }
0x346: {  	v52 =	vadd.s32 v9, v28;
	v17 =	vld [tilespmem:s28+$0x0];
	[tilespmem:v47+s2+$0x0] =	vst.idx.msk $0xffff, v46  }
0x347: {  	v42 =	vld [tilespmem:s28+$0x60];
	v43 =	vadd.s32 v15, v25;
	[tilespmem:v49+s2+$0x0] =	vst.idx.msk $0xffff, v48  }
0x348: {  	v63 =	vadd.s32 v2, v30;
	v62 =	vld [tilespmem:s28+$0xFFFFFF90];
	[tilespmem:v51+s2+$0x0] =	vst.idx.msk $0xffff, v50  }
0x349: {  	v31 =	vadd.s32 v4, v31;
	[tilespmem:v55+s2+$0x0] =	vst.idx.msk $0xffff, v54;
	v58 =	vld [tilespmem:s28+$0xFFFFFFB0]  }
0x34a: {  	v24 =	vadd.s32 v6, v24;
	[tilespmem:v57+s2+$0x0] =	vst.idx.msk $0xffff, v56;
	v59 =	vld [tilespmem:s28+$0xFFFFFFD0]  }
0x34b: {  	v26 =	vadd.s32 v8, v26;
	[tilespmem:v52+s2+$0x0] =	vst.idx.msk $0xffff, v17;
	v17 =	vld [tilespmem:s28+$0xFFFFFFF0]  }
0x34c: {  	v18 =	vadd.s32 v12, v18;
	[tilespmem:v43+s2+$0x0] =	vst.idx.msk $0xffff, v42;
	v20 =	vld [tilespmem:s28+$0x30]  }
0x34d: {  	v19 =	vadd.s32 v14, v19;
	v22 =	vld [tilespmem:s28+$0x50];
	[tilespmem:v63+s2+$0x0] =	vst.idx.msk $0xffff, v62  }
0x34e: {  	v25 =	vadd.s32 v16, v25;
	v53 =	vld [tilespmem:s28+$0x70];
	[tilespmem:v31+s2+$0x0] =	vst.idx.msk $0xffff, v58  }
0x34f: {  	v61 =	vadd.s32 v10, v28;
	v60 =	vld [tilespmem:s28+$0x10];
	[tilespmem:v24+s2+$0x0] =	vst.idx.msk $0xffff, v59  }
0x350: {  	[tilespmem:v26+s2+$0x0] =	vst.idx.msk $0xffff, v17  }
0x351: {  	[tilespmem:v18+s2+$0x0] =	vst.idx.msk $0xffff, v20  }
0x352: {  	[tilespmem:v19+s2+$0x0] =	vst.idx.msk $0xffff, v22  }
0x353: {  	[tilespmem:v25+s2+$0x0] =	vst.idx.msk $0xffff, v53  }
0x354: {  	[tilespmem:v61+s2+$0x0] =	vst.idx.msk $0xffff, v60  }
0x355: {  	s13 =	rddreg [dreg:$0x9]  }
0x356: {  	s12 =	sadd.s32 s11, s13  }
0x357: {  	[hbm4b:s12+s3] =	stream.linear.scatter [tilespmem:s2], [sflag:$0xE], $0x80, $0x38;
	[tilespmem:$0x16C00] =	vst v63  }
0x358: {  	s20 =	simm.s32 $0x13988;
	s13 =	sadd.s32 $0x10, s12  }
0x359: {  	[hbm4b:s13+s3] =	stream.linear.scatter [tilespmem:s20], [sflag:$0xE], $0x80, $0x38;
	[tilespmem:$0x16C00] =	vst v63  }
0x35a: {  	s28 =	simm.s32 $0x13A10;
	s20 =	sadd.s32 $0x20, s12  }
0x35b: {  	[hbm4b:s20+s3] =	stream.linear.scatter [tilespmem:s28], [sflag:$0xE], $0x80, $0x38;
	[tilespmem:$0x16C00] =	vst v63  }
0x35c: {  	s20 =	sadd.s32 $0x30, s12;
	s28 =	simm.s32 $0x13A98  }
0x35d: {  	[hbm4b:s20+s3] =	stream.linear.scatter [tilespmem:s28], [sflag:$0xE], $0x80, $0x38;
	[tilespmem:$0x16C00] =	vst v63  }
0x35e: {  	s20 =	sadd.s32 $0x40, s12;
	s28 =	simm.s32 $0x13B20  }
0x35f: {  	[hbm4b:s20+s3] =	stream.linear.scatter [tilespmem:s28], [sflag:$0xE], $0x80, $0x38;
	[tilespmem:$0x16C00] =	vst v63  }
0x360: {  	s20 =	sadd.s32 $0x50, s12;
	s28 =	simm.s32 $0x13BA8  }
0x361: {  	[hbm4b:s20+s3] =	stream.linear.scatter [tilespmem:s28], [sflag:$0xE], $0x80, $0x38;
	[tilespmem:$0x16C00] =	vst v63  }
0x362: {  	s20 =	sadd.s32 $0x60, s12;
	s28 =	simm.s32 $0x13C30  }
0x363: {  	[hbm4b:s20+s3] =	stream.linear.scatter [tilespmem:s28], [sflag:$0xE], $0x80, $0x38;
	[tilespmem:$0x16C00] =	vst v63  }
0x364: {  	s20 =	sadd.s32 $0x70, s12;
	s28 =	simm.s32 $0x13CB8  }
0x365: {  	[hbm4b:s20+s3] =	stream.linear.scatter [tilespmem:s28], [sflag:$0xE], $0x80, $0x38;
	[tilespmem:$0x16C00] =	vst v63  }
0x366: {  	s20 =	sadd.s32 $0x1000, s12;
	s28 =	simm.s32 $0x13D40  }
0x367: {  	[hbm4b:s20+s3] =	stream.linear.scatter [tilespmem:s28], [sflag:$0xE], $0x80, $0x38;
	[tilespmem:$0x16C00] =	vst v63  }
0x368: {  	s20 =	sadd.s32 $0x1010, s12;
	s28 =	simm.s32 $0x13DC8  }
0x369: {  	[hbm4b:s20+s3] =	stream.linear.scatter [tilespmem:s28], [sflag:$0xE], $0x80, $0x38;
	[tilespmem:$0x16C00] =	vst v63  }
0x36a: {  	s20 =	sadd.s32 $0x1020, s12;
	s28 =	simm.s32 $0x13E50  }
0x36b: {  	[hbm4b:s20+s3] =	stream.linear.scatter [tilespmem:s28], [sflag:$0xE], $0x80, $0x38;
	[tilespmem:$0x16C00] =	vst v63  }
0x36c: {  	s20 =	sadd.s32 $0x1030, s12;
	s28 =	simm.s32 $0x13ED8  }
0x36d: {  	[hbm4b:s20+s3] =	stream.linear.scatter [tilespmem:s28], [sflag:$0xE], $0x80, $0x38;
	[tilespmem:$0x16C00] =	vst v63  }
0x36e: {  	s20 =	sadd.s32 $0x1040, s12;
	s28 =	simm.s32 $0x13F60  }
0x36f: {  	[hbm4b:s20+s3] =	stream.linear.scatter [tilespmem:s28], [sflag:$0xE], $0x80, $0x38;
	[tilespmem:$0x16C00] =	vst v63  }
0x370: {  	s20 =	sadd.s32 $0x1050, s12;
	s28 =	simm.s32 $0x13FE8  }
0x371: {  	[hbm4b:s20+s3] =	stream.linear.scatter [tilespmem:s28], [sflag:$0xE], $0x80, $0x38;
	[tilespmem:$0x16C00] =	vst v63  }
0x372: {  	s20 =	sadd.s32 $0x1060, s12;
	s28 =	simm.s32 $0x14070  }
0x373: {  	[hbm4b:s20+s3] =	stream.linear.scatter [tilespmem:s28], [sflag:$0xE], $0x80, $0x38;
	[tilespmem:$0x16C00] =	vst v63  }
0x374: {  	s20 =	sadd.s32 $0x1070, s12;
	s28 =	simm.s32 $0x140F8  }
0x375: {  	[hbm4b:s20+s3] =	stream.linear.scatter [tilespmem:s28], [sflag:$0xE], $0x80, $0x38;
	[tilespmem:$0x16C00] =	vst v63  }
0x376: {  	s20 =	sadd.s32 $0x2000, s12;
	s28 =	simm.s32 $0x14180  }
0x377: {  	[hbm4b:s20+s3] =	stream.linear.scatter [tilespmem:s28], [sflag:$0xE], $0x80, $0x38;
	[tilespmem:$0x16C00] =	vst v63  }
0x378: {  	s20 =	sadd.s32 $0x2010, s12;
	s28 =	simm.s32 $0x14208  }
0x379: {  	[hbm4b:s20+s3] =	stream.linear.scatter [tilespmem:s28], [sflag:$0xE], $0x80, $0x38;
	[tilespmem:$0x16C00] =	vst v63  }
0x37a: {  	s20 =	sadd.s32 $0x2020, s12;
	s28 =	simm.s32 $0x14290  }
0x37b: {  	[hbm4b:s20+s3] =	stream.linear.scatter [tilespmem:s28], [sflag:$0xE], $0x80, $0x38;
	[tilespmem:$0x16C00] =	vst v63  }
0x37c: {  	s20 =	sadd.s32 $0x2030, s12;
	s28 =	simm.s32 $0x14318  }
0x37d: {  	[hbm4b:s20+s3] =	stream.linear.scatter [tilespmem:s28], [sflag:$0xE], $0x80, $0x38;
	[tilespmem:$0x16C00] =	vst v63  }
0x37e: {  	s20 =	sadd.s32 $0x2040, s12;
	s28 =	simm.s32 $0x143A0  }
0x37f: {  	[hbm4b:s20+s3] =	stream.linear.scatter [tilespmem:s28], [sflag:$0xE], $0x80, $0x38;
	[tilespmem:$0x16C00] =	vst v63  }
0x380: {  	s20 =	sadd.s32 $0x2050, s12;
	s28 =	simm.s32 $0x14428  }
0x381: {  	[hbm4b:s20+s3] =	stream.linear.scatter [tilespmem:s28], [sflag:$0xE], $0x80, $0x38;
	[tilespmem:$0x16C00] =	vst v63  }
0x382: {  	s20 =	sadd.s32 $0x2060, s12;
	s28 =	simm.s32 $0x144B0  }
0x383: {  	[hbm4b:s20+s3] =	stream.linear.scatter [tilespmem:s28], [sflag:$0xE], $0x80, $0x38;
	[tilespmem:$0x16C00] =	vst v63  }
0x384: {  	s20 =	sadd.s32 $0x2070, s12;
	s28 =	simm.s32 $0x14538  }
0x385: {  	[hbm4b:s20+s3] =	stream.linear.scatter [tilespmem:s28], [sflag:$0xE], $0x80, $0x38;
	[tilespmem:$0x16C00] =	vst v63  }
0x386: {  	s20 =	sadd.s32 $0x3000, s12;
	s28 =	simm.s32 $0x145C0  }
0x387: {  	[hbm4b:s20+s3] =	stream.linear.scatter [tilespmem:s28], [sflag:$0xE], $0x80, $0x38;
	[tilespmem:$0x16C00] =	vst v63  }
0x388: {  	s20 =	sadd.s32 $0x3010, s12;
	s28 =	simm.s32 $0x14648  }
0x389: {  	[hbm4b:s20+s3] =	stream.linear.scatter [tilespmem:s28], [sflag:$0xE], $0x80, $0x38;
	[tilespmem:$0x16C00] =	vst v63  }
0x38a: {  	s20 =	sadd.s32 $0x3020, s12;
	s28 =	simm.s32 $0x146D0  }
0x38b: {  	[hbm4b:s20+s3] =	stream.linear.scatter [tilespmem:s28], [sflag:$0xE], $0x80, $0x38;
	[tilespmem:$0x16C00] =	vst v63  }
0x38c: {  	s20 =	sadd.s32 $0x3030, s12;
	s28 =	simm.s32 $0x14758  }
0x38d: {  	[hbm4b:s20+s3] =	stream.linear.scatter [tilespmem:s28], [sflag:$0xE], $0x80, $0x38;
	[tilespmem:$0x16C00] =	vst v63  }
0x38e: {  	s20 =	sadd.s32 $0x3040, s12;
	s28 =	simm.s32 $0x147E0  }
0x38f: {  	[hbm4b:s20+s3] =	stream.linear.scatter [tilespmem:s28], [sflag:$0xE], $0x80, $0x38;
	[tilespmem:$0x16C00] =	vst v63  }
0x390: {  	s20 =	sadd.s32 $0x3050, s12;
	s28 =	simm.s32 $0x14868  }
0x391: {  	[hbm4b:s20+s3] =	stream.linear.scatter [tilespmem:s28], [sflag:$0xE], $0x80, $0x38;
	[tilespmem:$0x16C00] =	vst v63  }
.Ltmp23:
0x392: {  	_ = 	snop;
	(pc) =	sbr.rel @p1 .LBB2_36-.Ltmp23, $4  }
0x393: {  	s20 =	sadd.s32 $0x3060, s12;
	s28 =	simm.s32 $0x148F0  }
0x394: {  	[hbm4b:s20+s3] =	stream.linear.scatter [tilespmem:s28], [sflag:$0xE], $0x80, $0x38;
	[tilespmem:$0x16C00] =	vst v63  }
0x395: {  	s12 =	sadd.s32 $0x3070, s12;
	s28 =	simm.s32 $0x14978  }
0x396: {  	[hbm4b:s12+s3] =	stream.linear.scatter [tilespmem:s28], [sflag:$0xE], $0x80, $0x38;
	[tilespmem:$0x16C00] =	vst v63  }
.Ltmp24:
0x397: {  	(pc) =	sbr.rel .LBB2_37-.Ltmp24, $4  }
0x398: {  	_ = 	snop  }
0x399: {  	_ =	swait.ge [sflag:s26], $0x1000  }
0x39a: {  	[sflag:s26] =	ssyncset.done $0x0  }
0x39b: {  	[sflag:s26] =	ssyncadd.s32 $0xFFFFF000  }
.LBB2_36:
0x39c: {  	s12 =	sshrl.u32 s10, $0x2  }
.Ltmp25:
0x39d: {  	s13 =	simm.s32 $0xB400;
	s12 =	sadd.s32 $0x680, s12;
	(pc) =	sbr.rel @p0 .LBB2_38-.Ltmp25, $4  }
0x39e: {  	[tilespmem:s13], [sflag:$0x6] =	stream.indirect.gather [hbm4b:s4+s15], $0x20, s12, s15, $0xb8;
	[tilespmem:$0x16C00] =	vst v63  }
0x39f: {  	_ =	swait.ge [sflag:s26], $0x1000  }
0x3a0: {  	[sflag:s26] =	ssyncset.done $0x0  }
0x3a1: {  	[sflag:s26] =	ssyncadd.s32 $0xFFFFF000  }
.LBB2_37:
0x3a2: {  	_ =	swait.ge [sflag:s14], $0x1000  }
0x3a3: {  	[sflag:s14] =	ssyncset.done $0x0  }
0x3a4: {  	[sflag:s14] =	ssyncadd.s32 $0xFFFFF000  }
.LBB2_38:
0x3a5: {  	s12 =	simm.s32 $0x0  }
0x3a6: {  	s20 =	simm.s32 $0x1;
	s13 =	simm.s32 $0x2;
	v17 =	vmov s12  }
0x3a7: {  	v18 =	vmov s20;
	s12 =	simm.s32 $0x3;
	v19 =	vmov s13;
	s13 =	simm.s32 $0x4;
	s20 =	simm.s32 $0x7;
	v17 =	vshrl.u32 v17, $0x3  }
0x3a8: {  	v20 =	vmov s12;
	v21 =	vmov s13;
	v22 =	vmov s20  }
0x3a9: {  	s12 =	simm.s32 $0x5;
	v18 =	vshrl.u32 v18, $0x3;
	v19 =	vshrl.u32 v19, $0x3;
	v22 =	vshrl.u32 v22, $0x3  }
0x3aa: {  	s13 =	simm.s32 $0x6;
	v23 =	vmov s12;
	v17 =	vshll.u32 v17, v1;
	v22 =	vshll.u32 v22, v1  }
0x3ab: {  	v24 =	vmov s13;
	v18 =	vshll.u32 v18, v1;
	v25 =	vbroadcast v22, $0x0  }
0x3ac: {  	v20 =	vshrl.u32 v20, $0x3;
	s12 =	simm.s32 $0xC480;
	v17 =	vbroadcast v17, $0x0;
	v30 =	vbroadcast v18, $0x0  }
0x3ad: {  	v18 =	vshll.u32 v19, v1;
	v19 =	vld [tilespmem:s12+$0x60];
	v22 =	vshrl.u32 v21, $0x3;
	v26 =	vadd.s32 v15, v25  }
0x3ae: {  	v27 =	vld [tilespmem:s12+$0xFFFFFF80];
	v36 =	vbroadcast v18, $0x0;
	v18 =	vshll.u32 v20, v1;
	v28 =	vadd.s32 v0, v17  }
0x3af: {  	v29 =	vld [tilespmem:s12+$0xFFFFFFA0];
	v31 =	vadd.s32 v3, v30;
	v21 =	vbroadcast v18, $0x0;
	v18 =	vshll.u32 v22, v1  }
0x3b0: {  	v32 =	vld [tilespmem:s12+$0xFFFFFFC0];
	v33 =	vadd.s32 v5, v36;
	v20 =	vbroadcast v18, $0x0;
	v18 =	vshrl.u32 v23, $0x3  }
0x3b1: {  	v34 =	vld [tilespmem:s12+$0xFFFFFFE0];
	v23 =	vshrl.u32 v24, $0x3;
	v39 =	vadd.s32 v7, v21;
	v18 =	vshll.u32 v18, v1  }
0x3b2: {  	s20 =	simm.s32 $0x8;
	v40 =	vld [tilespmem:s12+$0x0];
	v41 =	vadd.s32 v9, v20;
	v22 =	vbroadcast v18, $0x0;
	v18 =	vshll.u32 v23, v1;
	[tilespmem:v26+s24+$0x0] =	vst.idx.msk $0xffff, v19  }
0x3b3: {  	s13 =	simm.s32 $0xA;
	v25 =	vadd.s32 v16, v25;
	v23 =	vbroadcast v18, $0x0;
	[tilespmem:v28+s24+$0x0] =	vst.idx.msk $0xffff, v27;
	v19 =	vmov s20;
	s20 =	simm.s32 $0x9;
	v24 =	vld [tilespmem:s12+$0x70]  }
0x3b4: {  	v38 =	vmov s13;
	[tilespmem:v31+s24+$0x0] =	vst.idx.msk $0xffff, v29;
	v27 =	vadd.s32 v11, v22;
	v26 =	vld [tilespmem:s12+$0x20];
	v37 =	vmov s20;
	s20 =	simm.s32 $0xB  }
0x3b5: {  	v35 =	vadd.s32 v4, v30;
	v29 =	vld [tilespmem:s12+$0x40];
	[tilespmem:v33+s24+$0x0] =	vst.idx.msk $0xffff, v32;
	v31 =	vadd.s32 v13, v23;
	v28 =	vmov s20;
	s20 =	simm.s32 $0xD  }
0x3b6: {  	s13 =	simm.s32 $0xC;
	v36 =	vadd.s32 v6, v36;
	v33 =	vld [tilespmem:s12+$0xFFFFFFB0];
	v19 =	vshrl.u32 v19, $0x3;
	[tilespmem:v39+s24+$0x0] =	vst.idx.msk $0xffff, v34;
	v18 =	vmov s20;
	s20 =	simm.s32 $0xE  }
0x3b7: {  	s28 =	simm.s32 $0xF;
	v32 =	vmov s13;
	s13 =	simm.s32 $0x10;
	v34 =	vld [tilespmem:s12+$0xFFFFFFD0];
	v30 =	vshll.u32 v19, v1;
	[tilespmem:v41+s24+$0x0] =	vst.idx.msk $0xffff, v40;
	v19 =	vmov s20  }
.LBB2_39:
0x3b8: {  	p2 =	slt.u32 s13, $0x78;
	v37 =	vshrl.u32 v37, $0x3;
	v39 =	vmov s28;
	v40 =	vld [tilespmem:s12+$0xFFFFFFF0];
	v21 =	vadd.s32 v8, v21;
	[tilespmem:v25+s24+$0x0] =	vst.idx.msk $0xffff, v24  }
0x3b9: {  	v24 =	vshrl.u32 v38, $0x3;
	v20 =	vadd.s32 v10, v20;
	v25 =	vshrl.u32 v39, $0x3;
	v38 =	vld [tilespmem:s12+$0x10];
	[tilespmem:v27+s24+$0x0] =	vst.idx.msk $0xffff, v26  }
0x3ba: {  	v22 =	vadd.s32 v12, v22;
	v26 =	vshrl.u32 v28, $0x3;
	v25 =	vshll.u32 v25, v1;
	v27 =	vld [tilespmem:s12+$0x30];
	[tilespmem:v31+s24+$0x0] =	vst.idx.msk $0xffff, v29  }
0x3bb: {  	v23 =	vadd.s32 v14, v23;
	v28 =	vshrl.u32 v32, $0x3;
	v25 =	vbroadcast v25, $0x0;
	[tilespmem:v35+s24+$0x0] =	vst.idx.msk $0xffff, v33;
	v29 =	vld [tilespmem:s12+$0x50]  }
0x3bc: {  	v31 =	vshll.u32 v37, v1;
	v33 =	vadd.s32 v2, v17;
	v17 =	vbroadcast v30, $0x0;
	v32 =	vld [tilespmem:s12+$0xFFFFFF90];
	[tilespmem:v36+s24+$0x0] =	vst.idx.msk $0xffff, v34;
	s12 =	sadd.s32 $0x100, s12  }
0x3bd: {  	v24 =	vshll.u32 v24, v1;
	v30 =	vbroadcast v31, $0x0;
	v31 =	vld [tilespmem:s12+$0x60];
	v34 =	vadd.s32 v15, v25;
	[tilespmem:v21+s24+$0x0] =	vst.idx.msk $0xffff, v40  }
0x3be: {  	v39 =	vbroadcast v24, $0x0;
	v36 =	vadd.s32 v0, v17;
	v21 =	vshll.u32 v26, v1;
	v35 =	vld [tilespmem:s12+$0xFFFFFF80];
	[tilespmem:v20+s24+$0x0] =	vst.idx.msk $0xffff, v38  }
0x3bf: {  	v38 =	vadd.s32 v3, v30;
	v21 =	vbroadcast v21, $0x0;
	v20 =	vshll.u32 v28, v1;
	v26 =	vld [tilespmem:s12+$0xFFFFFFA0];
	[tilespmem:v22+s24+$0x0] =	vst.idx.msk $0xffff, v27  }
0x3c0: {  	v18 =	vshrl.u32 v18, $0x3;
	v41 =	vadd.s32 v5, v39;
	v20 =	vbroadcast v20, $0x0;
	v40 =	vld [tilespmem:s12+$0xFFFFFFC0];
	[tilespmem:v23+s24+$0x0] =	vst.idx.msk $0xffff, v29  }
0x3c1: {  	v19 =	vshrl.u32 v19, $0x3;
	v18 =	vshll.u32 v18, v1;
	v43 =	vadd.s32 v7, v21;
	v42 =	vld [tilespmem:s12+$0xFFFFFFE0];
	[tilespmem:v33+s24+$0x0] =	vst.idx.msk $0xffff, v32  }
0x3c2: {  	v22 =	vbroadcast v18, $0x0;
	v18 =	vshll.u32 v19, v1;
	v45 =	vadd.s32 v9, v20;
	v44 =	vld [tilespmem:s12+$0x0];
	[tilespmem:v34+s24+$0x0] =	vst.idx.msk $0xffff, v31  }
.Ltmp26:
0x3c3: {  	s20 =	sadd.s32 $0x1, s13;
	v25 =	vadd.s32 v16, v25;
	v19 =	vmov s13;
	v23 =	vbroadcast v18, $0x0;
	[tilespmem:v36+s24+$0x0] =	vst.idx.msk $0xffff, v35;
	v24 =	vld [tilespmem:s12+$0x70];
	(pc) =	sbr.rel @p2 .LBB2_39-.Ltmp26, $4  }
0x3c4: {  	s28 =	sadd.s32 $0x3, s13;
	v37 =	vmov s20;
	s20 =	sadd.s32 $0x2, s13;
	v19 =	vshrl.u32 v19, $0x3;
	v27 =	vadd.s32 v11, v22;
	[tilespmem:v38+s24+$0x0] =	vst.idx.msk $0xffff, v26;
	v26 =	vld [tilespmem:s12+$0x20]  }
0x3c5: {  	v28 =	vmov s28;
	s28 =	sadd.s32 $0x5, s13;
	v31 =	vadd.s32 v13, v23;
	v38 =	vmov s20;
	s20 =	sadd.s32 $0x4, s13;
	[tilespmem:v41+s24+$0x0] =	vst.idx.msk $0xffff, v40;
	v29 =	vld [tilespmem:s12+$0x40]  }
0x3c6: {  	v18 =	vmov s28;
	v35 =	vadd.s32 v4, v30;
	v32 =	vmov s20;
	s20 =	sadd.s32 $0x6, s13;
	v33 =	vld [tilespmem:s12+$0xFFFFFFB0];
	[tilespmem:v43+s24+$0x0] =	vst.idx.msk $0xffff, v42  }
0x3c7: {  	s28 =	sadd.s32 $0x7, s13;
	v30 =	vshll.u32 v19, v1;
	v36 =	vadd.s32 v6, v39;
	s13 =	sadd.s32 $0x8, s13;
	v19 =	vmov s20;
	v34 =	vld [tilespmem:s12+$0xFFFFFFD0];
	[tilespmem:v45+s24+$0x0] =	vst.idx.msk $0xffff, v44  }
0x3c8: {  	_ =	sdelay $0x2  }
0x3c9: {  	v37 =	vshrl.u32 v37, $0x3;
	v39 =	vmov s28  }
0x3ca: {  	v40 =	vld [tilespmem:s12+$0xFFFFFFF0];
	v21 =	vadd.s32 v8, v21;
	[tilespmem:v25+s24+$0x0] =	vst.idx.msk $0xffff, v24;
	v59 =	vshrl.u32 v38, $0x3;
	v20 =	vadd.s32 v10, v20  }
0x3cb: {  	v61 =	vld [tilespmem:s12+$0x10];
	v62 =	vshrl.u32 v28, $0x3;
	v22 =	vadd.s32 v12, v22;
	v63 =	vshrl.u32 v32, $0x3;
	[tilespmem:v27+s24+$0x0] =	vst.idx.msk $0xffff, v26  }
0x3cc: {  	v23 =	vadd.s32 v14, v23;
	v30 =	vbroadcast v30, $0x0;
	v41 =	vld [tilespmem:s12+$0xFFFFFF90];
	v17 =	vadd.s32 v2, v17;
	[tilespmem:v31+s24+$0x0] =	vst.idx.msk $0xffff, v29  }
0x3cd: {  	s28 =	sadd.s32 $0x100, s12;
	v18 =	vshrl.u32 v18, $0x3;
	v60 =	vshrl.u32 v39, $0x3;
	v39 =	vshll.u32 v37, v1;
	v27 =	vld [tilespmem:s12+$0x30];
	[tilespmem:v35+s24+$0x0] =	vst.idx.msk $0xffff, v33  }
0x3ce: {  	v24 =	vshll.u32 v59, v1;
	v44 =	vld [tilespmem:s28+$0xFFFFFF80];
	v31 =	vbroadcast v39, $0x0;
	v45 =	vadd.s32 v0, v30;
	[tilespmem:v36+s24+$0x0] =	vst.idx.msk $0xffff, v34  }
0x3cf: {  	v19 =	vshrl.u32 v19, $0x3;
	v26 =	vshll.u32 v62, v1;
	v24 =	vbroadcast v24, $0x0;
	v29 =	vld [tilespmem:s12+$0x50];
	[tilespmem:v21+s24+$0x0] =	vst.idx.msk $0xffff, v40  }
0x3d0: {  	v46 =	vld [tilespmem:s28+$0xFFFFFFA0];
	v18 =	vshll.u32 v18, v1;
	v26 =	vbroadcast v26, $0x0;
	v47 =	vadd.s32 v3, v31;
	[tilespmem:v20+s24+$0x0] =	vst.idx.msk $0xffff, v61  }
0x3d1: {  	v48 =	vld [tilespmem:s28+$0xFFFFFFC0];
	v19 =	vshll.u32 v19, v1;
	v18 =	vbroadcast v18, $0x0;
	v49 =	vadd.s32 v5, v24;
	[tilespmem:v17+s24+$0x0] =	vst.idx.msk $0xffff, v41  }
0x3d2: {  	v28 =	vshll.u32 v63, v1;
	v50 =	vld [tilespmem:s28+$0xFFFFFFE0];
	v19 =	vbroadcast v19, $0x0;
	v51 =	vadd.s32 v7, v26;
	[tilespmem:v22+s24+$0x0] =	vst.idx.msk $0xffff, v27  }
0x3d3: {  	v54 =	vld [tilespmem:s28+$0x20];
	v25 =	vshll.u32 v60, v1;
	v28 =	vbroadcast v28, $0x0;
	v55 =	vadd.s32 v11, v18;
	[tilespmem:v45+s24+$0x0] =	vst.idx.msk $0xffff, v44  }
0x3d4: {  	v56 =	vld [tilespmem:s28+$0x40];
	v25 =	vbroadcast v25, $0x0;
	v57 =	vadd.s32 v13, v19;
	[tilespmem:v23+s24+$0x0] =	vst.idx.msk $0xffff, v29  }
0x3d5: {  	v52 =	vadd.s32 v9, v28;
	v17 =	vld [tilespmem:s28+$0x0];
	[tilespmem:v47+s24+$0x0] =	vst.idx.msk $0xffff, v46  }
0x3d6: {  	v42 =	vld [tilespmem:s28+$0x60];
	v43 =	vadd.s32 v15, v25;
	[tilespmem:v49+s24+$0x0] =	vst.idx.msk $0xffff, v48  }
0x3d7: {  	v63 =	vadd.s32 v2, v30;
	v62 =	vld [tilespmem:s28+$0xFFFFFF90];
	[tilespmem:v51+s24+$0x0] =	vst.idx.msk $0xffff, v50  }
0x3d8: {  	v31 =	vadd.s32 v4, v31;
	[tilespmem:v55+s24+$0x0] =	vst.idx.msk $0xffff, v54;
	v58 =	vld [tilespmem:s28+$0xFFFFFFB0]  }
0x3d9: {  	v24 =	vadd.s32 v6, v24;
	[tilespmem:v57+s24+$0x0] =	vst.idx.msk $0xffff, v56;
	v59 =	vld [tilespmem:s28+$0xFFFFFFD0]  }
0x3da: {  	v26 =	vadd.s32 v8, v26;
	[tilespmem:v52+s24+$0x0] =	vst.idx.msk $0xffff, v17;
	v17 =	vld [tilespmem:s28+$0xFFFFFFF0]  }
0x3db: {  	v18 =	vadd.s32 v12, v18;
	[tilespmem:v43+s24+$0x0] =	vst.idx.msk $0xffff, v42;
	v20 =	vld [tilespmem:s28+$0x30]  }
0x3dc: {  	v19 =	vadd.s32 v14, v19;
	v22 =	vld [tilespmem:s28+$0x50];
	[tilespmem:v63+s24+$0x0] =	vst.idx.msk $0xffff, v62  }
0x3dd: {  	v25 =	vadd.s32 v16, v25;
	v53 =	vld [tilespmem:s28+$0x70];
	[tilespmem:v31+s24+$0x0] =	vst.idx.msk $0xffff, v58  }
0x3de: {  	v61 =	vadd.s32 v10, v28;
	v60 =	vld [tilespmem:s28+$0x10];
	[tilespmem:v24+s24+$0x0] =	vst.idx.msk $0xffff, v59  }
0x3df: {  	[tilespmem:v26+s24+$0x0] =	vst.idx.msk $0xffff, v17  }
0x3e0: {  	[tilespmem:v18+s24+$0x0] =	vst.idx.msk $0xffff, v20  }
0x3e1: {  	[tilespmem:v19+s24+$0x0] =	vst.idx.msk $0xffff, v22  }
0x3e2: {  	[tilespmem:v25+s24+$0x0] =	vst.idx.msk $0xffff, v53  }
0x3e3: {  	[tilespmem:v61+s24+$0x0] =	vst.idx.msk $0xffff, v60  }
0x3e4: {  	s13 =	rddreg [dreg:$0xa]  }
0x3e5: {  	s12 =	sadd.s32 s11, s13  }
0x3e6: {  	[hbm4b:s12+s3] =	stream.linear.scatter [tilespmem:s24], [sflag:$0xF], $0x80, $0x38;
	[tilespmem:$0x16C00] =	vst v63  }
0x3e7: {  	s20 =	simm.s32 $0x14A88;
	s13 =	sadd.s32 $0x10, s12  }
0x3e8: {  	[hbm4b:s13+s3] =	stream.linear.scatter [tilespmem:s20], [sflag:$0xF], $0x80, $0x38;
	[tilespmem:$0x16C00] =	vst v63  }
0x3e9: {  	s28 =	simm.s32 $0x14B10;
	s20 =	sadd.s32 $0x20, s12  }
0x3ea: {  	[hbm4b:s20+s3] =	stream.linear.scatter [tilespmem:s28], [sflag:$0xF], $0x80, $0x38;
	[tilespmem:$0x16C00] =	vst v63  }
0x3eb: {  	s20 =	sadd.s32 $0x30, s12;
	s28 =	simm.s32 $0x14B98  }
0x3ec: {  	[hbm4b:s20+s3] =	stream.linear.scatter [tilespmem:s28], [sflag:$0xF], $0x80, $0x38;
	[tilespmem:$0x16C00] =	vst v63  }
0x3ed: {  	s20 =	sadd.s32 $0x40, s12;
	s28 =	simm.s32 $0x14C20  }
0x3ee: {  	[hbm4b:s20+s3] =	stream.linear.scatter [tilespmem:s28], [sflag:$0xF], $0x80, $0x38;
	[tilespmem:$0x16C00] =	vst v63  }
0x3ef: {  	s20 =	sadd.s32 $0x50, s12;
	s28 =	simm.s32 $0x14CA8  }
0x3f0: {  	[hbm4b:s20+s3] =	stream.linear.scatter [tilespmem:s28], [sflag:$0xF], $0x80, $0x38;
	[tilespmem:$0x16C00] =	vst v63  }
0x3f1: {  	s20 =	sadd.s32 $0x60, s12;
	s28 =	simm.s32 $0x14D30  }
0x3f2: {  	[hbm4b:s20+s3] =	stream.linear.scatter [tilespmem:s28], [sflag:$0xF], $0x80, $0x38;
	[tilespmem:$0x16C00] =	vst v63  }
0x3f3: {  	s20 =	sadd.s32 $0x70, s12;
	s28 =	simm.s32 $0x14DB8  }
0x3f4: {  	[hbm4b:s20+s3] =	stream.linear.scatter [tilespmem:s28], [sflag:$0xF], $0x80, $0x38;
	[tilespmem:$0x16C00] =	vst v63  }
0x3f5: {  	s20 =	sadd.s32 $0x1000, s12;
	s28 =	simm.s32 $0x14E40  }
0x3f6: {  	[hbm4b:s20+s3] =	stream.linear.scatter [tilespmem:s28], [sflag:$0xF], $0x80, $0x38;
	[tilespmem:$0x16C00] =	vst v63  }
0x3f7: {  	s20 =	sadd.s32 $0x1010, s12;
	s28 =	simm.s32 $0x14EC8  }
0x3f8: {  	[hbm4b:s20+s3] =	stream.linear.scatter [tilespmem:s28], [sflag:$0xF], $0x80, $0x38;
	[tilespmem:$0x16C00] =	vst v63  }
0x3f9: {  	s20 =	sadd.s32 $0x1020, s12;
	s28 =	simm.s32 $0x14F50  }
0x3fa: {  	[hbm4b:s20+s3] =	stream.linear.scatter [tilespmem:s28], [sflag:$0xF], $0x80, $0x38;
	[tilespmem:$0x16C00] =	vst v63  }
0x3fb: {  	s20 =	sadd.s32 $0x1030, s12;
	s28 =	simm.s32 $0x14FD8  }
0x3fc: {  	[hbm4b:s20+s3] =	stream.linear.scatter [tilespmem:s28], [sflag:$0xF], $0x80, $0x38;
	[tilespmem:$0x16C00] =	vst v63  }
0x3fd: {  	s20 =	sadd.s32 $0x1040, s12;
	s28 =	simm.s32 $0x15060  }
0x3fe: {  	[hbm4b:s20+s3] =	stream.linear.scatter [tilespmem:s28], [sflag:$0xF], $0x80, $0x38;
	[tilespmem:$0x16C00] =	vst v63  }
0x3ff: {  	s20 =	sadd.s32 $0x1050, s12;
	s28 =	simm.s32 $0x150E8  }
0x400: {  	[hbm4b:s20+s3] =	stream.linear.scatter [tilespmem:s28], [sflag:$0xF], $0x80, $0x38;
	[tilespmem:$0x16C00] =	vst v63  }
0x401: {  	s20 =	sadd.s32 $0x1060, s12;
	s28 =	simm.s32 $0x15170  }
0x402: {  	[hbm4b:s20+s3] =	stream.linear.scatter [tilespmem:s28], [sflag:$0xF], $0x80, $0x38;
	[tilespmem:$0x16C00] =	vst v63  }
0x403: {  	s20 =	sadd.s32 $0x1070, s12;
	s28 =	simm.s32 $0x151F8  }
0x404: {  	[hbm4b:s20+s3] =	stream.linear.scatter [tilespmem:s28], [sflag:$0xF], $0x80, $0x38;
	[tilespmem:$0x16C00] =	vst v63  }
0x405: {  	s20 =	sadd.s32 $0x2000, s12;
	s28 =	simm.s32 $0x15280  }
0x406: {  	[hbm4b:s20+s3] =	stream.linear.scatter [tilespmem:s28], [sflag:$0xF], $0x80, $0x38;
	[tilespmem:$0x16C00] =	vst v63  }
0x407: {  	s20 =	sadd.s32 $0x2010, s12;
	s28 =	simm.s32 $0x15308  }
0x408: {  	[hbm4b:s20+s3] =	stream.linear.scatter [tilespmem:s28], [sflag:$0xF], $0x80, $0x38;
	[tilespmem:$0x16C00] =	vst v63  }
0x409: {  	s20 =	sadd.s32 $0x2020, s12;
	s28 =	simm.s32 $0x15390  }
0x40a: {  	[hbm4b:s20+s3] =	stream.linear.scatter [tilespmem:s28], [sflag:$0xF], $0x80, $0x38;
	[tilespmem:$0x16C00] =	vst v63  }
0x40b: {  	s20 =	sadd.s32 $0x2030, s12;
	s28 =	simm.s32 $0x15418  }
0x40c: {  	[hbm4b:s20+s3] =	stream.linear.scatter [tilespmem:s28], [sflag:$0xF], $0x80, $0x38;
	[tilespmem:$0x16C00] =	vst v63  }
0x40d: {  	s20 =	sadd.s32 $0x2040, s12;
	s28 =	simm.s32 $0x154A0  }
0x40e: {  	[hbm4b:s20+s3] =	stream.linear.scatter [tilespmem:s28], [sflag:$0xF], $0x80, $0x38;
	[tilespmem:$0x16C00] =	vst v63  }
0x40f: {  	s20 =	sadd.s32 $0x2050, s12;
	s28 =	simm.s32 $0x15528  }
0x410: {  	[hbm4b:s20+s3] =	stream.linear.scatter [tilespmem:s28], [sflag:$0xF], $0x80, $0x38;
	[tilespmem:$0x16C00] =	vst v63  }
0x411: {  	s20 =	sadd.s32 $0x2060, s12;
	s28 =	simm.s32 $0x155B0  }
0x412: {  	[hbm4b:s20+s3] =	stream.linear.scatter [tilespmem:s28], [sflag:$0xF], $0x80, $0x38;
	[tilespmem:$0x16C00] =	vst v63  }
0x413: {  	s20 =	sadd.s32 $0x2070, s12;
	s28 =	simm.s32 $0x15638  }
0x414: {  	[hbm4b:s20+s3] =	stream.linear.scatter [tilespmem:s28], [sflag:$0xF], $0x80, $0x38;
	[tilespmem:$0x16C00] =	vst v63  }
0x415: {  	s20 =	sadd.s32 $0x3000, s12;
	s28 =	simm.s32 $0x156C0  }
0x416: {  	[hbm4b:s20+s3] =	stream.linear.scatter [tilespmem:s28], [sflag:$0xF], $0x80, $0x38;
	[tilespmem:$0x16C00] =	vst v63  }
0x417: {  	s20 =	sadd.s32 $0x3010, s12;
	s28 =	simm.s32 $0x15748  }
0x418: {  	[hbm4b:s20+s3] =	stream.linear.scatter [tilespmem:s28], [sflag:$0xF], $0x80, $0x38;
	[tilespmem:$0x16C00] =	vst v63  }
0x419: {  	s20 =	sadd.s32 $0x3020, s12;
	s28 =	simm.s32 $0x157D0  }
0x41a: {  	[hbm4b:s20+s3] =	stream.linear.scatter [tilespmem:s28], [sflag:$0xF], $0x80, $0x38;
	[tilespmem:$0x16C00] =	vst v63  }
0x41b: {  	s20 =	sadd.s32 $0x3030, s12;
	s28 =	simm.s32 $0x15858  }
0x41c: {  	[hbm4b:s20+s3] =	stream.linear.scatter [tilespmem:s28], [sflag:$0xF], $0x80, $0x38;
	[tilespmem:$0x16C00] =	vst v63  }
0x41d: {  	s20 =	sadd.s32 $0x3040, s12;
	s28 =	simm.s32 $0x158E0  }
0x41e: {  	[hbm4b:s20+s3] =	stream.linear.scatter [tilespmem:s28], [sflag:$0xF], $0x80, $0x38;
	[tilespmem:$0x16C00] =	vst v63  }
0x41f: {  	s20 =	sadd.s32 $0x3050, s12;
	s28 =	simm.s32 $0x15968  }
0x420: {  	[hbm4b:s20+s3] =	stream.linear.scatter [tilespmem:s28], [sflag:$0xF], $0x80, $0x38;
	[tilespmem:$0x16C00] =	vst v63  }
.Ltmp27:
0x421: {  	_ = 	snop;
	(pc) =	sbr.rel @p1 .LBB2_42-.Ltmp27, $4  }
0x422: {  	s20 =	sadd.s32 $0x3060, s12;
	s28 =	simm.s32 $0x159F0  }
0x423: {  	[hbm4b:s20+s3] =	stream.linear.scatter [tilespmem:s28], [sflag:$0xF], $0x80, $0x38;
	[tilespmem:$0x16C00] =	vst v63  }
0x424: {  	s12 =	sadd.s32 $0x3070, s12;
	s28 =	simm.s32 $0x15A78  }
0x425: {  	[hbm4b:s12+s3] =	stream.linear.scatter [tilespmem:s28], [sflag:$0xF], $0x80, $0x38;
	[tilespmem:$0x16C00] =	vst v63  }
.Ltmp28:
0x426: {  	(pc) =	sbr.rel .LBB2_43-.Ltmp28, $4  }
0x427: {  	_ = 	snop  }
0x428: {  	_ =	swait.ge [sflag:s6], $0x1000  }
0x429: {  	[sflag:s6] =	ssyncset.done $0x0  }
0x42a: {  	[sflag:s6] =	ssyncadd.s32 $0xFFFFF000  }
.LBB2_42:
0x42b: {  	s12 =	sshrl.u32 s10, $0x2  }
.Ltmp29:
0x42c: {  	s13 =	simm.s32 $0xC400;
	s12 =	sadd.s32 $0x700, s12;
	(pc) =	sbr.rel @p0 .LBB2_44-.Ltmp29, $4  }
0x42d: {  	[tilespmem:s13], [sflag:$0x7] =	stream.indirect.gather [hbm4b:s4+s15], $0x20, s12, s15, $0xb8;
	[tilespmem:$0x16C00] =	vst v63  }
0x42e: {  	_ =	swait.ge [sflag:s6], $0x1000  }
0x42f: {  	[sflag:s6] =	ssyncset.done $0x0  }
0x430: {  	[sflag:s6] =	ssyncadd.s32 $0xFFFFF000  }
.LBB2_43:
0x431: {  	_ =	swait.ge [sflag:s7], $0x1000  }
0x432: {  	[sflag:s7] =	ssyncset.done $0x0  }
0x433: {  	[sflag:s7] =	ssyncadd.s32 $0xFFFFF000  }
.LBB2_44:
0x434: {  	s12 =	simm.s32 $0x0  }
0x435: {  	s20 =	simm.s32 $0x1;
	s13 =	simm.s32 $0x2;
	v17 =	vmov s12  }
0x436: {  	v18 =	vmov s20;
	s12 =	simm.s32 $0x3;
	v19 =	vmov s13;
	s13 =	simm.s32 $0x4;
	s20 =	simm.s32 $0x7;
	v17 =	vshrl.u32 v17, $0x3  }
0x437: {  	v20 =	vmov s12;
	v21 =	vmov s13;
	v22 =	vmov s20  }
0x438: {  	s12 =	simm.s32 $0x5;
	v18 =	vshrl.u32 v18, $0x3;
	v19 =	vshrl.u32 v19, $0x3;
	v22 =	vshrl.u32 v22, $0x3  }
0x439: {  	s13 =	simm.s32 $0x6;
	v23 =	vmov s12;
	v17 =	vshll.u32 v17, v1;
	v22 =	vshll.u32 v22, v1  }
0x43a: {  	v24 =	vmov s13;
	v18 =	vshll.u32 v18, v1;
	v25 =	vbroadcast v22, $0x0  }
0x43b: {  	v20 =	vshrl.u32 v20, $0x3;
	s12 =	simm.s32 $0xD480;
	v17 =	vbroadcast v17, $0x0;
	v30 =	vbroadcast v18, $0x0  }
0x43c: {  	v18 =	vshll.u32 v19, v1;
	v19 =	vld [tilespmem:s12+$0x60];
	v22 =	vshrl.u32 v21, $0x3;
	v26 =	vadd.s32 v15, v25  }
0x43d: {  	v27 =	vld [tilespmem:s12+$0xFFFFFF80];
	v37 =	vbroadcast v18, $0x0;
	v18 =	vshll.u32 v20, v1;
	v28 =	vadd.s32 v0, v17  }
0x43e: {  	v29 =	vld [tilespmem:s12+$0xFFFFFFA0];
	v31 =	vadd.s32 v3, v30;
	v21 =	vbroadcast v18, $0x0;
	v18 =	vshll.u32 v22, v1  }
0x43f: {  	v32 =	vld [tilespmem:s12+$0xFFFFFFC0];
	v33 =	vadd.s32 v5, v37;
	v20 =	vbroadcast v18, $0x0;
	v18 =	vshrl.u32 v23, $0x3  }
0x440: {  	v34 =	vld [tilespmem:s12+$0xFFFFFFE0];
	v23 =	vshrl.u32 v24, $0x3;
	v39 =	vadd.s32 v7, v21;
	v18 =	vshll.u32 v18, v1  }
0x441: {  	s20 =	simm.s32 $0x8;
	v40 =	vld [tilespmem:s12+$0x0];
	v41 =	vadd.s32 v9, v20;
	v22 =	vbroadcast v18, $0x0;
	v18 =	vshll.u32 v23, v1;
	[tilespmem:v26+s8+$0x0] =	vst.idx.msk $0xffff, v19  }
0x442: {  	s13 =	simm.s32 $0xA;
	v25 =	vadd.s32 v16, v25;
	v23 =	vbroadcast v18, $0x0;
	[tilespmem:v28+s8+$0x0] =	vst.idx.msk $0xffff, v27;
	v19 =	vmov s20;
	s20 =	simm.s32 $0x9;
	v24 =	vld [tilespmem:s12+$0x70]  }
0x443: {  	v38 =	vmov s13;
	[tilespmem:v31+s8+$0x0] =	vst.idx.msk $0xffff, v29;
	v27 =	vadd.s32 v11, v22;
	v26 =	vld [tilespmem:s12+$0x20];
	v35 =	vmov s20;
	s20 =	simm.s32 $0xB  }
0x444: {  	v36 =	vadd.s32 v4, v30;
	v29 =	vld [tilespmem:s12+$0x40];
	[tilespmem:v33+s8+$0x0] =	vst.idx.msk $0xffff, v32;
	v31 =	vadd.s32 v13, v23;
	v28 =	vmov s20;
	s20 =	simm.s32 $0xD  }
0x445: {  	s13 =	simm.s32 $0xC;
	v37 =	vadd.s32 v6, v37;
	v33 =	vld [tilespmem:s12+$0xFFFFFFB0];
	v19 =	vshrl.u32 v19, $0x3;
	[tilespmem:v39+s8+$0x0] =	vst.idx.msk $0xffff, v34;
	v18 =	vmov s20;
	s20 =	simm.s32 $0xE  }
0x446: {  	s28 =	simm.s32 $0xF;
	v32 =	vmov s13;
	s13 =	simm.s32 $0x10;
	v34 =	vld [tilespmem:s12+$0xFFFFFFD0];
	v30 =	vshll.u32 v19, v1;
	[tilespmem:v41+s8+$0x0] =	vst.idx.msk $0xffff, v40;
	v19 =	vmov s20  }
.LBB2_45:
0x447: {  	p0 =	slt.u32 s13, $0x78;
	v35 =	vshrl.u32 v35, $0x3;
	v39 =	vmov s28;
	v40 =	vld [tilespmem:s12+$0xFFFFFFF0];
	v21 =	vadd.s32 v8, v21;
	[tilespmem:v25+s8+$0x0] =	vst.idx.msk $0xffff, v24  }
0x448: {  	v24 =	vshrl.u32 v38, $0x3;
	v20 =	vadd.s32 v10, v20;
	v25 =	vshrl.u32 v39, $0x3;
	v38 =	vld [tilespmem:s12+$0x10];
	[tilespmem:v27+s8+$0x0] =	vst.idx.msk $0xffff, v26  }
0x449: {  	v22 =	vadd.s32 v12, v22;
	v26 =	vshrl.u32 v28, $0x3;
	v25 =	vshll.u32 v25, v1;
	v27 =	vld [tilespmem:s12+$0x30];
	[tilespmem:v31+s8+$0x0] =	vst.idx.msk $0xffff, v29  }
0x44a: {  	v23 =	vadd.s32 v14, v23;
	v28 =	vshrl.u32 v32, $0x3;
	v25 =	vbroadcast v25, $0x0;
	[tilespmem:v36+s8+$0x0] =	vst.idx.msk $0xffff, v33;
	v29 =	vld [tilespmem:s12+$0x50]  }
0x44b: {  	v31 =	vshll.u32 v35, v1;
	v33 =	vadd.s32 v2, v17;
	v17 =	vbroadcast v30, $0x0;
	v32 =	vld [tilespmem:s12+$0xFFFFFF90];
	[tilespmem:v37+s8+$0x0] =	vst.idx.msk $0xffff, v34;
	s12 =	sadd.s32 $0x100, s12  }
0x44c: {  	v24 =	vshll.u32 v24, v1;
	v30 =	vbroadcast v31, $0x0;
	v31 =	vld [tilespmem:s12+$0x60];
	v34 =	vadd.s32 v15, v25;
	[tilespmem:v21+s8+$0x0] =	vst.idx.msk $0xffff, v40  }
0x44d: {  	v37 =	vbroadcast v24, $0x0;
	v36 =	vadd.s32 v0, v17;
	v21 =	vshll.u32 v26, v1;
	v35 =	vld [tilespmem:s12+$0xFFFFFF80];
	[tilespmem:v20+s8+$0x0] =	vst.idx.msk $0xffff, v38  }
0x44e: {  	v38 =	vadd.s32 v3, v30;
	v21 =	vbroadcast v21, $0x0;
	v20 =	vshll.u32 v28, v1;
	v26 =	vld [tilespmem:s12+$0xFFFFFFA0];
	[tilespmem:v22+s8+$0x0] =	vst.idx.msk $0xffff, v27  }
0x44f: {  	v18 =	vshrl.u32 v18, $0x3;
	v40 =	vadd.s32 v5, v37;
	v20 =	vbroadcast v20, $0x0;
	v39 =	vld [tilespmem:s12+$0xFFFFFFC0];
	[tilespmem:v23+s8+$0x0] =	vst.idx.msk $0xffff, v29  }
0x450: {  	v19 =	vshrl.u32 v19, $0x3;
	v18 =	vshll.u32 v18, v1;
	v42 =	vadd.s32 v7, v21;
	v41 =	vld [tilespmem:s12+$0xFFFFFFE0];
	[tilespmem:v33+s8+$0x0] =	vst.idx.msk $0xffff, v32  }
0x451: {  	v22 =	vbroadcast v18, $0x0;
	v18 =	vshll.u32 v19, v1;
	v44 =	vadd.s32 v9, v20;
	v43 =	vld [tilespmem:s12+$0x0];
	[tilespmem:v34+s8+$0x0] =	vst.idx.msk $0xffff, v31  }
.Ltmp30:
0x452: {  	s20 =	sadd.s32 $0x1, s13;
	v25 =	vadd.s32 v16, v25;
	v19 =	vmov s13;
	v23 =	vbroadcast v18, $0x0;
	[tilespmem:v36+s8+$0x0] =	vst.idx.msk $0xffff, v35;
	v24 =	vld [tilespmem:s12+$0x70];
	(pc) =	sbr.rel @p0 .LBB2_45-.Ltmp30, $4  }
0x453: {  	s28 =	sadd.s32 $0x3, s13;
	v19 =	vshrl.u32 v19, $0x3;
	v27 =	vadd.s32 v11, v22;
	v35 =	vmov s20;
	s20 =	sadd.s32 $0x2, s13;
	[tilespmem:v38+s8+$0x0] =	vst.idx.msk $0xffff, v26;
	v26 =	vld [tilespmem:s12+$0x20]  }
0x454: {  	v28 =	vmov s28;
	s28 =	sadd.s32 $0x5, s13;
	v31 =	vadd.s32 v13, v23;
	v38 =	vmov s20;
	s20 =	sadd.s32 $0x4, s13;
	[tilespmem:v40+s8+$0x0] =	vst.idx.msk $0xffff, v39;
	v29 =	vld [tilespmem:s12+$0x40]  }
0x455: {  	v18 =	vmov s28;
	v36 =	vadd.s32 v4, v30;
	v32 =	vmov s20;
	s20 =	sadd.s32 $0x6, s13;
	v33 =	vld [tilespmem:s12+$0xFFFFFFB0];
	[tilespmem:v42+s8+$0x0] =	vst.idx.msk $0xffff, v41  }
0x456: {  	v37 =	vadd.s32 v6, v37;
	s28 =	sadd.s32 $0x7, s13;
	v30 =	vshll.u32 v19, v1;
	s13 =	sadd.s32 $0x8, s13;
	v19 =	vmov s20;
	v34 =	vld [tilespmem:s12+$0xFFFFFFD0];
	[tilespmem:v44+s8+$0x0] =	vst.idx.msk $0xffff, v43  }
0x457: {  	_ =	sdelay $0x2  }
0x458: {  	v39 =	vmov s28;
	v35 =	vshrl.u32 v35, $0x3  }
0x459: {  	v40 =	vld [tilespmem:s12+$0xFFFFFFF0];
	v21 =	vadd.s32 v8, v21;
	[tilespmem:v25+s8+$0x0] =	vst.idx.msk $0xffff, v24;
	v59 =	vshrl.u32 v38, $0x3;
	v20 =	vadd.s32 v10, v20  }
0x45a: {  	v61 =	vld [tilespmem:s12+$0x10];
	v62 =	vshrl.u32 v28, $0x3;
	v22 =	vadd.s32 v12, v22;
	v63 =	vshrl.u32 v32, $0x3;
	[tilespmem:v27+s8+$0x0] =	vst.idx.msk $0xffff, v26  }
0x45b: {  	v23 =	vadd.s32 v14, v23;
	v30 =	vbroadcast v30, $0x0;
	v41 =	vld [tilespmem:s12+$0xFFFFFF90];
	v17 =	vadd.s32 v2, v17;
	[tilespmem:v31+s8+$0x0] =	vst.idx.msk $0xffff, v29  }
0x45c: {  	s28 =	sadd.s32 $0x100, s12;
	v18 =	vshrl.u32 v18, $0x3;
	v60 =	vshrl.u32 v39, $0x3;
	v39 =	vshll.u32 v35, v1;
	v27 =	vld [tilespmem:s12+$0x30];
	[tilespmem:v36+s8+$0x0] =	vst.idx.msk $0xffff, v33  }
0x45d: {  	v24 =	vshll.u32 v59, v1;
	v44 =	vld [tilespmem:s28+$0xFFFFFF80];
	v31 =	vbroadcast v39, $0x0;
	v45 =	vadd.s32 v0, v30;
	[tilespmem:v37+s8+$0x0] =	vst.idx.msk $0xffff, v34  }
0x45e: {  	v19 =	vshrl.u32 v19, $0x3;
	v26 =	vshll.u32 v62, v1;
	v24 =	vbroadcast v24, $0x0;
	v29 =	vld [tilespmem:s12+$0x50];
	[tilespmem:v21+s8+$0x0] =	vst.idx.msk $0xffff, v40  }
0x45f: {  	v46 =	vld [tilespmem:s28+$0xFFFFFFA0];
	v18 =	vshll.u32 v18, v1;
	v26 =	vbroadcast v26, $0x0;
	v47 =	vadd.s32 v3, v31;
	[tilespmem:v20+s8+$0x0] =	vst.idx.msk $0xffff, v61  }
0x460: {  	v48 =	vld [tilespmem:s28+$0xFFFFFFC0];
	v19 =	vshll.u32 v19, v1;
	v18 =	vbroadcast v18, $0x0;
	v49 =	vadd.s32 v5, v24;
	[tilespmem:v17+s8+$0x0] =	vst.idx.msk $0xffff, v41  }
0x461: {  	v28 =	vshll.u32 v63, v1;
	v50 =	vld [tilespmem:s28+$0xFFFFFFE0];
	v19 =	vbroadcast v19, $0x0;
	v51 =	vadd.s32 v7, v26;
	[tilespmem:v22+s8+$0x0] =	vst.idx.msk $0xffff, v27  }
0x462: {  	v54 =	vld [tilespmem:s28+$0x20];
	v25 =	vshll.u32 v60, v1;
	v28 =	vbroadcast v28, $0x0;
	v55 =	vadd.s32 v11, v18;
	[tilespmem:v45+s8+$0x0] =	vst.idx.msk $0xffff, v44  }
0x463: {  	v56 =	vld [tilespmem:s28+$0x40];
	v25 =	vbroadcast v25, $0x0;
	v57 =	vadd.s32 v13, v19;
	[tilespmem:v23+s8+$0x0] =	vst.idx.msk $0xffff, v29  }
0x464: {  	v52 =	vadd.s32 v9, v28;
	v17 =	vld [tilespmem:s28+$0x0];
	[tilespmem:v47+s8+$0x0] =	vst.idx.msk $0xffff, v46  }
0x465: {  	v42 =	vld [tilespmem:s28+$0x60];
	v43 =	vadd.s32 v15, v25;
	[tilespmem:v49+s8+$0x0] =	vst.idx.msk $0xffff, v48  }
0x466: {  	v63 =	vadd.s32 v2, v30;
	v62 =	vld [tilespmem:s28+$0xFFFFFF90];
	[tilespmem:v51+s8+$0x0] =	vst.idx.msk $0xffff, v50  }
0x467: {  	v31 =	vadd.s32 v4, v31;
	[tilespmem:v55+s8+$0x0] =	vst.idx.msk $0xffff, v54;
	v58 =	vld [tilespmem:s28+$0xFFFFFFB0]  }
0x468: {  	v24 =	vadd.s32 v6, v24;
	[tilespmem:v57+s8+$0x0] =	vst.idx.msk $0xffff, v56;
	v59 =	vld [tilespmem:s28+$0xFFFFFFD0]  }
0x469: {  	v26 =	vadd.s32 v8, v26;
	[tilespmem:v52+s8+$0x0] =	vst.idx.msk $0xffff, v17;
	v17 =	vld [tilespmem:s28+$0xFFFFFFF0]  }
0x46a: {  	v18 =	vadd.s32 v12, v18;
	[tilespmem:v43+s8+$0x0] =	vst.idx.msk $0xffff, v42;
	v20 =	vld [tilespmem:s28+$0x30]  }
0x46b: {  	v19 =	vadd.s32 v14, v19;
	v22 =	vld [tilespmem:s28+$0x50];
	[tilespmem:v63+s8+$0x0] =	vst.idx.msk $0xffff, v62  }
0x46c: {  	v25 =	vadd.s32 v16, v25;
	v53 =	vld [tilespmem:s28+$0x70];
	[tilespmem:v31+s8+$0x0] =	vst.idx.msk $0xffff, v58  }
0x46d: {  	v61 =	vadd.s32 v10, v28;
	v60 =	vld [tilespmem:s28+$0x10];
	[tilespmem:v24+s8+$0x0] =	vst.idx.msk $0xffff, v59  }
0x46e: {  	[tilespmem:v26+s8+$0x0] =	vst.idx.msk $0xffff, v17  }
0x46f: {  	[tilespmem:v18+s8+$0x0] =	vst.idx.msk $0xffff, v20  }
0x470: {  	[tilespmem:v19+s8+$0x0] =	vst.idx.msk $0xffff, v22  }
0x471: {  	[tilespmem:v25+s8+$0x0] =	vst.idx.msk $0xffff, v53  }
0x472: {  	[tilespmem:v61+s8+$0x0] =	vst.idx.msk $0xffff, v60  }
0x473: {  	s13 =	rddreg [dreg:$0xb]  }
0x474: {  	s11 =	sadd.s32 s11, s13  }
0x475: {  	[hbm4b:s11+s3] =	stream.linear.scatter [tilespmem:s8], [sflag:$0x10], $0x80, $0x38;
	[tilespmem:$0x16C00] =	vst v63  }
0x476: {  	s13 =	simm.s32 $0x15B88;
	s12 =	sadd.s32 $0x10, s11  }
0x477: {  	[hbm4b:s12+s3] =	stream.linear.scatter [tilespmem:s13], [sflag:$0x10], $0x80, $0x38;
	[tilespmem:$0x16C00] =	vst v63  }
0x478: {  	s28 =	simm.s32 $0x15C10;
	s20 =	sadd.s32 $0x20, s11  }
0x479: {  	[hbm4b:s20+s3] =	stream.linear.scatter [tilespmem:s28], [sflag:$0x10], $0x80, $0x38;
	[tilespmem:$0x16C00] =	vst v63  }
0x47a: {  	s20 =	sadd.s32 $0x30, s11;
	s28 =	simm.s32 $0x15C98  }
0x47b: {  	[hbm4b:s20+s3] =	stream.linear.scatter [tilespmem:s28], [sflag:$0x10], $0x80, $0x38;
	[tilespmem:$0x16C00] =	vst v63  }
0x47c: {  	s20 =	sadd.s32 $0x40, s11;
	s28 =	simm.s32 $0x15D20  }
0x47d: {  	[hbm4b:s20+s3] =	stream.linear.scatter [tilespmem:s28], [sflag:$0x10], $0x80, $0x38;
	[tilespmem:$0x16C00] =	vst v63  }
0x47e: {  	s20 =	sadd.s32 $0x50, s11;
	s28 =	simm.s32 $0x15DA8  }
0x47f: {  	[hbm4b:s20+s3] =	stream.linear.scatter [tilespmem:s28], [sflag:$0x10], $0x80, $0x38;
	[tilespmem:$0x16C00] =	vst v63  }
0x480: {  	s20 =	sadd.s32 $0x60, s11;
	s28 =	simm.s32 $0x15E30  }
0x481: {  	[hbm4b:s20+s3] =	stream.linear.scatter [tilespmem:s28], [sflag:$0x10], $0x80, $0x38;
	[tilespmem:$0x16C00] =	vst v63  }
0x482: {  	s20 =	sadd.s32 $0x70, s11;
	s28 =	simm.s32 $0x15EB8  }
0x483: {  	[hbm4b:s20+s3] =	stream.linear.scatter [tilespmem:s28], [sflag:$0x10], $0x80, $0x38;
	[tilespmem:$0x16C00] =	vst v63  }
0x484: {  	s20 =	sadd.s32 $0x1000, s11;
	s28 =	simm.s32 $0x15F40  }
0x485: {  	[hbm4b:s20+s3] =	stream.linear.scatter [tilespmem:s28], [sflag:$0x10], $0x80, $0x38;
	[tilespmem:$0x16C00] =	vst v63  }
0x486: {  	s20 =	sadd.s32 $0x1010, s11;
	s28 =	simm.s32 $0x15FC8  }
0x487: {  	[hbm4b:s20+s3] =	stream.linear.scatter [tilespmem:s28], [sflag:$0x10], $0x80, $0x38;
	[tilespmem:$0x16C00] =	vst v63  }
0x488: {  	s20 =	sadd.s32 $0x1020, s11;
	s28 =	simm.s32 $0x16050  }
0x489: {  	[hbm4b:s20+s3] =	stream.linear.scatter [tilespmem:s28], [sflag:$0x10], $0x80, $0x38;
	[tilespmem:$0x16C00] =	vst v63  }
0x48a: {  	s20 =	sadd.s32 $0x1030, s11;
	s28 =	simm.s32 $0x160D8  }
0x48b: {  	[hbm4b:s20+s3] =	stream.linear.scatter [tilespmem:s28], [sflag:$0x10], $0x80, $0x38;
	[tilespmem:$0x16C00] =	vst v63  }
0x48c: {  	s20 =	sadd.s32 $0x1040, s11;
	s28 =	simm.s32 $0x16160  }
0x48d: {  	[hbm4b:s20+s3] =	stream.linear.scatter [tilespmem:s28], [sflag:$0x10], $0x80, $0x38;
	[tilespmem:$0x16C00] =	vst v63  }
0x48e: {  	s20 =	sadd.s32 $0x1050, s11;
	s28 =	simm.s32 $0x161E8  }
0x48f: {  	[hbm4b:s20+s3] =	stream.linear.scatter [tilespmem:s28], [sflag:$0x10], $0x80, $0x38;
	[tilespmem:$0x16C00] =	vst v63  }
0x490: {  	s20 =	sadd.s32 $0x1060, s11;
	s28 =	simm.s32 $0x16270  }
0x491: {  	[hbm4b:s20+s3] =	stream.linear.scatter [tilespmem:s28], [sflag:$0x10], $0x80, $0x38;
	[tilespmem:$0x16C00] =	vst v63  }
0x492: {  	s20 =	sadd.s32 $0x1070, s11;
	s28 =	simm.s32 $0x162F8  }
0x493: {  	[hbm4b:s20+s3] =	stream.linear.scatter [tilespmem:s28], [sflag:$0x10], $0x80, $0x38;
	[tilespmem:$0x16C00] =	vst v63  }
0x494: {  	s20 =	sadd.s32 $0x2000, s11;
	s28 =	simm.s32 $0x16380  }
0x495: {  	[hbm4b:s20+s3] =	stream.linear.scatter [tilespmem:s28], [sflag:$0x10], $0x80, $0x38;
	[tilespmem:$0x16C00] =	vst v63  }
0x496: {  	s20 =	sadd.s32 $0x2010, s11;
	s28 =	simm.s32 $0x16408  }
0x497: {  	[hbm4b:s20+s3] =	stream.linear.scatter [tilespmem:s28], [sflag:$0x10], $0x80, $0x38;
	[tilespmem:$0x16C00] =	vst v63  }
0x498: {  	s20 =	sadd.s32 $0x2020, s11;
	s28 =	simm.s32 $0x16490  }
0x499: {  	[hbm4b:s20+s3] =	stream.linear.scatter [tilespmem:s28], [sflag:$0x10], $0x80, $0x38;
	[tilespmem:$0x16C00] =	vst v63  }
0x49a: {  	s20 =	sadd.s32 $0x2030, s11;
	s28 =	simm.s32 $0x16518  }
0x49b: {  	[hbm4b:s20+s3] =	stream.linear.scatter [tilespmem:s28], [sflag:$0x10], $0x80, $0x38;
	[tilespmem:$0x16C00] =	vst v63  }
0x49c: {  	s20 =	sadd.s32 $0x2040, s11;
	s28 =	simm.s32 $0x165A0  }
0x49d: {  	[hbm4b:s20+s3] =	stream.linear.scatter [tilespmem:s28], [sflag:$0x10], $0x80, $0x38;
	[tilespmem:$0x16C00] =	vst v63  }
0x49e: {  	s20 =	sadd.s32 $0x2050, s11;
	s28 =	simm.s32 $0x16628  }
0x49f: {  	[hbm4b:s20+s3] =	stream.linear.scatter [tilespmem:s28], [sflag:$0x10], $0x80, $0x38;
	[tilespmem:$0x16C00] =	vst v63  }
0x4a0: {  	s20 =	sadd.s32 $0x2060, s11;
	s28 =	simm.s32 $0x166B0  }
0x4a1: {  	[hbm4b:s20+s3] =	stream.linear.scatter [tilespmem:s28], [sflag:$0x10], $0x80, $0x38;
	[tilespmem:$0x16C00] =	vst v63  }
0x4a2: {  	s20 =	sadd.s32 $0x2070, s11;
	s28 =	simm.s32 $0x16738  }
0x4a3: {  	[hbm4b:s20+s3] =	stream.linear.scatter [tilespmem:s28], [sflag:$0x10], $0x80, $0x38;
	[tilespmem:$0x16C00] =	vst v63  }
0x4a4: {  	s20 =	sadd.s32 $0x3000, s11;
	s28 =	simm.s32 $0x167C0  }
0x4a5: {  	[hbm4b:s20+s3] =	stream.linear.scatter [tilespmem:s28], [sflag:$0x10], $0x80, $0x38;
	[tilespmem:$0x16C00] =	vst v63  }
0x4a6: {  	s20 =	sadd.s32 $0x3010, s11;
	s28 =	simm.s32 $0x16848  }
0x4a7: {  	[hbm4b:s20+s3] =	stream.linear.scatter [tilespmem:s28], [sflag:$0x10], $0x80, $0x38;
	[tilespmem:$0x16C00] =	vst v63  }
0x4a8: {  	s20 =	sadd.s32 $0x3020, s11;
	s28 =	simm.s32 $0x168D0  }
0x4a9: {  	[hbm4b:s20+s3] =	stream.linear.scatter [tilespmem:s28], [sflag:$0x10], $0x80, $0x38;
	[tilespmem:$0x16C00] =	vst v63  }
0x4aa: {  	s20 =	sadd.s32 $0x3030, s11;
	s28 =	simm.s32 $0x16958  }
0x4ab: {  	[hbm4b:s20+s3] =	stream.linear.scatter [tilespmem:s28], [sflag:$0x10], $0x80, $0x38;
	[tilespmem:$0x16C00] =	vst v63  }
0x4ac: {  	s20 =	sadd.s32 $0x3040, s11;
	s28 =	simm.s32 $0x169E0  }
0x4ad: {  	[hbm4b:s20+s3] =	stream.linear.scatter [tilespmem:s28], [sflag:$0x10], $0x80, $0x38;
	[tilespmem:$0x16C00] =	vst v63  }
0x4ae: {  	p0 =	seq.s32 s9, $0x18;
	s20 =	sadd.s32 $0x3050, s11;
	s28 =	simm.s32 $0x16A68  }
0x4af: {  	[hbm4b:s20+s3] =	stream.linear.scatter [tilespmem:s28], [sflag:$0x10], $0x80, $0x38;
	[tilespmem:$0x16C00] =	vst v63  }
.Ltmp31:
0x4b0: {  	_ = 	snop;
	(pc) =	sbr.rel @p0 .LBB2_48-.Ltmp31, $4  }
0x4b1: {  	s13 =	sadd.s32 $0x3060, s11;
	s20 =	simm.s32 $0x16AF0  }
0x4b2: {  	[hbm4b:s13+s3] =	stream.linear.scatter [tilespmem:s20], [sflag:$0x10], $0x80, $0x38;
	[tilespmem:$0x16C00] =	vst v63  }
0x4b3: {  	s11 =	sadd.s32 $0x3070, s11;
	s28 =	simm.s32 $0x16B78  }
0x4b4: {  	[hbm4b:s11+s3] =	stream.linear.scatter [tilespmem:s28], [sflag:$0x10], $0x80, $0x38;
	[tilespmem:$0x16C00] =	vst v63  }
.Ltmp32:
0x4b5: {  	(pc) =	sbr.rel .LBB2_2-.Ltmp32, $4  }
0x4b6: {  	_ = 	snop  }
0x4b7: {  	s10 =	sshrl.u32 s10, $0x2  }
0x4b8: {  	s11 =	simm.s32 $0xD400;
	s9 =	sadd.s32 $0x1, s9;
	s10 =	sadd.s32 $0x780, s10  }
0x4b9: {  	[tilespmem:s11], [sflag:$0x8] =	stream.indirect.gather [hbm4b:s4+s15], $0x20, s10, s15, $0xb8;
	[tilespmem:$0x16C00] =	vst v63  }
.LBB2_49:
0x4ba: {  	_ =	sfence.sel $0x180000  }
0x4bb: {  	[bflag:$0x0] =	sbarrier.arrive $0xFFFF  }
0x4bc: {  	_ =	strace $0x90000047  }
0x4bd: {  	s0 =	stileid.u32;
	[bflag:$0x2] =	sbarrier.arrive $0xFFFF  }
0x4be: {  	p0 =	sne.s32 s0, $0x0;
	s0 =	rddreg [dreg:$0x2]  }
0x4bf: {  	s0 =	sadd.s32 @!p0 $0x100000, s0  }
0x4c0: {  	[sflag:s0] =	ssyncadd.tile.s32 @!p0 $0x1;
	_ =	shalt  }
.Lfunc_end2:
_tile_overlayer_lowered:
.L_overlay_start_2:
0x4c1: {  	(tag) =	ssettag $0x2  }
0x4c2: {  	s0 =	rddreg [dreg:$0x0];
	s2 =	stileid.u32  }
0x4c3: {  	s1 =	rddreg [dreg:$0x1];
	p0 =	sne.s32 s2, $0x0  }
0x4c4: {  	s3 =	rddreg [dreg:$0x2];
	[bflag:$0x3] =	sbarrier.arrive $0xFFFF;
	s2 =	simm.s32 @!p0 $0x1C11  }
0x4c5: {  	[timem:s3], [sflag:s2] =	dma.local @!p0 [hbm:s0], s1  }
0x4c6: {  	s0 =	simm.s32 @!p0 $0x11  }
0x4c7: {  	_ =	swait.ge @!p0 [sflag:s0], s1  }
0x4c8: {  	s1 =	ssub.s32 @!p0 $0x0, s1;
	[sflag:s0] =	ssyncset.done @!p0 $0x0  }
0x4c9: {  	[sflag:s0] =	ssyncadd.s32 @!p0 s1  }
0x4ca: {  	[bflag:$0x3] =	sbarrier.arrive $0xFFFF  }
0x4cb: {  	_ =	shalt  }

</sc_bundles>
